<compile_context>
chip_gen: v7x
topology: tpu7x:2x2x1
jax: 0.10.2.dev20260603
libtpu: 0.0.44.dev20260713+nightly
codegen_flags: <defaults>
</compile_context>

<pallas_src>
import functools

import jax
import jax.numpy as jnp
from jax import lax
from jax.experimental import pallas as pl
from jax.experimental.pallas import tpu as pltpu
from jax.experimental.pallas import tpu_sc as plsc

BATCH = 4096
SEQ = 200
D = 64
NC, NS, LANES = 2, 16, 16
NW = NC * NS
BBLK = BATCH // NW
DV = D // LANES
SB = 8
SEQT = SEQ // SB


def _sc_body(x_hbm, w_hbm, p_hbm, out_hbm,
             x_v, p_v, g0, g1, o0, o1, gs0, gs1, ss0, ss1):
    gbufs = (g0, g1)
    obufs = (o0, o1)
    gsems = (gs0, gs1)
    ssems = (ss0, ss1)
    wid = lax.axis_index("s") * NC + lax.axis_index("c")
    pltpu.sync_copy(p_hbm, p_v)
    pltpu.sync_copy(x_hbm.at[:, wid], x_v)

    def issue_gather(s, k):
        pltpu.async_copy(
            w_hbm.at[x_v.at[s // SB, lax.rem(s, SB)]], gbufs[k], gsems[k]
        )

    def drain_gather(k):
        pltpu.make_async_copy(
            w_hbm.at[x_v.at[0, 0]], gbufs[k], gsems[k]
        ).wait()

    def issue_store(s, k):
        pltpu.async_copy(obufs[k], out_hbm.at[s, :, wid], ssems[k])

    def wait_store(k):
        pltpu.make_async_copy(obufs[k], out_hbm.at[0, :, wid], ssems[k]).wait()

    lane = lax.iota(jnp.int32, LANES)
    dvecs = [lane + (c * LANES) for c in range(DV)]
    dhi = [dvecs[c] // SB for c in range(DV)]
    dlo = [lax.rem(dvecs[c], SB) for c in range(DV)]
    rots = [lax.rem(lane + k, LANES) for k in range(LANES)]

    issue_gather(0, 0)

    @pl.loop(0, SEQ, step=2)
    def _pos(s0):
        for kb in range(2):
            s = s0 + kb
            gk = kb
            ok = kb

            @pl.when(s + 1 < SEQ)
            def _():
                issue_gather(s + 1, 1 - kb)
                @pl.when(s >= 1)
                def _():
                    wait_store(1 - kb)

            drain_gather(gk)

            pvec = [p_v[s, pl.ds(c * LANES, LANES)] for c in range(DV)]

            @pl.loop(0, BBLK // LANES)
            def _blk(jb):
                jv = jnp.full((LANES,), jb * LANES, dtype=jnp.int32)
                rvs = [jv + rots[k] for k in range(LANES)]
                for k in range(LANES):
                    vals = [
                        plsc.load_gather(gbufs[gk], [rvs[k], dvecs[c]])
                        for c in range(DV)
                    ]
                    vals = [vals[c] + pvec[c] for c in range(DV)]
                    for c in range(DV):
                        plsc.store_scatter(
                            obufs[ok], [dhi[c], dlo[c], rvs[k]], vals[c]
                        )

            issue_store(s, ok)

    wait_store(0)
    wait_store(1)


_sc_kernel = functools.partial(
    pl.kernel,
    out_type=jax.ShapeDtypeStruct((SEQ, SB, NW, SB, BBLK), jnp.float32),
    mesh=plsc.VectorSubcoreMesh(core_axis_name="c", subcore_axis_name="s"),
    scratch_types=[
        pltpu.VMEM((SEQT, SB, BBLK), jnp.int32),
        pltpu.VMEM((SEQ, D), jnp.float32),
        pltpu.VMEM((BBLK, D), jnp.float32),
        pltpu.VMEM((BBLK, D), jnp.float32),
        pltpu.VMEM((SB, SB, BBLK), jnp.float32),
        pltpu.VMEM((SB, SB, BBLK), jnp.float32),
        pltpu.SemaphoreType.DMA,
        pltpu.SemaphoreType.DMA,
        pltpu.SemaphoreType.DMA,
        pltpu.SemaphoreType.DMA,
    ],
    compiler_params=pltpu.CompilerParams(
        use_tc_tiling_on_sc=False, needs_layout_passes=False
    ),
)(_sc_body)


@jax.jit
def kernel(x, W, P):
    x4 = x.T.reshape(SEQT, SB, NW, BBLK).transpose(0, 2, 1, 3)
    out5 = _sc_kernel(x4, W, P)
    return out5.transpose(2, 4, 0, 1, 3).reshape(BATCH, SEQ, D)

# --- scband reference (transcript-rebuilt; emitter-appended) ---
"""Pipeline reference for scband-positional-embedding-15436112462691 (READ-ONLY COPY).

The authoritative reference and input builder live on the scoring server;
editing this copy changes nothing except your own understanding.
"""

import jax, jax.numpy as jnp
import numpy as np

VOCAB = 100000
SEQ_LEN = 200
EMBED = 64
BATCH = 4096


def _position_encoding(seq_len, d, n=10000):
    # Vectorized version of the original O(seq_len*d) python loop
    pos = np.arange(seq_len, dtype=np.float64)[:, None]
    i = np.arange(d // 2, dtype=np.float64)[None, :]
    denom = np.power(float(n), 2.0 * i / d)
    P = np.zeros((seq_len, d), dtype=np.float64)
    P[:, 0::2] = np.sin(pos / denom)
    P[:, 1::2] = np.cos(pos / denom)
    return jnp.asarray(P.astype(np.float32))


def setup_inputs(seed: int = 0) -> dict:
    key = jax.random.key(seed)
    x = jax.random.randint(key, (BATCH, SEQ_LEN), 0, VOCAB, dtype=jnp.int32)
    # Fixed (non-trainable) sinusoidal word-embedding table, sized [vocab, embed_dim]
    W = _position_encoding(VOCAB, EMBED)
    # Fixed (non-trainable) sinusoidal position-embedding table, sized [seq_len, embed_dim]
    P = _position_encoding(SEQ_LEN, EMBED)
    return {"x": x, "W": W, "P": P}


def reference(x, W, P):
    # position_indices = tf.range(tf.shape(x)[-1])
    position_indices = jnp.arange(x.shape[-1])
    # embedded_words = word_embedding_layer(x)  -> gather from fixed sinusoidal table
    embedded_words = jnp.take(W, x, axis=0)
    # embedded_indices = position_embedding_layer(position_indices)
    embedded_indices = jnp.take(P, position_indices, axis=0)
    return embedded_words + embedded_indices

if __name__ == "__main__":
    import jax
    _d = setup_inputs()
    print(jax.jit(kernel)(*tuple(_d.values())))

</pallas_src>

<mosaic_0001>
#map = affine_map<(d0, d1) -> (0, 0, 0, 0)>
#map1 = affine_map<(d0, d1) -> (0, 0)>
#map2 = affine_map<(d0, d1) -> (0, 0, 0, 0, 0)>
module attributes {stable_mosaic.version = 14 : i64} {
  func.func @_sc_body(%arg0: i32, %arg1: i32, %arg2: memref<25x32x8x128xi32, #tpu.memory_space<hbm>>, %arg3: memref<100000x64xf32, #tpu.memory_space<hbm>>, %arg4: memref<200x64xf32, #tpu.memory_space<hbm>>, %arg5: memref<200x8x32x8x128xf32, #tpu.memory_space<hbm>>, %arg6: memref<25x8x128xi32, #tpu.memory_space<vmem>>, %arg7: memref<200x64xf32, #tpu.memory_space<vmem>>, %arg8: memref<128x64xf32, #tpu.memory_space<vmem>>, %arg9: memref<128x64xf32, #tpu.memory_space<vmem>>, %arg10: memref<8x8x128xf32, #tpu.memory_space<vmem>>, %arg11: memref<8x8x128xf32, #tpu.memory_space<vmem>>, %arg12: memref<!tpu.dma_semaphore, #tpu.memory_space<semaphore_mem>>, %arg13: memref<!tpu.dma_semaphore, #tpu.memory_space<semaphore_mem>>, %arg14: memref<!tpu.dma_semaphore, #tpu.memory_space<semaphore_mem>>, %arg15: memref<!tpu.dma_semaphore, #tpu.memory_space<semaphore_mem>>) attributes {dimension_semantics = [#tpu.dimension_semantics<core_parallel>, #tpu.dimension_semantics<subcore_parallel>], iteration_bounds = array<i64: 2, 16>, scalar_prefetch = 0 : i64, scratch_operands = 10 : i64, tpu.core_type = #tpu.core_type<sc_vector_subcore>, window_params = [{transform_indices = #map}, {transform_indices = #map1}, {transform_indices = #map1}, {transform_indices = #map2}]} {
    %mul3A = arith.constant 2 : i32
    %mul3A_0 = arith.muli %arg1, %mul3A : i32
    %add3A = arith.addi %mul3A_0, %arg0 : i32
    "tpu.region"() ({
      %run_scoped3A = tpu.sem_alloc : memref<!tpu.dma_semaphore, #tpu.memory_space<semaphore_mem>>
      tpu.enqueue_dma source(%arg4 : memref<200x64xf32, #tpu.memory_space<hbm>>) target(%arg7 : memref<200x64xf32, #tpu.memory_space<vmem>>) target_semaphore(%run_scoped3A : memref<!tpu.dma_semaphore, #tpu.memory_space<semaphore_mem>>)
      tpu.wait_dma2 semaphore(%run_scoped3A : memref<!tpu.dma_semaphore, #tpu.memory_space<semaphore_mem>>) src(%arg4 : memref<200x64xf32, #tpu.memory_space<hbm>>) dst(%arg7 : memref<200x64xf32, #tpu.memory_space<vmem>>)
      tpu.yield
    }) : () -> ()
    "tpu.region"() ({
      %run_scoped3A = tpu.sem_alloc : memref<!tpu.dma_semaphore, #tpu.memory_space<semaphore_mem>>
      %dma_start3A_271 = arith.constant 0 : i32
      %dma_start3A_272 = arith.constant 0 : i32
      %dma_start3A_273 = arith.constant 0 : i32
      %dma_start3A_274 = tpu.memref_slice %arg2[%dma_start3A_271, %add3A, %dma_start3A_272, %dma_start3A_273] : memref<25x32x8x128xi32, #tpu.memory_space<hbm>> -> memref<25x1x8x128xi32, #tpu.memory_space<hbm>>
      %dma_start3A_275 = tpu.memref_squeeze %dma_start3A_274 : memref<25x1x8x128xi32, #tpu.memory_space<hbm>> -> memref<25x8x128xi32, #tpu.memory_space<hbm>>
      %dma_start3A_276 = arith.constant 0 : i32
      %dma_start3A_277 = arith.constant 0 : i32
      %dma_start3A_278 = arith.constant 0 : i32
      %dma_start3A_279 = tpu.memref_slice %arg2[%dma_start3A_276, %add3A, %dma_start3A_277, %dma_start3A_278] : memref<25x32x8x128xi32, #tpu.memory_space<hbm>> -> memref<25x1x8x128xi32, #tpu.memory_space<hbm>>
      %dma_start3A_280 = tpu.memref_squeeze %dma_start3A_279 : memref<25x1x8x128xi32, #tpu.memory_space<hbm>> -> memref<25x8x128xi32, #tpu.memory_space<hbm>>
      tpu.enqueue_dma source(%dma_start3A_280 : memref<25x8x128xi32, #tpu.memory_space<hbm>>) target(%arg6 : memref<25x8x128xi32, #tpu.memory_space<vmem>>) target_semaphore(%run_scoped3A : memref<!tpu.dma_semaphore, #tpu.memory_space<semaphore_mem>>)
      %dma_wait3A_281 = arith.constant 0 : i32
      %dma_wait3A_282 = arith.constant 0 : i32
      %dma_wait3A_283 = arith.constant 0 : i32
      %dma_wait3A_284 = tpu.memref_slice %arg2[%dma_wait3A_281, %add3A, %dma_wait3A_282, %dma_wait3A_283] : memref<25x32x8x128xi32, #tpu.memory_space<hbm>> -> memref<25x1x8x128xi32, #tpu.memory_space<hbm>>
      %dma_wait3A_285 = tpu.memref_squeeze %dma_wait3A_284 : memref<25x1x8x128xi32, #tpu.memory_space<hbm>> -> memref<25x8x128xi32, #tpu.memory_space<hbm>>
      %dma_wait3A_286 = arith.constant 0 : i32
      %dma_wait3A_287 = arith.constant 0 : i32
      %dma_wait3A_288 = arith.constant 0 : i32
      %dma_wait3A_289 = tpu.memref_slice %arg2[%dma_wait3A_286, %add3A, %dma_wait3A_287, %dma_wait3A_288] : memref<25x32x8x128xi32, #tpu.memory_space<hbm>> -> memref<25x1x8x128xi32, #tpu.memory_space<hbm>>
      %dma_wait3A_290 = tpu.memref_squeeze %dma_wait3A_289 : memref<25x1x8x128xi32, #tpu.memory_space<hbm>> -> memref<25x8x128xi32, #tpu.memory_space<hbm>>
      tpu.wait_dma2 semaphore(%run_scoped3A : memref<!tpu.dma_semaphore, #tpu.memory_space<semaphore_mem>>) src(%dma_wait3A_290 : memref<25x8x128xi32, #tpu.memory_space<hbm>>) dst(%arg6 : memref<25x8x128xi32, #tpu.memory_space<vmem>>)
      tpu.yield
    }) : () -> ()
    %iota3A = tpu.iota {dimensions = array<i32: 0>} : vector<16xi32>
    %add3A_1 = arith.constant 0 : i32
    %add3A_2 = vector.broadcast %add3A_1 : i32 to vector<16xi32>
    %add3A_3 = arith.addi %iota3A, %add3A_2 : vector<16xi32>
    %add3A_4 = arith.constant 16 : i32
    %add3A_5 = vector.broadcast %add3A_4 : i32 to vector<16xi32>
    %add3A_6 = arith.addi %iota3A, %add3A_5 : vector<16xi32>
    %add3A_7 = arith.constant 32 : i32
    %add3A_8 = vector.broadcast %add3A_7 : i32 to vector<16xi32>
    %add3A_9 = arith.addi %iota3A, %add3A_8 : vector<16xi32>
    %add3A_10 = arith.constant 48 : i32
    %add3A_11 = vector.broadcast %add3A_10 : i32 to vector<16xi32>
    %add3A_12 = arith.addi %iota3A, %add3A_11 : vector<16xi32>
    %jit3A = arith.constant 8 : i32
    %div3A = vector.broadcast %jit3A : i32 to vector<16xi32>
    %div3A_13 = arith.divsi %add3A_3, %div3A : vector<16xi32>
    %sign3A = arith.constant 0 : i32
    %sign3A_14 = vector.broadcast %sign3A : i32 to vector<16xi32>
    %sign3A_15 = arith.cmpi sgt, %add3A_3, %sign3A_14 : vector<16xi32>
    %sign3A_16 = arith.extui %sign3A_15 : vector<16xi1> to vector<16xi32>
    %sign3A_17 = arith.constant 0 : i32
    %sign3A_18 = vector.broadcast %sign3A_17 : i32 to vector<16xi32>
    %sign3A_19 = arith.cmpi slt, %add3A_3, %sign3A_18 : vector<16xi32>
    %sign3A_20 = arith.extui %sign3A_19 : vector<16xi1> to vector<16xi32>
    %sign3A_21 = arith.subi %sign3A_16, %sign3A_20 : vector<16xi32>
    %sign3A_22 = arith.constant 0 : i32
    %sign3A_23 = arith.cmpi sgt, %jit3A, %sign3A_22 : i32
    %sign3A_24 = arith.extui %sign3A_23 : i1 to i32
    %sign3A_25 = arith.constant 0 : i32
    %sign3A_26 = arith.cmpi slt, %jit3A, %sign3A_25 : i32
    %sign3A_27 = arith.extui %sign3A_26 : i1 to i32
    %sign3A_28 = arith.subi %sign3A_24, %sign3A_27 : i32
    %ne3A = vector.broadcast %sign3A_28 : i32 to vector<16xi32>
    %ne3A_29 = arith.cmpi ne, %sign3A_21, %ne3A : vector<16xi32>
    %rem3A = vector.broadcast %jit3A : i32 to vector<16xi32>
    %rem3A_30 = arith.remsi %add3A_3, %rem3A : vector<16xi32>
    %ne3A_31 = arith.constant 0 : i32
    %ne3A_32 = vector.broadcast %ne3A_31 : i32 to vector<16xi32>
    %ne3A_33 = arith.cmpi ne, %rem3A_30, %ne3A_32 : vector<16xi32>
    %and3A = arith.andi %ne3A_29, %ne3A_33 : vector<16xi1>
    %sub3A = arith.constant 1 : i32
    %sub3A_34 = vector.broadcast %sub3A : i32 to vector<16xi32>
    %sub3A_35 = arith.subi %div3A_13, %sub3A_34 : vector<16xi32>
    %select_n3A = arith.select %and3A, %sub3A_35, %div3A_13 : vector<16xi1>, vector<16xi32>
    %jit3A_36 = arith.constant 8 : i32
    %div3A_37 = vector.broadcast %jit3A_36 : i32 to vector<16xi32>
    %div3A_38 = arith.divsi %add3A_6, %div3A_37 : vector<16xi32>
    %sign3A_39 = arith.constant 0 : i32
    %sign3A_40 = vector.broadcast %sign3A_39 : i32 to vector<16xi32>
    %sign3A_41 = arith.cmpi sgt, %add3A_6, %sign3A_40 : vector<16xi32>
    %sign3A_42 = arith.extui %sign3A_41 : vector<16xi1> to vector<16xi32>
    %sign3A_43 = arith.constant 0 : i32
    %sign3A_44 = vector.broadcast %sign3A_43 : i32 to vector<16xi32>
    %sign3A_45 = arith.cmpi slt, %add3A_6, %sign3A_44 : vector<16xi32>
    %sign3A_46 = arith.extui %sign3A_45 : vector<16xi1> to vector<16xi32>
    %sign3A_47 = arith.subi %sign3A_42, %sign3A_46 : vector<16xi32>
    %sign3A_48 = arith.constant 0 : i32
    %sign3A_49 = arith.cmpi sgt, %jit3A_36, %sign3A_48 : i32
    %sign3A_50 = arith.extui %sign3A_49 : i1 to i32
    %sign3A_51 = arith.constant 0 : i32
    %sign3A_52 = arith.cmpi slt, %jit3A_36, %sign3A_51 : i32
    %sign3A_53 = arith.extui %sign3A_52 : i1 to i32
    %sign3A_54 = arith.subi %sign3A_50, %sign3A_53 : i32
    %ne3A_55 = vector.broadcast %sign3A_54 : i32 to vector<16xi32>
    %ne3A_56 = arith.cmpi ne, %sign3A_47, %ne3A_55 : vector<16xi32>
    %rem3A_57 = vector.broadcast %jit3A_36 : i32 to vector<16xi32>
    %rem3A_58 = arith.remsi %add3A_6, %rem3A_57 : vector<16xi32>
    %ne3A_59 = arith.constant 0 : i32
    %ne3A_60 = vector.broadcast %ne3A_59 : i32 to vector<16xi32>
    %ne3A_61 = arith.cmpi ne, %rem3A_58, %ne3A_60 : vector<16xi32>
    %and3A_62 = arith.andi %ne3A_56, %ne3A_61 : vector<16xi1>
    %sub3A_63 = arith.constant 1 : i32
    %sub3A_64 = vector.broadcast %sub3A_63 : i32 to vector<16xi32>
    %sub3A_65 = arith.subi %div3A_38, %sub3A_64 : vector<16xi32>
    %select_n3A_66 = arith.select %and3A_62, %sub3A_65, %div3A_38 : vector<16xi1>, vector<16xi32>
    %jit3A_67 = arith.constant 8 : i32
    %div3A_68 = vector.broadcast %jit3A_67 : i32 to vector<16xi32>
    %div3A_69 = arith.divsi %add3A_9, %div3A_68 : vector<16xi32>
    %sign3A_70 = arith.constant 0 : i32
    %sign3A_71 = vector.broadcast %sign3A_70 : i32 to vector<16xi32>
    %sign3A_72 = arith.cmpi sgt, %add3A_9, %sign3A_71 : vector<16xi32>
    %sign3A_73 = arith.extui %sign3A_72 : vector<16xi1> to vector<16xi32>
    %sign3A_74 = arith.constant 0 : i32
    %sign3A_75 = vector.broadcast %sign3A_74 : i32 to vector<16xi32>
    %sign3A_76 = arith.cmpi slt, %add3A_9, %sign3A_75 : vector<16xi32>
    %sign3A_77 = arith.extui %sign3A_76 : vector<16xi1> to vector<16xi32>
    %sign3A_78 = arith.subi %sign3A_73, %sign3A_77 : vector<16xi32>
    %sign3A_79 = arith.constant 0 : i32
    %sign3A_80 = arith.cmpi sgt, %jit3A_67, %sign3A_79 : i32
    %sign3A_81 = arith.extui %sign3A_80 : i1 to i32
    %sign3A_82 = arith.constant 0 : i32
    %sign3A_83 = arith.cmpi slt, %jit3A_67, %sign3A_82 : i32
    %sign3A_84 = arith.extui %sign3A_83 : i1 to i32
    %sign3A_85 = arith.subi %sign3A_81, %sign3A_84 : i32
    %ne3A_86 = vector.broadcast %sign3A_85 : i32 to vector<16xi32>
    %ne3A_87 = arith.cmpi ne, %sign3A_78, %ne3A_86 : vector<16xi32>
    %rem3A_88 = vector.broadcast %jit3A_67 : i32 to vector<16xi32>
    %rem3A_89 = arith.remsi %add3A_9, %rem3A_88 : vector<16xi32>
    %ne3A_90 = arith.constant 0 : i32
    %ne3A_91 = vector.broadcast %ne3A_90 : i32 to vector<16xi32>
    %ne3A_92 = arith.cmpi ne, %rem3A_89, %ne3A_91 : vector<16xi32>
    %and3A_93 = arith.andi %ne3A_87, %ne3A_92 : vector<16xi1>
    %sub3A_94 = arith.constant 1 : i32
    %sub3A_95 = vector.broadcast %sub3A_94 : i32 to vector<16xi32>
    %sub3A_96 = arith.subi %div3A_69, %sub3A_95 : vector<16xi32>
    %select_n3A_97 = arith.select %and3A_93, %sub3A_96, %div3A_69 : vector<16xi1>, vector<16xi32>
    %jit3A_98 = arith.constant 8 : i32
    %div3A_99 = vector.broadcast %jit3A_98 : i32 to vector<16xi32>
    %div3A_100 = arith.divsi %add3A_12, %div3A_99 : vector<16xi32>
    %sign3A_101 = arith.constant 0 : i32
    %sign3A_102 = vector.broadcast %sign3A_101 : i32 to vector<16xi32>
    %sign3A_103 = arith.cmpi sgt, %add3A_12, %sign3A_102 : vector<16xi32>
    %sign3A_104 = arith.extui %sign3A_103 : vector<16xi1> to vector<16xi32>
    %sign3A_105 = arith.constant 0 : i32
    %sign3A_106 = vector.broadcast %sign3A_105 : i32 to vector<16xi32>
    %sign3A_107 = arith.cmpi slt, %add3A_12, %sign3A_106 : vector<16xi32>
    %sign3A_108 = arith.extui %sign3A_107 : vector<16xi1> to vector<16xi32>
    %sign3A_109 = arith.subi %sign3A_104, %sign3A_108 : vector<16xi32>
    %sign3A_110 = arith.constant 0 : i32
    %sign3A_111 = arith.cmpi sgt, %jit3A_98, %sign3A_110 : i32
    %sign3A_112 = arith.extui %sign3A_111 : i1 to i32
    %sign3A_113 = arith.constant 0 : i32
    %sign3A_114 = arith.cmpi slt, %jit3A_98, %sign3A_113 : i32
    %sign3A_115 = arith.extui %sign3A_114 : i1 to i32
    %sign3A_116 = arith.subi %sign3A_112, %sign3A_115 : i32
    %ne3A_117 = vector.broadcast %sign3A_116 : i32 to vector<16xi32>
    %ne3A_118 = arith.cmpi ne, %sign3A_109, %ne3A_117 : vector<16xi32>
    %rem3A_119 = vector.broadcast %jit3A_98 : i32 to vector<16xi32>
    %rem3A_120 = arith.remsi %add3A_12, %rem3A_119 : vector<16xi32>
    %ne3A_121 = arith.constant 0 : i32
    %ne3A_122 = vector.broadcast %ne3A_121 : i32 to vector<16xi32>
    %ne3A_123 = arith.cmpi ne, %rem3A_120, %ne3A_122 : vector<16xi32>
    %and3A_124 = arith.andi %ne3A_118, %ne3A_123 : vector<16xi1>
    %sub3A_125 = arith.constant 1 : i32
    %sub3A_126 = vector.broadcast %sub3A_125 : i32 to vector<16xi32>
    %sub3A_127 = arith.subi %div3A_100, %sub3A_126 : vector<16xi32>
    %select_n3A_128 = arith.select %and3A_124, %sub3A_127, %div3A_100 : vector<16xi1>, vector<16xi32>
    %rem3A_129 = arith.constant 8 : i32
    %rem3A_130 = vector.broadcast %rem3A_129 : i32 to vector<16xi32>
    %rem3A_131 = arith.remsi %add3A_3, %rem3A_130 : vector<16xi32>
    %rem3A_132 = arith.constant 8 : i32
    %rem3A_133 = vector.broadcast %rem3A_132 : i32 to vector<16xi32>
    %rem3A_134 = arith.remsi %add3A_6, %rem3A_133 : vector<16xi32>
    %rem3A_135 = arith.constant 8 : i32
    %rem3A_136 = vector.broadcast %rem3A_135 : i32 to vector<16xi32>
    %rem3A_137 = arith.remsi %add3A_9, %rem3A_136 : vector<16xi32>
    %rem3A_138 = arith.constant 8 : i32
    %rem3A_139 = vector.broadcast %rem3A_138 : i32 to vector<16xi32>
    %rem3A_140 = arith.remsi %add3A_12, %rem3A_139 : vector<16xi32>
    %add3A_141 = arith.constant 0 : i32
    %add3A_142 = vector.broadcast %add3A_141 : i32 to vector<16xi32>
    %add3A_143 = arith.addi %iota3A, %add3A_142 : vector<16xi32>
    %rem3A_144 = arith.constant 16 : i32
    %rem3A_145 = vector.broadcast %rem3A_144 : i32 to vector<16xi32>
    %rem3A_146 = arith.remsi %add3A_143, %rem3A_145 : vector<16xi32>
    %add3A_147 = arith.constant 1 : i32
    %add3A_148 = vector.broadcast %add3A_147 : i32 to vector<16xi32>
    %add3A_149 = arith.addi %iota3A, %add3A_148 : vector<16xi32>
    %rem3A_150 = arith.constant 16 : i32
    %rem3A_151 = vector.broadcast %rem3A_150 : i32 to vector<16xi32>
    %rem3A_152 = arith.remsi %add3A_149, %rem3A_151 : vector<16xi32>
    %add3A_153 = arith.constant 2 : i32
    %add3A_154 = vector.broadcast %add3A_153 : i32 to vector<16xi32>
    %add3A_155 = arith.addi %iota3A, %add3A_154 : vector<16xi32>
    %rem3A_156 = arith.constant 16 : i32
    %rem3A_157 = vector.broadcast %rem3A_156 : i32 to vector<16xi32>
    %rem3A_158 = arith.remsi %add3A_155, %rem3A_157 : vector<16xi32>
    %add3A_159 = arith.constant 3 : i32
    %add3A_160 = vector.broadcast %add3A_159 : i32 to vector<16xi32>
    %add3A_161 = arith.addi %iota3A, %add3A_160 : vector<16xi32>
    %rem3A_162 = arith.constant 16 : i32
    %rem3A_163 = vector.broadcast %rem3A_162 : i32 to vector<16xi32>
    %rem3A_164 = arith.remsi %add3A_161, %rem3A_163 : vector<16xi32>
    %add3A_165 = arith.constant 4 : i32
    %add3A_166 = vector.broadcast %add3A_165 : i32 to vector<16xi32>
    %add3A_167 = arith.addi %iota3A, %add3A_166 : vector<16xi32>
    %rem3A_168 = arith.constant 16 : i32
    %rem3A_169 = vector.broadcast %rem3A_168 : i32 to vector<16xi32>
    %rem3A_170 = arith.remsi %add3A_167, %rem3A_169 : vector<16xi32>
    %add3A_171 = arith.constant 5 : i32
    %add3A_172 = vector.broadcast %add3A_171 : i32 to vector<16xi32>
    %add3A_173 = arith.addi %iota3A, %add3A_172 : vector<16xi32>
    %rem3A_174 = arith.constant 16 : i32
    %rem3A_175 = vector.broadcast %rem3A_174 : i32 to vector<16xi32>
    %rem3A_176 = arith.remsi %add3A_173, %rem3A_175 : vector<16xi32>
    %add3A_177 = arith.constant 6 : i32
    %add3A_178 = vector.broadcast %add3A_177 : i32 to vector<16xi32>
    %add3A_179 = arith.addi %iota3A, %add3A_178 : vector<16xi32>
    %rem3A_180 = arith.constant 16 : i32
    %rem3A_181 = vector.broadcast %rem3A_180 : i32 to vector<16xi32>
    %rem3A_182 = arith.remsi %add3A_179, %rem3A_181 : vector<16xi32>
    %add3A_183 = arith.constant 7 : i32
    %add3A_184 = vector.broadcast %add3A_183 : i32 to vector<16xi32>
    %add3A_185 = arith.addi %iota3A, %add3A_184 : vector<16xi32>
    %rem3A_186 = arith.constant 16 : i32
    %rem3A_187 = vector.broadcast %rem3A_186 : i32 to vector<16xi32>
    %rem3A_188 = arith.remsi %add3A_185, %rem3A_187 : vector<16xi32>
    %add3A_189 = arith.constant 8 : i32
    %add3A_190 = vector.broadcast %add3A_189 : i32 to vector<16xi32>
    %add3A_191 = arith.addi %iota3A, %add3A_190 : vector<16xi32>
    %rem3A_192 = arith.constant 16 : i32
    %rem3A_193 = vector.broadcast %rem3A_192 : i32 to vector<16xi32>
    %rem3A_194 = arith.remsi %add3A_191, %rem3A_193 : vector<16xi32>
    %add3A_195 = arith.constant 9 : i32
    %add3A_196 = vector.broadcast %add3A_195 : i32 to vector<16xi32>
    %add3A_197 = arith.addi %iota3A, %add3A_196 : vector<16xi32>
    %rem3A_198 = arith.constant 16 : i32
    %rem3A_199 = vector.broadcast %rem3A_198 : i32 to vector<16xi32>
    %rem3A_200 = arith.remsi %add3A_197, %rem3A_199 : vector<16xi32>
    %add3A_201 = arith.constant 10 : i32
    %add3A_202 = vector.broadcast %add3A_201 : i32 to vector<16xi32>
    %add3A_203 = arith.addi %iota3A, %add3A_202 : vector<16xi32>
    %rem3A_204 = arith.constant 16 : i32
    %rem3A_205 = vector.broadcast %rem3A_204 : i32 to vector<16xi32>
    %rem3A_206 = arith.remsi %add3A_203, %rem3A_205 : vector<16xi32>
    %add3A_207 = arith.constant 11 : i32
    %add3A_208 = vector.broadcast %add3A_207 : i32 to vector<16xi32>
    %add3A_209 = arith.addi %iota3A, %add3A_208 : vector<16xi32>
    %rem3A_210 = arith.constant 16 : i32
    %rem3A_211 = vector.broadcast %rem3A_210 : i32 to vector<16xi32>
    %rem3A_212 = arith.remsi %add3A_209, %rem3A_211 : vector<16xi32>
    %add3A_213 = arith.constant 12 : i32
    %add3A_214 = vector.broadcast %add3A_213 : i32 to vector<16xi32>
    %add3A_215 = arith.addi %iota3A, %add3A_214 : vector<16xi32>
    %rem3A_216 = arith.constant 16 : i32
    %rem3A_217 = vector.broadcast %rem3A_216 : i32 to vector<16xi32>
    %rem3A_218 = arith.remsi %add3A_215, %rem3A_217 : vector<16xi32>
    %add3A_219 = arith.constant 13 : i32
    %add3A_220 = vector.broadcast %add3A_219 : i32 to vector<16xi32>
    %add3A_221 = arith.addi %iota3A, %add3A_220 : vector<16xi32>
    %rem3A_222 = arith.constant 16 : i32
    %rem3A_223 = vector.broadcast %rem3A_222 : i32 to vector<16xi32>
    %rem3A_224 = arith.remsi %add3A_221, %rem3A_223 : vector<16xi32>
    %add3A_225 = arith.constant 14 : i32
    %add3A_226 = vector.broadcast %add3A_225 : i32 to vector<16xi32>
    %add3A_227 = arith.addi %iota3A, %add3A_226 : vector<16xi32>
    %rem3A_228 = arith.constant 16 : i32
    %rem3A_229 = vector.broadcast %rem3A_228 : i32 to vector<16xi32>
    %rem3A_230 = arith.remsi %add3A_227, %rem3A_229 : vector<16xi32>
    %add3A_231 = arith.constant 15 : i32
    %add3A_232 = vector.broadcast %add3A_231 : i32 to vector<16xi32>
    %add3A_233 = arith.addi %iota3A, %add3A_232 : vector<16xi32>
    %rem3A_234 = arith.constant 16 : i32
    %rem3A_235 = vector.broadcast %rem3A_234 : i32 to vector<16xi32>
    %rem3A_236 = arith.remsi %add3A_233, %rem3A_235 : vector<16xi32>
    %rem3A_237 = arith.constant 0 : i32
    %rem3A_238 = arith.constant 8 : i32
    %rem3A_239 = arith.remsi %rem3A_237, %rem3A_238 : i32
    %dma_start3A = arith.constant 0 : i32
    %dma_start3A_240 = arith.constant 0 : i32
    %dma_start3A_241 = tpu.memref_slice %arg6[%dma_start3A, %rem3A_239, %dma_start3A_240] : memref<25x8x128xi32, #tpu.memory_space<vmem>> -> memref<1x1x128xi32, #tpu.memory_space<vmem>>
    %dma_start3A_242 = tpu.memref_squeeze %dma_start3A_241 : memref<1x1x128xi32, #tpu.memory_space<vmem>> -> memref<128xi32, #tpu.memory_space<vmem>>
    %dma_start3A_243 = arith.constant 0 : i32
    %dma_start3A_244 = arith.constant 0 : i32
    %dma_start3A_245 = tpu.memref_slice %arg3[%dma_start3A_243, %dma_start3A_244] : memref<100000x64xf32, #tpu.memory_space<hbm>> -> memref<100000x64xf32, #tpu.memory_space<hbm>>
    tpu.enqueue_indirect_dma source(%dma_start3A_245 : memref<100000x64xf32, #tpu.memory_space<hbm>>) target(%arg8 : memref<128x64xf32, #tpu.memory_space<vmem>>) offsets(%dma_start3A_242 : memref<128xi32, #tpu.memory_space<vmem>>) semaphore(%arg12 : memref<!tpu.dma_semaphore, #tpu.memory_space<semaphore_mem>>)
    %scan3A = arith.constant 0 : i32
    %scan3A_246 = arith.constant 100 : i32
    %scan3A_247 = arith.addi %scan3A, %scan3A_246 : i32
    %scan3A_248 = arith.constant 1 : i32
    scf.for %scan3A_271 = %scan3A to %scan3A_247 step %scan3A_248  : i32 {
      %mul3A_272 = arith.constant 2 : i32
      %mul3A_273 = arith.muli %scan3A_271, %mul3A_272 : i32
      %add3A_274 = arith.constant 0 : i32
      %add3A_275 = arith.addi %add3A_274, %mul3A_273 : i32
      %add3A_276 = arith.constant 0 : i32
      %add3A_277 = arith.addi %add3A_275, %add3A_276 : i32
      %add3A_278 = arith.constant 1 : i32
      %add3A_279 = arith.addi %add3A_277, %add3A_278 : i32
      %lt3A = arith.constant 200 : i32
      %lt3A_280 = arith.cmpi slt, %add3A_279, %lt3A : i32
      %convert_element_type3A = arith.extui %lt3A_280 : i1 to i32
      %cond3A = arith.constant 0 : i32
      %cond3A_281 = arith.cmpi ne, %convert_element_type3A, %cond3A : i32
      scf.if %cond3A_281 {
        %add3A_360 = arith.constant 1 : i32
        %add3A_361 = arith.addi %add3A_277, %add3A_360 : i32
        %jit3A_362 = arith.constant 8 : i32
        %div3A_363 = arith.divsi %add3A_361, %jit3A_362 : i32
        %sign3A_364 = arith.constant 0 : i32
        %sign3A_365 = arith.cmpi sgt, %add3A_361, %sign3A_364 : i32
        %sign3A_366 = arith.extui %sign3A_365 : i1 to i32
        %sign3A_367 = arith.constant 0 : i32
        %sign3A_368 = arith.cmpi slt, %add3A_361, %sign3A_367 : i32
        %sign3A_369 = arith.extui %sign3A_368 : i1 to i32
        %sign3A_370 = arith.subi %sign3A_366, %sign3A_369 : i32
        %sign3A_371 = arith.constant 0 : i32
        %sign3A_372 = arith.cmpi sgt, %jit3A_362, %sign3A_371 : i32
        %sign3A_373 = arith.extui %sign3A_372 : i1 to i32
        %sign3A_374 = arith.constant 0 : i32
        %sign3A_375 = arith.cmpi slt, %jit3A_362, %sign3A_374 : i32
        %sign3A_376 = arith.extui %sign3A_375 : i1 to i32
        %sign3A_377 = arith.subi %sign3A_373, %sign3A_376 : i32
        %ne3A_378 = arith.cmpi ne, %sign3A_370, %sign3A_377 : i32
        %rem3A_379 = arith.remsi %add3A_361, %jit3A_362 : i32
        %ne3A_380 = arith.constant 0 : i32
        %ne3A_381 = arith.cmpi ne, %rem3A_379, %ne3A_380 : i32
        %and3A_382 = arith.andi %ne3A_378, %ne3A_381 : i1
        %sub3A_383 = arith.constant 1 : i32
        %sub3A_384 = arith.subi %div3A_363, %sub3A_383 : i32
        %select_n3A_385 = arith.select %and3A_382, %sub3A_384, %div3A_363 : i32
        %rem3A_386 = arith.constant 8 : i32
        %rem3A_387 = arith.remsi %add3A_361, %rem3A_386 : i32
        %dma_start3A_388 = arith.constant 0 : i32
        %dma_start3A_389 = tpu.memref_slice %arg6[%select_n3A_385, %rem3A_387, %dma_start3A_388] : memref<25x8x128xi32, #tpu.memory_space<vmem>> -> memref<1x1x128xi32, #tpu.memory_space<vmem>>
        %dma_start3A_390 = tpu.memref_squeeze %dma_start3A_389 : memref<1x1x128xi32, #tpu.memory_space<vmem>> -> memref<128xi32, #tpu.memory_space<vmem>>
        %dma_start3A_391 = arith.constant 0 : i32
        %dma_start3A_392 = arith.constant 0 : i32
        %dma_start3A_393 = tpu.memref_slice %arg3[%dma_start3A_391, %dma_start3A_392] : memref<100000x64xf32, #tpu.memory_space<hbm>> -> memref<100000x64xf32, #tpu.memory_space<hbm>>
        tpu.enqueue_indirect_dma source(%dma_start3A_393 : memref<100000x64xf32, #tpu.memory_space<hbm>>) target(%arg9 : memref<128x64xf32, #tpu.memory_space<vmem>>) offsets(%dma_start3A_390 : memref<128xi32, #tpu.memory_space<vmem>>) semaphore(%arg13 : memref<!tpu.dma_semaphore, #tpu.memory_space<semaphore_mem>>)
        %ge3A = arith.constant 1 : i32
        %ge3A_394 = arith.cmpi sge, %add3A_277, %ge3A : i32
        %convert_element_type3A_395 = arith.extui %ge3A_394 : i1 to i32
        %cond3A_396 = arith.constant 0 : i32
        %cond3A_397 = arith.cmpi ne, %convert_element_type3A_395, %cond3A_396 : i32
        scf.if %cond3A_397 {
          %dma_wait3A_398 = arith.constant 0 : i32
          %dma_wait3A_399 = arith.constant 0 : i32
          %dma_wait3A_400 = arith.constant 0 : i32
          %dma_wait3A_401 = arith.constant 0 : i32
          %dma_wait3A_402 = tpu.memref_slice %arg5[%dma_wait3A_398, %dma_wait3A_399, %add3A, %dma_wait3A_400, %dma_wait3A_401] : memref<200x8x32x8x128xf32, #tpu.memory_space<hbm>> -> memref<1x8x1x8x128xf32, #tpu.memory_space<hbm>>
          %dma_wait3A_403 = tpu.memref_squeeze %dma_wait3A_402 : memref<1x8x1x8x128xf32, #tpu.memory_space<hbm>> -> memref<8x8x128xf32, #tpu.memory_space<hbm>>
          %dma_wait3A_404 = arith.constant 0 : i32
          %dma_wait3A_405 = arith.constant 0 : i32
          %dma_wait3A_406 = arith.constant 0 : i32
          %dma_wait3A_407 = tpu.memref_slice %arg5[%dma_wait3A_398, %dma_wait3A_404, %add3A, %dma_wait3A_405, %dma_wait3A_406] : memref<200x8x32x8x128xf32, #tpu.memory_space<hbm>> -> memref<1x8x1x8x128xf32, #tpu.memory_space<hbm>>
          %dma_wait3A_408 = tpu.memref_squeeze %dma_wait3A_407 : memref<1x8x1x8x128xf32, #tpu.memory_space<hbm>> -> memref<8x8x128xf32, #tpu.memory_space<hbm>>
          tpu.wait_dma2 semaphore(%arg15 : memref<!tpu.dma_semaphore, #tpu.memory_space<semaphore_mem>>) src(%arg11 : memref<8x8x128xf32, #tpu.memory_space<vmem>>) dst(%dma_wait3A_408 : memref<8x8x128xf32, #tpu.memory_space<hbm>>)
        } else {
        }
      } else {
      }
      %dma_wait3A_282 = arith.constant 0 : i32
      %dma_wait3A_283 = arith.constant 0 : i32
      %dma_wait3A_284 = arith.constant 0 : i32
      %dma_wait3A_285 = tpu.memref_slice %arg6[%dma_wait3A_282, %dma_wait3A_283, %dma_wait3A_284] : memref<25x8x128xi32, #tpu.memory_space<vmem>> -> memref<1x1x128xi32, #tpu.memory_space<vmem>>
      %dma_wait3A_286 = tpu.memref_squeeze %dma_wait3A_285 : memref<1x1x128xi32, #tpu.memory_space<vmem>> -> memref<128xi32, #tpu.memory_space<vmem>>
      %dma_wait3A_287 = arith.constant 0 : i32
      %dma_wait3A_288 = arith.constant 0 : i32
      %dma_wait3A_289 = tpu.memref_slice %arg3[%dma_wait3A_287, %dma_wait3A_288] : memref<100000x64xf32, #tpu.memory_space<hbm>> -> memref<100000x64xf32, #tpu.memory_space<hbm>>
      tpu.wait_indirect_dma semaphore(%arg12 : memref<!tpu.dma_semaphore, #tpu.memory_space<semaphore_mem>>) src(%dma_wait3A_289 : memref<100000x64xf32, #tpu.memory_space<hbm>>) dst(%arg8 : memref<128x64xf32, #tpu.memory_space<vmem>>)
      %get3A = arith.index_cast %add3A_277 : i32 to index
      %get3A_290 = arith.constant 0 : index
      %get3A_291 = tpu.vector_load %arg7[%get3A, %get3A_290] {strides = array<i32>} : memref<200x64xf32, #tpu.memory_space<vmem>>, vector<16xf32>,
      %get3A_292 = arith.index_cast %add3A_277 : i32 to index
      %get3A_293 = arith.constant 16 : index
      %get3A_294 = tpu.vector_load %arg7[%get3A_292, %get3A_293] {strides = array<i32>} : memref<200x64xf32, #tpu.memory_space<vmem>>, vector<16xf32>,
      %get3A_295 = arith.index_cast %add3A_277 : i32 to index
      %get3A_296 = arith.constant 32 : index
      %get3A_297 = tpu.vector_load %arg7[%get3A_295, %get3A_296] {strides = array<i32>} : memref<200x64xf32, #tpu.memory_space<vmem>>, vector<16xf32>,
      %get3A_298 = arith.index_cast %add3A_277 : i32 to index
      %get3A_299 = arith.constant 48 : index
      %get3A_300 = tpu.vector_load %arg7[%get3A_298, %get3A_299] {strides = array<i32>} : memref<200x64xf32, #tpu.memory_space<vmem>>, vector<16xf32>,
      %scan3A_301 = arith.constant 0 : i32
      %scan3A_302 = arith.constant 8 : i32
      %scan3A_303 = arith.addi %scan3A_301, %scan3A_302 : i32
      %scan3A_304 = arith.constant 1 : i32
      scf.for %scan3A_360 = %scan3A_301 to %scan3A_303 step %scan3A_304  : i32 {
        %mul3A_361 = arith.constant 1 : i32
        %mul3A_362 = arith.muli %scan3A_360, %mul3A_361 : i32
        %add3A_363 = arith.constant 0 : i32
        %add3A_364 = arith.addi %add3A_363, %mul3A_362 : i32
        %mul3A_365 = arith.constant 16 : i32
        %mul3A_366 = arith.muli %add3A_364, %mul3A_365 : i32
        %broadcast_in_dim3A = vector.broadcast %mul3A_366 : i32 to vector<16xi32>
        %add3A_367 = arith.addi %broadcast_in_dim3A, %rem3A_146 : vector<16xi32>
        %add3A_368 = arith.addi %broadcast_in_dim3A, %rem3A_152 : vector<16xi32>
        %add3A_369 = arith.addi %broadcast_in_dim3A, %rem3A_158 : vector<16xi32>
        %add3A_370 = arith.addi %broadcast_in_dim3A, %rem3A_164 : vector<16xi32>
        %add3A_371 = arith.addi %broadcast_in_dim3A, %rem3A_170 : vector<16xi32>
        %add3A_372 = arith.addi %broadcast_in_dim3A, %rem3A_176 : vector<16xi32>
        %add3A_373 = arith.addi %broadcast_in_dim3A, %rem3A_182 : vector<16xi32>
        %add3A_374 = arith.addi %broadcast_in_dim3A, %rem3A_188 : vector<16xi32>
        %add3A_375 = arith.addi %broadcast_in_dim3A, %rem3A_194 : vector<16xi32>
        %add3A_376 = arith.addi %broadcast_in_dim3A, %rem3A_200 : vector<16xi32>
        %add3A_377 = arith.addi %broadcast_in_dim3A, %rem3A_206 : vector<16xi32>
        %add3A_378 = arith.addi %broadcast_in_dim3A, %rem3A_212 : vector<16xi32>
        %add3A_379 = arith.addi %broadcast_in_dim3A, %rem3A_218 : vector<16xi32>
        %add3A_380 = arith.addi %broadcast_in_dim3A, %rem3A_224 : vector<16xi32>
        %add3A_381 = arith.addi %broadcast_in_dim3A, %rem3A_230 : vector<16xi32>
        %add3A_382 = arith.addi %broadcast_in_dim3A, %rem3A_236 : vector<16xi32>
        %gather3A = tpu.vector_load_idx %arg8[%add3A_367, %add3A_3] : memref<128x64xf32, #tpu.memory_space<vmem>>[vector<16xi32>, vector<16xi32>], vector<16xf32>,
        %gather3A_383 = tpu.vector_load_idx %arg8[%add3A_367, %add3A_6] : memref<128x64xf32, #tpu.memory_space<vmem>>[vector<16xi32>, vector<16xi32>], vector<16xf32>,
        %gather3A_384 = tpu.vector_load_idx %arg8[%add3A_367, %add3A_9] : memref<128x64xf32, #tpu.memory_space<vmem>>[vector<16xi32>, vector<16xi32>], vector<16xf32>,
        %gather3A_385 = tpu.vector_load_idx %arg8[%add3A_367, %add3A_12] : memref<128x64xf32, #tpu.memory_space<vmem>>[vector<16xi32>, vector<16xi32>], vector<16xf32>,
        %add3A_386 = arith.addf %gather3A, %get3A_291 : vector<16xf32>
        %add3A_387 = arith.addf %gather3A_383, %get3A_294 : vector<16xf32>
        %add3A_388 = arith.addf %gather3A_384, %get3A_297 : vector<16xf32>
        %add3A_389 = arith.addf %gather3A_385, %get3A_300 : vector<16xf32>
        tpu.vector_store_idx %arg10[%select_n3A, %rem3A_131, %add3A_367], %add3A_386 : memref<8x8x128xf32, #tpu.memory_space<vmem>>[vector<16xi32>, vector<16xi32>, vector<16xi32>], vector<16xf32>,
        tpu.vector_store_idx %arg10[%select_n3A_66, %rem3A_134, %add3A_367], %add3A_387 : memref<8x8x128xf32, #tpu.memory_space<vmem>>[vector<16xi32>, vector<16xi32>, vector<16xi32>], vector<16xf32>,
        tpu.vector_store_idx %arg10[%select_n3A_97, %rem3A_137, %add3A_367], %add3A_388 : memref<8x8x128xf32, #tpu.memory_space<vmem>>[vector<16xi32>, vector<16xi32>, vector<16xi32>], vector<16xf32>,
        tpu.vector_store_idx %arg10[%select_n3A_128, %rem3A_140, %add3A_367], %add3A_389 : memref<8x8x128xf32, #tpu.memory_space<vmem>>[vector<16xi32>, vector<16xi32>, vector<16xi32>], vector<16xf32>,
        %gather3A_390 = tpu.vector_load_idx %arg8[%add3A_368, %add3A_3] : memref<128x64xf32, #tpu.memory_space<vmem>>[vector<16xi32>, vector<16xi32>], vector<16xf32>,
        %gather3A_391 = tpu.vector_load_idx %arg8[%add3A_368, %add3A_6] : memref<128x64xf32, #tpu.memory_space<vmem>>[vector<16xi32>, vector<16xi32>], vector<16xf32>,
        %gather3A_392 = tpu.vector_load_idx %arg8[%add3A_368, %add3A_9] : memref<128x64xf32, #tpu.memory_space<vmem>>[vector<16xi32>, vector<16xi32>], vector<16xf32>,
        %gather3A_393 = tpu.vector_load_idx %arg8[%add3A_368, %add3A_12] : memref<128x64xf32, #tpu.memory_space<vmem>>[vector<16xi32>, vector<16xi32>], vector<16xf32>,
        %add3A_394 = arith.addf %gather3A_390, %get3A_291 : vector<16xf32>
        %add3A_395 = arith.addf %gather3A_391, %get3A_294 : vector<16xf32>
        %add3A_396 = arith.addf %gather3A_392, %get3A_297 : vector<16xf32>
        %add3A_397 = arith.addf %gather3A_393, %get3A_300 : vector<16xf32>
        tpu.vector_store_idx %arg10[%select_n3A, %rem3A_131, %add3A_368], %add3A_394 : memref<8x8x128xf32, #tpu.memory_space<vmem>>[vector<16xi32>, vector<16xi32>, vector<16xi32>], vector<16xf32>,
        tpu.vector_store_idx %arg10[%select_n3A_66, %rem3A_134, %add3A_368], %add3A_395 : memref<8x8x128xf32, #tpu.memory_space<vmem>>[vector<16xi32>, vector<16xi32>, vector<16xi32>], vector<16xf32>,
        tpu.vector_store_idx %arg10[%select_n3A_97, %rem3A_137, %add3A_368], %add3A_396 : memref<8x8x128xf32, #tpu.memory_space<vmem>>[vector<16xi32>, vector<16xi32>, vector<16xi32>], vector<16xf32>,
        tpu.vector_store_idx %arg10[%select_n3A_128, %rem3A_140, %add3A_368], %add3A_397 : memref<8x8x128xf32, #tpu.memory_space<vmem>>[vector<16xi32>, vector<16xi32>, vector<16xi32>], vector<16xf32>,
        %gather3A_398 = tpu.vector_load_idx %arg8[%add3A_369, %add3A_3] : memref<128x64xf32, #tpu.memory_space<vmem>>[vector<16xi32>, vector<16xi32>], vector<16xf32>,
        %gather3A_399 = tpu.vector_load_idx %arg8[%add3A_369, %add3A_6] : memref<128x64xf32, #tpu.memory_space<vmem>>[vector<16xi32>, vector<16xi32>], vector<16xf32>,
        %gather3A_400 = tpu.vector_load_idx %arg8[%add3A_369, %add3A_9] : memref<128x64xf32, #tpu.memory_space<vmem>>[vector<16xi32>, vector<16xi32>], vector<16xf32>,
        %gather3A_401 = tpu.vector_load_idx %arg8[%add3A_369, %add3A_12] : memref<128x64xf32, #tpu.memory_space<vmem>>[vector<16xi32>, vector<16xi32>], vector<16xf32>,
        %add3A_402 = arith.addf %gather3A_398, %get3A_291 : vector<16xf32>
        %add3A_403 = arith.addf %gather3A_399, %get3A_294 : vector<16xf32>
        %add3A_404 = arith.addf %gather3A_400, %get3A_297 : vector<16xf32>
        %add3A_405 = arith.addf %gather3A_401, %get3A_300 : vector<16xf32>
        tpu.vector_store_idx %arg10[%select_n3A, %rem3A_131, %add3A_369], %add3A_402 : memref<8x8x128xf32, #tpu.memory_space<vmem>>[vector<16xi32>, vector<16xi32>, vector<16xi32>], vector<16xf32>,
        tpu.vector_store_idx %arg10[%select_n3A_66, %rem3A_134, %add3A_369], %add3A_403 : memref<8x8x128xf32, #tpu.memory_space<vmem>>[vector<16xi32>, vector<16xi32>, vector<16xi32>], vector<16xf32>,
        tpu.vector_store_idx %arg10[%select_n3A_97, %rem3A_137, %add3A_369], %add3A_404 : memref<8x8x128xf32, #tpu.memory_space<vmem>>[vector<16xi32>, vector<16xi32>, vector<16xi32>], vector<16xf32>,
        tpu.vector_store_idx %arg10[%select_n3A_128, %rem3A_140, %add3A_369], %add3A_405 : memref<8x8x128xf32, #tpu.memory_space<vmem>>[vector<16xi32>, vector<16xi32>, vector<16xi32>], vector<16xf32>,
        %gather3A_406 = tpu.vector_load_idx %arg8[%add3A_370, %add3A_3] : memref<128x64xf32, #tpu.memory_space<vmem>>[vector<16xi32>, vector<16xi32>], vector<16xf32>,
        %gather3A_407 = tpu.vector_load_idx %arg8[%add3A_370, %add3A_6] : memref<128x64xf32, #tpu.memory_space<vmem>>[vector<16xi32>, vector<16xi32>], vector<16xf32>,
        %gather3A_408 = tpu.vector_load_idx %arg8[%add3A_370, %add3A_9] : memref<128x64xf32, #tpu.memory_space<vmem>>[vector<16xi32>, vector<16xi32>], vector<16xf32>,
        %gather3A_409 = tpu.vector_load_idx %arg8[%add3A_370, %add3A_12] : memref<128x64xf32, #tpu.memory_space<vmem>>[vector<16xi32>, vector<16xi32>], vector<16xf32>,
        %add3A_410 = arith.addf %gather3A_406, %get3A_291 : vector<16xf32>
        %add3A_411 = arith.addf %gather3A_407, %get3A_294 : vector<16xf32>
        %add3A_412 = arith.addf %gather3A_408, %get3A_297 : vector<16xf32>
        %add3A_413 = arith.addf %gather3A_409, %get3A_300 : vector<16xf32>
        tpu.vector_store_idx %arg10[%select_n3A, %rem3A_131, %add3A_370], %add3A_410 : memref<8x8x128xf32, #tpu.memory_space<vmem>>[vector<16xi32>, vector<16xi32>, vector<16xi32>], vector<16xf32>,
        tpu.vector_store_idx %arg10[%select_n3A_66, %rem3A_134, %add3A_370], %add3A_411 : memref<8x8x128xf32, #tpu.memory_space<vmem>>[vector<16xi32>, vector<16xi32>, vector<16xi32>], vector<16xf32>,
        tpu.vector_store_idx %arg10[%select_n3A_97, %rem3A_137, %add3A_370], %add3A_412 : memref<8x8x128xf32, #tpu.memory_space<vmem>>[vector<16xi32>, vector<16xi32>, vector<16xi32>], vector<16xf32>,
        tpu.vector_store_idx %arg10[%select_n3A_128, %rem3A_140, %add3A_370], %add3A_413 : memref<8x8x128xf32, #tpu.memory_space<vmem>>[vector<16xi32>, vector<16xi32>, vector<16xi32>], vector<16xf32>,
        %gather3A_414 = tpu.vector_load_idx %arg8[%add3A_371, %add3A_3] : memref<128x64xf32, #tpu.memory_space<vmem>>[vector<16xi32>, vector<16xi32>], vector<16xf32>,
        %gather3A_415 = tpu.vector_load_idx %arg8[%add3A_371, %add3A_6] : memref<128x64xf32, #tpu.memory_space<vmem>>[vector<16xi32>, vector<16xi32>], vector<16xf32>,
        %gather3A_416 = tpu.vector_load_idx %arg8[%add3A_371, %add3A_9] : memref<128x64xf32, #tpu.memory_space<vmem>>[vector<16xi32>, vector<16xi32>], vector<16xf32>,
        %gather3A_417 = tpu.vector_load_idx %arg8[%add3A_371, %add3A_12] : memref<128x64xf32, #tpu.memory_space<vmem>>[vector<16xi32>, vector<16xi32>], vector<16xf32>,
        %add3A_418 = arith.addf %gather3A_414, %get3A_291 : vector<16xf32>
        %add3A_419 = arith.addf %gather3A_415, %get3A_294 : vector<16xf32>
        %add3A_420 = arith.addf %gather3A_416, %get3A_297 : vector<16xf32>
        %add3A_421 = arith.addf %gather3A_417, %get3A_300 : vector<16xf32>
        tpu.vector_store_idx %arg10[%select_n3A, %rem3A_131, %add3A_371], %add3A_418 : memref<8x8x128xf32, #tpu.memory_space<vmem>>[vector<16xi32>, vector<16xi32>, vector<16xi32>], vector<16xf32>,
        tpu.vector_store_idx %arg10[%select_n3A_66, %rem3A_134, %add3A_371], %add3A_419 : memref<8x8x128xf32, #tpu.memory_space<vmem>>[vector<16xi32>, vector<16xi32>, vector<16xi32>], vector<16xf32>,
        tpu.vector_store_idx %arg10[%select_n3A_97, %rem3A_137, %add3A_371], %add3A_420 : memref<8x8x128xf32, #tpu.memory_space<vmem>>[vector<16xi32>, vector<16xi32>, vector<16xi32>], vector<16xf32>,
        tpu.vector_store_idx %arg10[%select_n3A_128, %rem3A_140, %add3A_371], %add3A_421 : memref<8x8x128xf32, #tpu.memory_space<vmem>>[vector<16xi32>, vector<16xi32>, vector<16xi32>], vector<16xf32>,
        %gather3A_422 = tpu.vector_load_idx %arg8[%add3A_372, %add3A_3] : memref<128x64xf32, #tpu.memory_space<vmem>>[vector<16xi32>, vector<16xi32>], vector<16xf32>,
        %gather3A_423 = tpu.vector_load_idx %arg8[%add3A_372, %add3A_6] : memref<128x64xf32, #tpu.memory_space<vmem>>[vector<16xi32>, vector<16xi32>], vector<16xf32>,
        %gather3A_424 = tpu.vector_load_idx %arg8[%add3A_372, %add3A_9] : memref<128x64xf32, #tpu.memory_space<vmem>>[vector<16xi32>, vector<16xi32>], vector<16xf32>,
        %gather3A_425 = tpu.vector_load_idx %arg8[%add3A_372, %add3A_12] : memref<128x64xf32, #tpu.memory_space<vmem>>[vector<16xi32>, vector<16xi32>], vector<16xf32>,
        %add3A_426 = arith.addf %gather3A_422, %get3A_291 : vector<16xf32>
        %add3A_427 = arith.addf %gather3A_423, %get3A_294 : vector<16xf32>
        %add3A_428 = arith.addf %gather3A_424, %get3A_297 : vector<16xf32>
        %add3A_429 = arith.addf %gather3A_425, %get3A_300 : vector<16xf32>
        tpu.vector_store_idx %arg10[%select_n3A, %rem3A_131, %add3A_372], %add3A_426 : memref<8x8x128xf32, #tpu.memory_space<vmem>>[vector<16xi32>, vector<16xi32>, vector<16xi32>], vector<16xf32>,
        tpu.vector_store_idx %arg10[%select_n3A_66, %rem3A_134, %add3A_372], %add3A_427 : memref<8x8x128xf32, #tpu.memory_space<vmem>>[vector<16xi32>, vector<16xi32>, vector<16xi32>], vector<16xf32>,
        tpu.vector_store_idx %arg10[%select_n3A_97, %rem3A_137, %add3A_372], %add3A_428 : memref<8x8x128xf32, #tpu.memory_space<vmem>>[vector<16xi32>, vector<16xi32>, vector<16xi32>], vector<16xf32>,
        tpu.vector_store_idx %arg10[%select_n3A_128, %rem3A_140, %add3A_372], %add3A_429 : memref<8x8x128xf32, #tpu.memory_space<vmem>>[vector<16xi32>, vector<16xi32>, vector<16xi32>], vector<16xf32>,
        %gather3A_430 = tpu.vector_load_idx %arg8[%add3A_373, %add3A_3] : memref<128x64xf32, #tpu.memory_space<vmem>>[vector<16xi32>, vector<16xi32>], vector<16xf32>,
        %gather3A_431 = tpu.vector_load_idx %arg8[%add3A_373, %add3A_6] : memref<128x64xf32, #tpu.memory_space<vmem>>[vector<16xi32>, vector<16xi32>], vector<16xf32>,
        %gather3A_432 = tpu.vector_load_idx %arg8[%add3A_373, %add3A_9] : memref<128x64xf32, #tpu.memory_space<vmem>>[vector<16xi32>, vector<16xi32>], vector<16xf32>,
        %gather3A_433 = tpu.vector_load_idx %arg8[%add3A_373, %add3A_12] : memref<128x64xf32, #tpu.memory_space<vmem>>[vector<16xi32>, vector<16xi32>], vector<16xf32>,
        %add3A_434 = arith.addf %gather3A_430, %get3A_291 : vector<16xf32>
        %add3A_435 = arith.addf %gather3A_431, %get3A_294 : vector<16xf32>
        %add3A_436 = arith.addf %gather3A_432, %get3A_297 : vector<16xf32>
        %add3A_437 = arith.addf %gather3A_433, %get3A_300 : vector<16xf32>
        tpu.vector_store_idx %arg10[%select_n3A, %rem3A_131, %add3A_373], %add3A_434 : memref<8x8x128xf32, #tpu.memory_space<vmem>>[vector<16xi32>, vector<16xi32>, vector<16xi32>], vector<16xf32>,
        tpu.vector_store_idx %arg10[%select_n3A_66, %rem3A_134, %add3A_373], %add3A_435 : memref<8x8x128xf32, #tpu.memory_space<vmem>>[vector<16xi32>, vector<16xi32>, vector<16xi32>], vector<16xf32>,
        tpu.vector_store_idx %arg10[%select_n3A_97, %rem3A_137, %add3A_373], %add3A_436 : memref<8x8x128xf32, #tpu.memory_space<vmem>>[vector<16xi32>, vector<16xi32>, vector<16xi32>], vector<16xf32>,
        tpu.vector_store_idx %arg10[%select_n3A_128, %rem3A_140, %add3A_373], %add3A_437 : memref<8x8x128xf32, #tpu.memory_space<vmem>>[vector<16xi32>, vector<16xi32>, vector<16xi32>], vector<16xf32>,
        %gather3A_438 = tpu.vector_load_idx %arg8[%add3A_374, %add3A_3] : memref<128x64xf32, #tpu.memory_space<vmem>>[vector<16xi32>, vector<16xi32>], vector<16xf32>,
        %gather3A_439 = tpu.vector_load_idx %arg8[%add3A_374, %add3A_6] : memref<128x64xf32, #tpu.memory_space<vmem>>[vector<16xi32>, vector<16xi32>], vector<16xf32>,
        %gather3A_440 = tpu.vector_load_idx %arg8[%add3A_374, %add3A_9] : memref<128x64xf32, #tpu.memory_space<vmem>>[vector<16xi32>, vector<16xi32>], vector<16xf32>,
        %gather3A_441 = tpu.vector_load_idx %arg8[%add3A_374, %add3A_12] : memref<128x64xf32, #tpu.memory_space<vmem>>[vector<16xi32>, vector<16xi32>], vector<16xf32>,
        %add3A_442 = arith.addf %gather3A_438, %get3A_291 : vector<16xf32>
        %add3A_443 = arith.addf %gather3A_439, %get3A_294 : vector<16xf32>
        %add3A_444 = arith.addf %gather3A_440, %get3A_297 : vector<16xf32>
        %add3A_445 = arith.addf %gather3A_441, %get3A_300 : vector<16xf32>
        tpu.vector_store_idx %arg10[%select_n3A, %rem3A_131, %add3A_374], %add3A_442 : memref<8x8x128xf32, #tpu.memory_space<vmem>>[vector<16xi32>, vector<16xi32>, vector<16xi32>], vector<16xf32>,
        tpu.vector_store_idx %arg10[%select_n3A_66, %rem3A_134, %add3A_374], %add3A_443 : memref<8x8x128xf32, #tpu.memory_space<vmem>>[vector<16xi32>, vector<16xi32>, vector<16xi32>], vector<16xf32>,
        tpu.vector_store_idx %arg10[%select_n3A_97, %rem3A_137, %add3A_374], %add3A_444 : memref<8x8x128xf32, #tpu.memory_space<vmem>>[vector<16xi32>, vector<16xi32>, vector<16xi32>], vector<16xf32>,
        tpu.vector_store_idx %arg10[%select_n3A_128, %rem3A_140, %add3A_374], %add3A_445 : memref<8x8x128xf32, #tpu.memory_space<vmem>>[vector<16xi32>, vector<16xi32>, vector<16xi32>], vector<16xf32>,
        %gather3A_446 = tpu.vector_load_idx %arg8[%add3A_375, %add3A_3] : memref<128x64xf32, #tpu.memory_space<vmem>>[vector<16xi32>, vector<16xi32>], vector<16xf32>,
        %gather3A_447 = tpu.vector_load_idx %arg8[%add3A_375, %add3A_6] : memref<128x64xf32, #tpu.memory_space<vmem>>[vector<16xi32>, vector<16xi32>], vector<16xf32>,
        %gather3A_448 = tpu.vector_load_idx %arg8[%add3A_375, %add3A_9] : memref<128x64xf32, #tpu.memory_space<vmem>>[vector<16xi32>, vector<16xi32>], vector<16xf32>,
        %gather3A_449 = tpu.vector_load_idx %arg8[%add3A_375, %add3A_12] : memref<128x64xf32, #tpu.memory_space<vmem>>[vector<16xi32>, vector<16xi32>], vector<16xf32>,
        %add3A_450 = arith.addf %gather3A_446, %get3A_291 : vector<16xf32>
        %add3A_451 = arith.addf %gather3A_447, %get3A_294 : vector<16xf32>
        %add3A_452 = arith.addf %gather3A_448, %get3A_297 : vector<16xf32>
        %add3A_453 = arith.addf %gather3A_449, %get3A_300 : vector<16xf32>
        tpu.vector_store_idx %arg10[%select_n3A, %rem3A_131, %add3A_375], %add3A_450 : memref<8x8x128xf32, #tpu.memory_space<vmem>>[vector<16xi32>, vector<16xi32>, vector<16xi32>], vector<16xf32>,
        tpu.vector_store_idx %arg10[%select_n3A_66, %rem3A_134, %add3A_375], %add3A_451 : memref<8x8x128xf32, #tpu.memory_space<vmem>>[vector<16xi32>, vector<16xi32>, vector<16xi32>], vector<16xf32>,
        tpu.vector_store_idx %arg10[%select_n3A_97, %rem3A_137, %add3A_375], %add3A_452 : memref<8x8x128xf32, #tpu.memory_space<vmem>>[vector<16xi32>, vector<16xi32>, vector<16xi32>], vector<16xf32>,
        tpu.vector_store_idx %arg10[%select_n3A_128, %rem3A_140, %add3A_375], %add3A_453 : memref<8x8x128xf32, #tpu.memory_space<vmem>>[vector<16xi32>, vector<16xi32>, vector<16xi32>], vector<16xf32>,
        %gather3A_454 = tpu.vector_load_idx %arg8[%add3A_376, %add3A_3] : memref<128x64xf32, #tpu.memory_space<vmem>>[vector<16xi32>, vector<16xi32>], vector<16xf32>,
        %gather3A_455 = tpu.vector_load_idx %arg8[%add3A_376, %add3A_6] : memref<128x64xf32, #tpu.memory_space<vmem>>[vector<16xi32>, vector<16xi32>], vector<16xf32>,
        %gather3A_456 = tpu.vector_load_idx %arg8[%add3A_376, %add3A_9] : memref<128x64xf32, #tpu.memory_space<vmem>>[vector<16xi32>, vector<16xi32>], vector<16xf32>,
        %gather3A_457 = tpu.vector_load_idx %arg8[%add3A_376, %add3A_12] : memref<128x64xf32, #tpu.memory_space<vmem>>[vector<16xi32>, vector<16xi32>], vector<16xf32>,
        %add3A_458 = arith.addf %gather3A_454, %get3A_291 : vector<16xf32>
        %add3A_459 = arith.addf %gather3A_455, %get3A_294 : vector<16xf32>
        %add3A_460 = arith.addf %gather3A_456, %get3A_297 : vector<16xf32>
        %add3A_461 = arith.addf %gather3A_457, %get3A_300 : vector<16xf32>
        tpu.vector_store_idx %arg10[%select_n3A, %rem3A_131, %add3A_376], %add3A_458 : memref<8x8x128xf32, #tpu.memory_space<vmem>>[vector<16xi32>, vector<16xi32>, vector<16xi32>], vector<16xf32>,
        tpu.vector_store_idx %arg10[%select_n3A_66, %rem3A_134, %add3A_376], %add3A_459 : memref<8x8x128xf32, #tpu.memory_space<vmem>>[vector<16xi32>, vector<16xi32>, vector<16xi32>], vector<16xf32>,
        tpu.vector_store_idx %arg10[%select_n3A_97, %rem3A_137, %add3A_376], %add3A_460 : memref<8x8x128xf32, #tpu.memory_space<vmem>>[vector<16xi32>, vector<16xi32>, vector<16xi32>], vector<16xf32>,
        tpu.vector_store_idx %arg10[%select_n3A_128, %rem3A_140, %add3A_376], %add3A_461 : memref<8x8x128xf32, #tpu.memory_space<vmem>>[vector<16xi32>, vector<16xi32>, vector<16xi32>], vector<16xf32>,
        %gather3A_462 = tpu.vector_load_idx %arg8[%add3A_377, %add3A_3] : memref<128x64xf32, #tpu.memory_space<vmem>>[vector<16xi32>, vector<16xi32>], vector<16xf32>,
        %gather3A_463 = tpu.vector_load_idx %arg8[%add3A_377, %add3A_6] : memref<128x64xf32, #tpu.memory_space<vmem>>[vector<16xi32>, vector<16xi32>], vector<16xf32>,
        %gather3A_464 = tpu.vector_load_idx %arg8[%add3A_377, %add3A_9] : memref<128x64xf32, #tpu.memory_space<vmem>>[vector<16xi32>, vector<16xi32>], vector<16xf32>,
        %gather3A_465 = tpu.vector_load_idx %arg8[%add3A_377, %add3A_12] : memref<128x64xf32, #tpu.memory_space<vmem>>[vector<16xi32>, vector<16xi32>], vector<16xf32>,
        %add3A_466 = arith.addf %gather3A_462, %get3A_291 : vector<16xf32>
        %add3A_467 = arith.addf %gather3A_463, %get3A_294 : vector<16xf32>
        %add3A_468 = arith.addf %gather3A_464, %get3A_297 : vector<16xf32>
        %add3A_469 = arith.addf %gather3A_465, %get3A_300 : vector<16xf32>
        tpu.vector_store_idx %arg10[%select_n3A, %rem3A_131, %add3A_377], %add3A_466 : memref<8x8x128xf32, #tpu.memory_space<vmem>>[vector<16xi32>, vector<16xi32>, vector<16xi32>], vector<16xf32>,
        tpu.vector_store_idx %arg10[%select_n3A_66, %rem3A_134, %add3A_377], %add3A_467 : memref<8x8x128xf32, #tpu.memory_space<vmem>>[vector<16xi32>, vector<16xi32>, vector<16xi32>], vector<16xf32>,
        tpu.vector_store_idx %arg10[%select_n3A_97, %rem3A_137, %add3A_377], %add3A_468 : memref<8x8x128xf32, #tpu.memory_space<vmem>>[vector<16xi32>, vector<16xi32>, vector<16xi32>], vector<16xf32>,
        tpu.vector_store_idx %arg10[%select_n3A_128, %rem3A_140, %add3A_377], %add3A_469 : memref<8x8x128xf32, #tpu.memory_space<vmem>>[vector<16xi32>, vector<16xi32>, vector<16xi32>], vector<16xf32>,
        %gather3A_470 = tpu.vector_load_idx %arg8[%add3A_378, %add3A_3] : memref<128x64xf32, #tpu.memory_space<vmem>>[vector<16xi32>, vector<16xi32>], vector<16xf32>,
        %gather3A_471 = tpu.vector_load_idx %arg8[%add3A_378, %add3A_6] : memref<128x64xf32, #tpu.memory_space<vmem>>[vector<16xi32>, vector<16xi32>], vector<16xf32>,
        %gather3A_472 = tpu.vector_load_idx %arg8[%add3A_378, %add3A_9] : memref<128x64xf32, #tpu.memory_space<vmem>>[vector<16xi32>, vector<16xi32>], vector<16xf32>,
        %gather3A_473 = tpu.vector_load_idx %arg8[%add3A_378, %add3A_12] : memref<128x64xf32, #tpu.memory_space<vmem>>[vector<16xi32>, vector<16xi32>], vector<16xf32>,
        %add3A_474 = arith.addf %gather3A_470, %get3A_291 : vector<16xf32>
        %add3A_475 = arith.addf %gather3A_471, %get3A_294 : vector<16xf32>
        %add3A_476 = arith.addf %gather3A_472, %get3A_297 : vector<16xf32>
        %add3A_477 = arith.addf %gather3A_473, %get3A_300 : vector<16xf32>
        tpu.vector_store_idx %arg10[%select_n3A, %rem3A_131, %add3A_378], %add3A_474 : memref<8x8x128xf32, #tpu.memory_space<vmem>>[vector<16xi32>, vector<16xi32>, vector<16xi32>], vector<16xf32>,
        tpu.vector_store_idx %arg10[%select_n3A_66, %rem3A_134, %add3A_378], %add3A_475 : memref<8x8x128xf32, #tpu.memory_space<vmem>>[vector<16xi32>, vector<16xi32>, vector<16xi32>], vector<16xf32>,
        tpu.vector_store_idx %arg10[%select_n3A_97, %rem3A_137, %add3A_378], %add3A_476 : memref<8x8x128xf32, #tpu.memory_space<vmem>>[vector<16xi32>, vector<16xi32>, vector<16xi32>], vector<16xf32>,
        tpu.vector_store_idx %arg10[%select_n3A_128, %rem3A_140, %add3A_378], %add3A_477 : memref<8x8x128xf32, #tpu.memory_space<vmem>>[vector<16xi32>, vector<16xi32>, vector<16xi32>], vector<16xf32>,
        %gather3A_478 = tpu.vector_load_idx %arg8[%add3A_379, %add3A_3] : memref<128x64xf32, #tpu.memory_space<vmem>>[vector<16xi32>, vector<16xi32>], vector<16xf32>,
        %gather3A_479 = tpu.vector_load_idx %arg8[%add3A_379, %add3A_6] : memref<128x64xf32, #tpu.memory_space<vmem>>[vector<16xi32>, vector<16xi32>], vector<16xf32>,
        %gather3A_480 = tpu.vector_load_idx %arg8[%add3A_379, %add3A_9] : memref<128x64xf32, #tpu.memory_space<vmem>>[vector<16xi32>, vector<16xi32>], vector<16xf32>,
        %gather3A_481 = tpu.vector_load_idx %arg8[%add3A_379, %add3A_12] : memref<128x64xf32, #tpu.memory_space<vmem>>[vector<16xi32>, vector<16xi32>], vector<16xf32>,
        %add3A_482 = arith.addf %gather3A_478, %get3A_291 : vector<16xf32>
        %add3A_483 = arith.addf %gather3A_479, %get3A_294 : vector<16xf32>
        %add3A_484 = arith.addf %gather3A_480, %get3A_297 : vector<16xf32>
        %add3A_485 = arith.addf %gather3A_481, %get3A_300 : vector<16xf32>
        tpu.vector_store_idx %arg10[%select_n3A, %rem3A_131, %add3A_379], %add3A_482 : memref<8x8x128xf32, #tpu.memory_space<vmem>>[vector<16xi32>, vector<16xi32>, vector<16xi32>], vector<16xf32>,
        tpu.vector_store_idx %arg10[%select_n3A_66, %rem3A_134, %add3A_379], %add3A_483 : memref<8x8x128xf32, #tpu.memory_space<vmem>>[vector<16xi32>, vector<16xi32>, vector<16xi32>], vector<16xf32>,
        tpu.vector_store_idx %arg10[%select_n3A_97, %rem3A_137, %add3A_379], %add3A_484 : memref<8x8x128xf32, #tpu.memory_space<vmem>>[vector<16xi32>, vector<16xi32>, vector<16xi32>], vector<16xf32>,
        tpu.vector_store_idx %arg10[%select_n3A_128, %rem3A_140, %add3A_379], %add3A_485 : memref<8x8x128xf32, #tpu.memory_space<vmem>>[vector<16xi32>, vector<16xi32>, vector<16xi32>], vector<16xf32>,
        %gather3A_486 = tpu.vector_load_idx %arg8[%add3A_380, %add3A_3] : memref<128x64xf32, #tpu.memory_space<vmem>>[vector<16xi32>, vector<16xi32>], vector<16xf32>,
        %gather3A_487 = tpu.vector_load_idx %arg8[%add3A_380, %add3A_6] : memref<128x64xf32, #tpu.memory_space<vmem>>[vector<16xi32>, vector<16xi32>], vector<16xf32>,
        %gather3A_488 = tpu.vector_load_idx %arg8[%add3A_380, %add3A_9] : memref<128x64xf32, #tpu.memory_space<vmem>>[vector<16xi32>, vector<16xi32>], vector<16xf32>,
        %gather3A_489 = tpu.vector_load_idx %arg8[%add3A_380, %add3A_12] : memref<128x64xf32, #tpu.memory_space<vmem>>[vector<16xi32>, vector<16xi32>], vector<16xf32>,
        %add3A_490 = arith.addf %gather3A_486, %get3A_291 : vector<16xf32>
        %add3A_491 = arith.addf %gather3A_487, %get3A_294 : vector<16xf32>
        %add3A_492 = arith.addf %gather3A_488, %get3A_297 : vector<16xf32>
        %add3A_493 = arith.addf %gather3A_489, %get3A_300 : vector<16xf32>
        tpu.vector_store_idx %arg10[%select_n3A, %rem3A_131, %add3A_380], %add3A_490 : memref<8x8x128xf32, #tpu.memory_space<vmem>>[vector<16xi32>, vector<16xi32>, vector<16xi32>], vector<16xf32>,
        tpu.vector_store_idx %arg10[%select_n3A_66, %rem3A_134, %add3A_380], %add3A_491 : memref<8x8x128xf32, #tpu.memory_space<vmem>>[vector<16xi32>, vector<16xi32>, vector<16xi32>], vector<16xf32>,
        tpu.vector_store_idx %arg10[%select_n3A_97, %rem3A_137, %add3A_380], %add3A_492 : memref<8x8x128xf32, #tpu.memory_space<vmem>>[vector<16xi32>, vector<16xi32>, vector<16xi32>], vector<16xf32>,
        tpu.vector_store_idx %arg10[%select_n3A_128, %rem3A_140, %add3A_380], %add3A_493 : memref<8x8x128xf32, #tpu.memory_space<vmem>>[vector<16xi32>, vector<16xi32>, vector<16xi32>], vector<16xf32>,
        %gather3A_494 = tpu.vector_load_idx %arg8[%add3A_381, %add3A_3] : memref<128x64xf32, #tpu.memory_space<vmem>>[vector<16xi32>, vector<16xi32>], vector<16xf32>,
        %gather3A_495 = tpu.vector_load_idx %arg8[%add3A_381, %add3A_6] : memref<128x64xf32, #tpu.memory_space<vmem>>[vector<16xi32>, vector<16xi32>], vector<16xf32>,
        %gather3A_496 = tpu.vector_load_idx %arg8[%add3A_381, %add3A_9] : memref<128x64xf32, #tpu.memory_space<vmem>>[vector<16xi32>, vector<16xi32>], vector<16xf32>,
        %gather3A_497 = tpu.vector_load_idx %arg8[%add3A_381, %add3A_12] : memref<128x64xf32, #tpu.memory_space<vmem>>[vector<16xi32>, vector<16xi32>], vector<16xf32>,
        %add3A_498 = arith.addf %gather3A_494, %get3A_291 : vector<16xf32>
        %add3A_499 = arith.addf %gather3A_495, %get3A_294 : vector<16xf32>
        %add3A_500 = arith.addf %gather3A_496, %get3A_297 : vector<16xf32>
        %add3A_501 = arith.addf %gather3A_497, %get3A_300 : vector<16xf32>
        tpu.vector_store_idx %arg10[%select_n3A, %rem3A_131, %add3A_381], %add3A_498 : memref<8x8x128xf32, #tpu.memory_space<vmem>>[vector<16xi32>, vector<16xi32>, vector<16xi32>], vector<16xf32>,
        tpu.vector_store_idx %arg10[%select_n3A_66, %rem3A_134, %add3A_381], %add3A_499 : memref<8x8x128xf32, #tpu.memory_space<vmem>>[vector<16xi32>, vector<16xi32>, vector<16xi32>], vector<16xf32>,
        tpu.vector_store_idx %arg10[%select_n3A_97, %rem3A_137, %add3A_381], %add3A_500 : memref<8x8x128xf32, #tpu.memory_space<vmem>>[vector<16xi32>, vector<16xi32>, vector<16xi32>], vector<16xf32>,
        tpu.vector_store_idx %arg10[%select_n3A_128, %rem3A_140, %add3A_381], %add3A_501 : memref<8x8x128xf32, #tpu.memory_space<vmem>>[vector<16xi32>, vector<16xi32>, vector<16xi32>], vector<16xf32>,
        %gather3A_502 = tpu.vector_load_idx %arg8[%add3A_382, %add3A_3] : memref<128x64xf32, #tpu.memory_space<vmem>>[vector<16xi32>, vector<16xi32>], vector<16xf32>,
        %gather3A_503 = tpu.vector_load_idx %arg8[%add3A_382, %add3A_6] : memref<128x64xf32, #tpu.memory_space<vmem>>[vector<16xi32>, vector<16xi32>], vector<16xf32>,
        %gather3A_504 = tpu.vector_load_idx %arg8[%add3A_382, %add3A_9] : memref<128x64xf32, #tpu.memory_space<vmem>>[vector<16xi32>, vector<16xi32>], vector<16xf32>,
        %gather3A_505 = tpu.vector_load_idx %arg8[%add3A_382, %add3A_12] : memref<128x64xf32, #tpu.memory_space<vmem>>[vector<16xi32>, vector<16xi32>], vector<16xf32>,
        %add3A_506 = arith.addf %gather3A_502, %get3A_291 : vector<16xf32>
        %add3A_507 = arith.addf %gather3A_503, %get3A_294 : vector<16xf32>
        %add3A_508 = arith.addf %gather3A_504, %get3A_297 : vector<16xf32>
        %add3A_509 = arith.addf %gather3A_505, %get3A_300 : vector<16xf32>
        tpu.vector_store_idx %arg10[%select_n3A, %rem3A_131, %add3A_382], %add3A_506 : memref<8x8x128xf32, #tpu.memory_space<vmem>>[vector<16xi32>, vector<16xi32>, vector<16xi32>], vector<16xf32>,
        tpu.vector_store_idx %arg10[%select_n3A_66, %rem3A_134, %add3A_382], %add3A_507 : memref<8x8x128xf32, #tpu.memory_space<vmem>>[vector<16xi32>, vector<16xi32>, vector<16xi32>], vector<16xf32>,
        tpu.vector_store_idx %arg10[%select_n3A_97, %rem3A_137, %add3A_382], %add3A_508 : memref<8x8x128xf32, #tpu.memory_space<vmem>>[vector<16xi32>, vector<16xi32>, vector<16xi32>], vector<16xf32>,
        tpu.vector_store_idx %arg10[%select_n3A_128, %rem3A_140, %add3A_382], %add3A_509 : memref<8x8x128xf32, #tpu.memory_space<vmem>>[vector<16xi32>, vector<16xi32>, vector<16xi32>], vector<16xf32>,
      }
      %scan3A_305 = arith.constant 8 : i32
      %dma_start3A_306 = arith.constant 0 : i32
      %dma_start3A_307 = arith.constant 0 : i32
      %dma_start3A_308 = arith.constant 0 : i32
      %dma_start3A_309 = tpu.memref_slice %arg5[%add3A_277, %dma_start3A_306, %add3A, %dma_start3A_307, %dma_start3A_308] : memref<200x8x32x8x128xf32, #tpu.memory_space<hbm>> -> memref<1x8x1x8x128xf32, #tpu.memory_space<hbm>>
      %dma_start3A_310 = tpu.memref_squeeze %dma_start3A_309 : memref<1x8x1x8x128xf32, #tpu.memory_space<hbm>> -> memref<8x8x128xf32, #tpu.memory_space<hbm>>
      %dma_start3A_311 = arith.constant 0 : i32
      %dma_start3A_312 = arith.constant 0 : i32
      %dma_start3A_313 = arith.constant 0 : i32
      %dma_start3A_314 = tpu.memref_slice %arg5[%add3A_277, %dma_start3A_311, %add3A, %dma_start3A_312, %dma_start3A_313] : memref<200x8x32x8x128xf32, #tpu.memory_space<hbm>> -> memref<1x8x1x8x128xf32, #tpu.memory_space<hbm>>
      %dma_start3A_315 = tpu.memref_squeeze %dma_start3A_314 : memref<1x8x1x8x128xf32, #tpu.memory_space<hbm>> -> memref<8x8x128xf32, #tpu.memory_space<hbm>>
      tpu.enqueue_dma source(%arg10 : memref<8x8x128xf32, #tpu.memory_space<vmem>>) target(%dma_start3A_315 : memref<8x8x128xf32, #tpu.memory_space<hbm>>) target_semaphore(%arg14 : memref<!tpu.dma_semaphore, #tpu.memory_space<semaphore_mem>>)
      %add3A_316 = arith.constant 1 : i32
      %add3A_317 = arith.addi %add3A_275, %add3A_316 : i32
      %add3A_318 = arith.constant 1 : i32
      %add3A_319 = arith.addi %add3A_317, %add3A_318 : i32
      %lt3A_320 = arith.constant 200 : i32
      %lt3A_321 = arith.cmpi slt, %add3A_319, %lt3A_320 : i32
      %convert_element_type3A_322 = arith.extui %lt3A_321 : i1 to i32
      %cond3A_323 = arith.constant 0 : i32
      %cond3A_324 = arith.cmpi ne, %convert_element_type3A_322, %cond3A_323 : i32
      scf.if %cond3A_324 {
        %add3A_360 = arith.constant 1 : i32
        %add3A_361 = arith.addi %add3A_317, %add3A_360 : i32
        %jit3A_362 = arith.constant 8 : i32
        %div3A_363 = arith.divsi %add3A_361, %jit3A_362 : i32
        %sign3A_364 = arith.constant 0 : i32
        %sign3A_365 = arith.cmpi sgt, %add3A_361, %sign3A_364 : i32
        %sign3A_366 = arith.extui %sign3A_365 : i1 to i32
        %sign3A_367 = arith.constant 0 : i32
        %sign3A_368 = arith.cmpi slt, %add3A_361, %sign3A_367 : i32
        %sign3A_369 = arith.extui %sign3A_368 : i1 to i32
        %sign3A_370 = arith.subi %sign3A_366, %sign3A_369 : i32
        %sign3A_371 = arith.constant 0 : i32
        %sign3A_372 = arith.cmpi sgt, %jit3A_362, %sign3A_371 : i32
        %sign3A_373 = arith.extui %sign3A_372 : i1 to i32
        %sign3A_374 = arith.constant 0 : i32
        %sign3A_375 = arith.cmpi slt, %jit3A_362, %sign3A_374 : i32
        %sign3A_376 = arith.extui %sign3A_375 : i1 to i32
        %sign3A_377 = arith.subi %sign3A_373, %sign3A_376 : i32
        %ne3A_378 = arith.cmpi ne, %sign3A_370, %sign3A_377 : i32
        %rem3A_379 = arith.remsi %add3A_361, %jit3A_362 : i32
        %ne3A_380 = arith.constant 0 : i32
        %ne3A_381 = arith.cmpi ne, %rem3A_379, %ne3A_380 : i32
        %and3A_382 = arith.andi %ne3A_378, %ne3A_381 : i1
        %sub3A_383 = arith.constant 1 : i32
        %sub3A_384 = arith.subi %div3A_363, %sub3A_383 : i32
        %select_n3A_385 = arith.select %and3A_382, %sub3A_384, %div3A_363 : i32
        %rem3A_386 = arith.constant 8 : i32
        %rem3A_387 = arith.remsi %add3A_361, %rem3A_386 : i32
        %dma_start3A_388 = arith.constant 0 : i32
        %dma_start3A_389 = tpu.memref_slice %arg6[%select_n3A_385, %rem3A_387, %dma_start3A_388] : memref<25x8x128xi32, #tpu.memory_space<vmem>> -> memref<1x1x128xi32, #tpu.memory_space<vmem>>
        %dma_start3A_390 = tpu.memref_squeeze %dma_start3A_389 : memref<1x1x128xi32, #tpu.memory_space<vmem>> -> memref<128xi32, #tpu.memory_space<vmem>>
        %dma_start3A_391 = arith.constant 0 : i32
        %dma_start3A_392 = arith.constant 0 : i32
        %dma_start3A_393 = tpu.memref_slice %arg3[%dma_start3A_391, %dma_start3A_392] : memref<100000x64xf32, #tpu.memory_space<hbm>> -> memref<100000x64xf32, #tpu.memory_space<hbm>>
        tpu.enqueue_indirect_dma source(%dma_start3A_393 : memref<100000x64xf32, #tpu.memory_space<hbm>>) target(%arg8 : memref<128x64xf32, #tpu.memory_space<vmem>>) offsets(%dma_start3A_390 : memref<128xi32, #tpu.memory_space<vmem>>) semaphore(%arg12 : memref<!tpu.dma_semaphore, #tpu.memory_space<semaphore_mem>>)
        %ge3A = arith.constant 1 : i32
        %ge3A_394 = arith.cmpi sge, %add3A_317, %ge3A : i32
        %convert_element_type3A_395 = arith.extui %ge3A_394 : i1 to i32
        %cond3A_396 = arith.constant 0 : i32
        %cond3A_397 = arith.cmpi ne, %convert_element_type3A_395, %cond3A_396 : i32
        scf.if %cond3A_397 {
          %dma_wait3A_398 = arith.constant 0 : i32
          %dma_wait3A_399 = arith.constant 0 : i32
          %dma_wait3A_400 = arith.constant 0 : i32
          %dma_wait3A_401 = arith.constant 0 : i32
          %dma_wait3A_402 = tpu.memref_slice %arg5[%dma_wait3A_398, %dma_wait3A_399, %add3A, %dma_wait3A_400, %dma_wait3A_401] : memref<200x8x32x8x128xf32, #tpu.memory_space<hbm>> -> memref<1x8x1x8x128xf32, #tpu.memory_space<hbm>>
          %dma_wait3A_403 = tpu.memref_squeeze %dma_wait3A_402 : memref<1x8x1x8x128xf32, #tpu.memory_space<hbm>> -> memref<8x8x128xf32, #tpu.memory_space<hbm>>
          %dma_wait3A_404 = arith.constant 0 : i32
          %dma_wait3A_405 = arith.constant 0 : i32
          %dma_wait3A_406 = arith.constant 0 : i32
          %dma_wait3A_407 = tpu.memref_slice %arg5[%dma_wait3A_398, %dma_wait3A_404, %add3A, %dma_wait3A_405, %dma_wait3A_406] : memref<200x8x32x8x128xf32, #tpu.memory_space<hbm>> -> memref<1x8x1x8x128xf32, #tpu.memory_space<hbm>>
          %dma_wait3A_408 = tpu.memref_squeeze %dma_wait3A_407 : memref<1x8x1x8x128xf32, #tpu.memory_space<hbm>> -> memref<8x8x128xf32, #tpu.memory_space<hbm>>
          tpu.wait_dma2 semaphore(%arg14 : memref<!tpu.dma_semaphore, #tpu.memory_space<semaphore_mem>>) src(%arg10 : memref<8x8x128xf32, #tpu.memory_space<vmem>>) dst(%dma_wait3A_408 : memref<8x8x128xf32, #tpu.memory_space<hbm>>)
        } else {
        }
      } else {
      }
      %dma_wait3A_325 = arith.constant 0 : i32
      %dma_wait3A_326 = arith.constant 0 : i32
      %dma_wait3A_327 = arith.constant 0 : i32
      %dma_wait3A_328 = tpu.memref_slice %arg6[%dma_wait3A_325, %dma_wait3A_326, %dma_wait3A_327] : memref<25x8x128xi32, #tpu.memory_space<vmem>> -> memref<1x1x128xi32, #tpu.memory_space<vmem>>
      %dma_wait3A_329 = tpu.memref_squeeze %dma_wait3A_328 : memref<1x1x128xi32, #tpu.memory_space<vmem>> -> memref<128xi32, #tpu.memory_space<vmem>>
      %dma_wait3A_330 = arith.constant 0 : i32
      %dma_wait3A_331 = arith.constant 0 : i32
      %dma_wait3A_332 = tpu.memref_slice %arg3[%dma_wait3A_330, %dma_wait3A_331] : memref<100000x64xf32, #tpu.memory_space<hbm>> -> memref<100000x64xf32, #tpu.memory_space<hbm>>
      tpu.wait_indirect_dma semaphore(%arg13 : memref<!tpu.dma_semaphore, #tpu.memory_space<semaphore_mem>>) src(%dma_wait3A_332 : memref<100000x64xf32, #tpu.memory_space<hbm>>) dst(%arg9 : memref<128x64xf32, #tpu.memory_space<vmem>>)
      %get3A_333 = arith.index_cast %add3A_317 : i32 to index
      %get3A_334 = arith.constant 0 : index
      %get3A_335 = tpu.vector_load %arg7[%get3A_333, %get3A_334] {strides = array<i32>} : memref<200x64xf32, #tpu.memory_space<vmem>>, vector<16xf32>,
      %get3A_336 = arith.index_cast %add3A_317 : i32 to index
      %get3A_337 = arith.constant 16 : index
      %get3A_338 = tpu.vector_load %arg7[%get3A_336, %get3A_337] {strides = array<i32>} : memref<200x64xf32, #tpu.memory_space<vmem>>, vector<16xf32>,
      %get3A_339 = arith.index_cast %add3A_317 : i32 to index
      %get3A_340 = arith.constant 32 : index
      %get3A_341 = tpu.vector_load %arg7[%get3A_339, %get3A_340] {strides = array<i32>} : memref<200x64xf32, #tpu.memory_space<vmem>>, vector<16xf32>,
      %get3A_342 = arith.index_cast %add3A_317 : i32 to index
      %get3A_343 = arith.constant 48 : index
      %get3A_344 = tpu.vector_load %arg7[%get3A_342, %get3A_343] {strides = array<i32>} : memref<200x64xf32, #tpu.memory_space<vmem>>, vector<16xf32>,
      %scan3A_345 = arith.constant 0 : i32
      %scan3A_346 = arith.constant 8 : i32
      %scan3A_347 = arith.addi %scan3A_345, %scan3A_346 : i32
      %scan3A_348 = arith.constant 1 : i32
      scf.for %scan3A_360 = %scan3A_345 to %scan3A_347 step %scan3A_348  : i32 {
        %mul3A_361 = arith.constant 1 : i32
        %mul3A_362 = arith.muli %scan3A_360, %mul3A_361 : i32
        %add3A_363 = arith.constant 0 : i32
        %add3A_364 = arith.addi %add3A_363, %mul3A_362 : i32
        %mul3A_365 = arith.constant 16 : i32
        %mul3A_366 = arith.muli %add3A_364, %mul3A_365 : i32
        %broadcast_in_dim3A = vector.broadcast %mul3A_366 : i32 to vector<16xi32>
        %add3A_367 = arith.addi %broadcast_in_dim3A, %rem3A_146 : vector<16xi32>
        %add3A_368 = arith.addi %broadcast_in_dim3A, %rem3A_152 : vector<16xi32>
        %add3A_369 = arith.addi %broadcast_in_dim3A, %rem3A_158 : vector<16xi32>
        %add3A_370 = arith.addi %broadcast_in_dim3A, %rem3A_164 : vector<16xi32>
        %add3A_371 = arith.addi %broadcast_in_dim3A, %rem3A_170 : vector<16xi32>
        %add3A_372 = arith.addi %broadcast_in_dim3A, %rem3A_176 : vector<16xi32>
        %add3A_373 = arith.addi %broadcast_in_dim3A, %rem3A_182 : vector<16xi32>
        %add3A_374 = arith.addi %broadcast_in_dim3A, %rem3A_188 : vector<16xi32>
        %add3A_375 = arith.addi %broadcast_in_dim3A, %rem3A_194 : vector<16xi32>
        %add3A_376 = arith.addi %broadcast_in_dim3A, %rem3A_200 : vector<16xi32>
        %add3A_377 = arith.addi %broadcast_in_dim3A, %rem3A_206 : vector<16xi32>
        %add3A_378 = arith.addi %broadcast_in_dim3A, %rem3A_212 : vector<16xi32>
        %add3A_379 = arith.addi %broadcast_in_dim3A, %rem3A_218 : vector<16xi32>
        %add3A_380 = arith.addi %broadcast_in_dim3A, %rem3A_224 : vector<16xi32>
        %add3A_381 = arith.addi %broadcast_in_dim3A, %rem3A_230 : vector<16xi32>
        %add3A_382 = arith.addi %broadcast_in_dim3A, %rem3A_236 : vector<16xi32>
        %gather3A = tpu.vector_load_idx %arg9[%add3A_367, %add3A_3] : memref<128x64xf32, #tpu.memory_space<vmem>>[vector<16xi32>, vector<16xi32>], vector<16xf32>,
        %gather3A_383 = tpu.vector_load_idx %arg9[%add3A_367, %add3A_6] : memref<128x64xf32, #tpu.memory_space<vmem>>[vector<16xi32>, vector<16xi32>], vector<16xf32>,
        %gather3A_384 = tpu.vector_load_idx %arg9[%add3A_367, %add3A_9] : memref<128x64xf32, #tpu.memory_space<vmem>>[vector<16xi32>, vector<16xi32>], vector<16xf32>,
        %gather3A_385 = tpu.vector_load_idx %arg9[%add3A_367, %add3A_12] : memref<128x64xf32, #tpu.memory_space<vmem>>[vector<16xi32>, vector<16xi32>], vector<16xf32>,
        %add3A_386 = arith.addf %gather3A, %get3A_335 : vector<16xf32>
        %add3A_387 = arith.addf %gather3A_383, %get3A_338 : vector<16xf32>
        %add3A_388 = arith.addf %gather3A_384, %get3A_341 : vector<16xf32>
        %add3A_389 = arith.addf %gather3A_385, %get3A_344 : vector<16xf32>
        tpu.vector_store_idx %arg11[%select_n3A, %rem3A_131, %add3A_367], %add3A_386 : memref<8x8x128xf32, #tpu.memory_space<vmem>>[vector<16xi32>, vector<16xi32>, vector<16xi32>], vector<16xf32>,
        tpu.vector_store_idx %arg11[%select_n3A_66, %rem3A_134, %add3A_367], %add3A_387 : memref<8x8x128xf32, #tpu.memory_space<vmem>>[vector<16xi32>, vector<16xi32>, vector<16xi32>], vector<16xf32>,
        tpu.vector_store_idx %arg11[%select_n3A_97, %rem3A_137, %add3A_367], %add3A_388 : memref<8x8x128xf32, #tpu.memory_space<vmem>>[vector<16xi32>, vector<16xi32>, vector<16xi32>], vector<16xf32>,
        tpu.vector_store_idx %arg11[%select_n3A_128, %rem3A_140, %add3A_367], %add3A_389 : memref<8x8x128xf32, #tpu.memory_space<vmem>>[vector<16xi32>, vector<16xi32>, vector<16xi32>], vector<16xf32>,
        %gather3A_390 = tpu.vector_load_idx %arg9[%add3A_368, %add3A_3] : memref<128x64xf32, #tpu.memory_space<vmem>>[vector<16xi32>, vector<16xi32>], vector<16xf32>,
        %gather3A_391 = tpu.vector_load_idx %arg9[%add3A_368, %add3A_6] : memref<128x64xf32, #tpu.memory_space<vmem>>[vector<16xi32>, vector<16xi32>], vector<16xf32>,
        %gather3A_392 = tpu.vector_load_idx %arg9[%add3A_368, %add3A_9] : memref<128x64xf32, #tpu.memory_space<vmem>>[vector<16xi32>, vector<16xi32>], vector<16xf32>,
        %gather3A_393 = tpu.vector_load_idx %arg9[%add3A_368, %add3A_12] : memref<128x64xf32, #tpu.memory_space<vmem>>[vector<16xi32>, vector<16xi32>], vector<16xf32>,
        %add3A_394 = arith.addf %gather3A_390, %get3A_335 : vector<16xf32>
        %add3A_395 = arith.addf %gather3A_391, %get3A_338 : vector<16xf32>
        %add3A_396 = arith.addf %gather3A_392, %get3A_341 : vector<16xf32>
        %add3A_397 = arith.addf %gather3A_393, %get3A_344 : vector<16xf32>
        tpu.vector_store_idx %arg11[%select_n3A, %rem3A_131, %add3A_368], %add3A_394 : memref<8x8x128xf32, #tpu.memory_space<vmem>>[vector<16xi32>, vector<16xi32>, vector<16xi32>], vector<16xf32>,
        tpu.vector_store_idx %arg11[%select_n3A_66, %rem3A_134, %add3A_368], %add3A_395 : memref<8x8x128xf32, #tpu.memory_space<vmem>>[vector<16xi32>, vector<16xi32>, vector<16xi32>], vector<16xf32>,
        tpu.vector_store_idx %arg11[%select_n3A_97, %rem3A_137, %add3A_368], %add3A_396 : memref<8x8x128xf32, #tpu.memory_space<vmem>>[vector<16xi32>, vector<16xi32>, vector<16xi32>], vector<16xf32>,
        tpu.vector_store_idx %arg11[%select_n3A_128, %rem3A_140, %add3A_368], %add3A_397 : memref<8x8x128xf32, #tpu.memory_space<vmem>>[vector<16xi32>, vector<16xi32>, vector<16xi32>], vector<16xf32>,
        %gather3A_398 = tpu.vector_load_idx %arg9[%add3A_369, %add3A_3] : memref<128x64xf32, #tpu.memory_space<vmem>>[vector<16xi32>, vector<16xi32>], vector<16xf32>,
        %gather3A_399 = tpu.vector_load_idx %arg9[%add3A_369, %add3A_6] : memref<128x64xf32, #tpu.memory_space<vmem>>[vector<16xi32>, vector<16xi32>], vector<16xf32>,
        %gather3A_400 = tpu.vector_load_idx %arg9[%add3A_369, %add3A_9] : memref<128x64xf32, #tpu.memory_space<vmem>>[vector<16xi32>, vector<16xi32>], vector<16xf32>,
        %gather3A_401 = tpu.vector_load_idx %arg9[%add3A_369, %add3A_12] : memref<128x64xf32, #tpu.memory_space<vmem>>[vector<16xi32>, vector<16xi32>], vector<16xf32>,
        %add3A_402 = arith.addf %gather3A_398, %get3A_335 : vector<16xf32>
        %add3A_403 = arith.addf %gather3A_399, %get3A_338 : vector<16xf32>
        %add3A_404 = arith.addf %gather3A_400, %get3A_341 : vector<16xf32>
        %add3A_405 = arith.addf %gather3A_401, %get3A_344 : vector<16xf32>
        tpu.vector_store_idx %arg11[%select_n3A, %rem3A_131, %add3A_369], %add3A_402 : memref<8x8x128xf32, #tpu.memory_space<vmem>>[vector<16xi32>, vector<16xi32>, vector<16xi32>], vector<16xf32>,
        tpu.vector_store_idx %arg11[%select_n3A_66, %rem3A_134, %add3A_369], %add3A_403 : memref<8x8x128xf32, #tpu.memory_space<vmem>>[vector<16xi32>, vector<16xi32>, vector<16xi32>], vector<16xf32>,
        tpu.vector_store_idx %arg11[%select_n3A_97, %rem3A_137, %add3A_369], %add3A_404 : memref<8x8x128xf32, #tpu.memory_space<vmem>>[vector<16xi32>, vector<16xi32>, vector<16xi32>], vector<16xf32>,
        tpu.vector_store_idx %arg11[%select_n3A_128, %rem3A_140, %add3A_369], %add3A_405 : memref<8x8x128xf32, #tpu.memory_space<vmem>>[vector<16xi32>, vector<16xi32>, vector<16xi32>], vector<16xf32>,
        %gather3A_406 = tpu.vector_load_idx %arg9[%add3A_370, %add3A_3] : memref<128x64xf32, #tpu.memory_space<vmem>>[vector<16xi32>, vector<16xi32>], vector<16xf32>,
        %gather3A_407 = tpu.vector_load_idx %arg9[%add3A_370, %add3A_6] : memref<128x64xf32, #tpu.memory_space<vmem>>[vector<16xi32>, vector<16xi32>], vector<16xf32>,
        %gather3A_408 = tpu.vector_load_idx %arg9[%add3A_370, %add3A_9] : memref<128x64xf32, #tpu.memory_space<vmem>>[vector<16xi32>, vector<16xi32>], vector<16xf32>,
        %gather3A_409 = tpu.vector_load_idx %arg9[%add3A_370, %add3A_12] : memref<128x64xf32, #tpu.memory_space<vmem>>[vector<16xi32>, vector<16xi32>], vector<16xf32>,
        %add3A_410 = arith.addf %gather3A_406, %get3A_335 : vector<16xf32>
        %add3A_411 = arith.addf %gather3A_407, %get3A_338 : vector<16xf32>
        %add3A_412 = arith.addf %gather3A_408, %get3A_341 : vector<16xf32>
        %add3A_413 = arith.addf %gather3A_409, %get3A_344 : vector<16xf32>
        tpu.vector_store_idx %arg11[%select_n3A, %rem3A_131, %add3A_370], %add3A_410 : memref<8x8x128xf32, #tpu.memory_space<vmem>>[vector<16xi32>, vector<16xi32>, vector<16xi32>], vector<16xf32>,
        tpu.vector_store_idx %arg11[%select_n3A_66, %rem3A_134, %add3A_370], %add3A_411 : memref<8x8x128xf32, #tpu.memory_space<vmem>>[vector<16xi32>, vector<16xi32>, vector<16xi32>], vector<16xf32>,
        tpu.vector_store_idx %arg11[%select_n3A_97, %rem3A_137, %add3A_370], %add3A_412 : memref<8x8x128xf32, #tpu.memory_space<vmem>>[vector<16xi32>, vector<16xi32>, vector<16xi32>], vector<16xf32>,
        tpu.vector_store_idx %arg11[%select_n3A_128, %rem3A_140, %add3A_370], %add3A_413 : memref<8x8x128xf32, #tpu.memory_space<vmem>>[vector<16xi32>, vector<16xi32>, vector<16xi32>], vector<16xf32>,
        %gather3A_414 = tpu.vector_load_idx %arg9[%add3A_371, %add3A_3] : memref<128x64xf32, #tpu.memory_space<vmem>>[vector<16xi32>, vector<16xi32>], vector<16xf32>,
        %gather3A_415 = tpu.vector_load_idx %arg9[%add3A_371, %add3A_6] : memref<128x64xf32, #tpu.memory_space<vmem>>[vector<16xi32>, vector<16xi32>], vector<16xf32>,
        %gather3A_416 = tpu.vector_load_idx %arg9[%add3A_371, %add3A_9] : memref<128x64xf32, #tpu.memory_space<vmem>>[vector<16xi32>, vector<16xi32>], vector<16xf32>,
        %gather3A_417 = tpu.vector_load_idx %arg9[%add3A_371, %add3A_12] : memref<128x64xf32, #tpu.memory_space<vmem>>[vector<16xi32>, vector<16xi32>], vector<16xf32>,
        %add3A_418 = arith.addf %gather3A_414, %get3A_335 : vector<16xf32>
        %add3A_419 = arith.addf %gather3A_415, %get3A_338 : vector<16xf32>
        %add3A_420 = arith.addf %gather3A_416, %get3A_341 : vector<16xf32>
        %add3A_421 = arith.addf %gather3A_417, %get3A_344 : vector<16xf32>
        tpu.vector_store_idx %arg11[%select_n3A, %rem3A_131, %add3A_371], %add3A_418 : memref<8x8x128xf32, #tpu.memory_space<vmem>>[vector<16xi32>, vector<16xi32>, vector<16xi32>], vector<16xf32>,
        tpu.vector_store_idx %arg11[%select_n3A_66, %rem3A_134, %add3A_371], %add3A_419 : memref<8x8x128xf32, #tpu.memory_space<vmem>>[vector<16xi32>, vector<16xi32>, vector<16xi32>], vector<16xf32>,
        tpu.vector_store_idx %arg11[%select_n3A_97, %rem3A_137, %add3A_371], %add3A_420 : memref<8x8x128xf32, #tpu.memory_space<vmem>>[vector<16xi32>, vector<16xi32>, vector<16xi32>], vector<16xf32>,
        tpu.vector_store_idx %arg11[%select_n3A_128, %rem3A_140, %add3A_371], %add3A_421 : memref<8x8x128xf32, #tpu.memory_space<vmem>>[vector<16xi32>, vector<16xi32>, vector<16xi32>], vector<16xf32>,
        %gather3A_422 = tpu.vector_load_idx %arg9[%add3A_372, %add3A_3] : memref<128x64xf32, #tpu.memory_space<vmem>>[vector<16xi32>, vector<16xi32>], vector<16xf32>,
        %gather3A_423 = tpu.vector_load_idx %arg9[%add3A_372, %add3A_6] : memref<128x64xf32, #tpu.memory_space<vmem>>[vector<16xi32>, vector<16xi32>], vector<16xf32>,
        %gather3A_424 = tpu.vector_load_idx %arg9[%add3A_372, %add3A_9] : memref<128x64xf32, #tpu.memory_space<vmem>>[vector<16xi32>, vector<16xi32>], vector<16xf32>,
        %gather3A_425 = tpu.vector_load_idx %arg9[%add3A_372, %add3A_12] : memref<128x64xf32, #tpu.memory_space<vmem>>[vector<16xi32>, vector<16xi32>], vector<16xf32>,
        %add3A_426 = arith.addf %gather3A_422, %get3A_335 : vector<16xf32>
        %add3A_427 = arith.addf %gather3A_423, %get3A_338 : vector<16xf32>
        %add3A_428 = arith.addf %gather3A_424, %get3A_341 : vector<16xf32>
        %add3A_429 = arith.addf %gather3A_425, %get3A_344 : vector<16xf32>
        tpu.vector_store_idx %arg11[%select_n3A, %rem3A_131, %add3A_372], %add3A_426 : memref<8x8x128xf32, #tpu.memory_space<vmem>>[vector<16xi32>, vector<16xi32>, vector<16xi32>], vector<16xf32>,
        tpu.vector_store_idx %arg11[%select_n3A_66, %rem3A_134, %add3A_372], %add3A_427 : memref<8x8x128xf32, #tpu.memory_space<vmem>>[vector<16xi32>, vector<16xi32>, vector<16xi32>], vector<16xf32>,
        tpu.vector_store_idx %arg11[%select_n3A_97, %rem3A_137, %add3A_372], %add3A_428 : memref<8x8x128xf32, #tpu.memory_space<vmem>>[vector<16xi32>, vector<16xi32>, vector<16xi32>], vector<16xf32>,
        tpu.vector_store_idx %arg11[%select_n3A_128, %rem3A_140, %add3A_372], %add3A_429 : memref<8x8x128xf32, #tpu.memory_space<vmem>>[vector<16xi32>, vector<16xi32>, vector<16xi32>], vector<16xf32>,
        %gather3A_430 = tpu.vector_load_idx %arg9[%add3A_373, %add3A_3] : memref<128x64xf32, #tpu.memory_space<vmem>>[vector<16xi32>, vector<16xi32>], vector<16xf32>,
        %gather3A_431 = tpu.vector_load_idx %arg9[%add3A_373, %add3A_6] : memref<128x64xf32, #tpu.memory_space<vmem>>[vector<16xi32>, vector<16xi32>], vector<16xf32>,
        %gather3A_432 = tpu.vector_load_idx %arg9[%add3A_373, %add3A_9] : memref<128x64xf32, #tpu.memory_space<vmem>>[vector<16xi32>, vector<16xi32>], vector<16xf32>,
        %gather3A_433 = tpu.vector_load_idx %arg9[%add3A_373, %add3A_12] : memref<128x64xf32, #tpu.memory_space<vmem>>[vector<16xi32>, vector<16xi32>], vector<16xf32>,
        %add3A_434 = arith.addf %gather3A_430, %get3A_335 : vector<16xf32>
        %add3A_435 = arith.addf %gather3A_431, %get3A_338 : vector<16xf32>
        %add3A_436 = arith.addf %gather3A_432, %get3A_341 : vector<16xf32>
        %add3A_437 = arith.addf %gather3A_433, %get3A_344 : vector<16xf32>
        tpu.vector_store_idx %arg11[%select_n3A, %rem3A_131, %add3A_373], %add3A_434 : memref<8x8x128xf32, #tpu.memory_space<vmem>>[vector<16xi32>, vector<16xi32>, vector<16xi32>], vector<16xf32>,
        tpu.vector_store_idx %arg11[%select_n3A_66, %rem3A_134, %add3A_373], %add3A_435 : memref<8x8x128xf32, #tpu.memory_space<vmem>>[vector<16xi32>, vector<16xi32>, vector<16xi32>], vector<16xf32>,
        tpu.vector_store_idx %arg11[%select_n3A_97, %rem3A_137, %add3A_373], %add3A_436 : memref<8x8x128xf32, #tpu.memory_space<vmem>>[vector<16xi32>, vector<16xi32>, vector<16xi32>], vector<16xf32>,
        tpu.vector_store_idx %arg11[%select_n3A_128, %rem3A_140, %add3A_373], %add3A_437 : memref<8x8x128xf32, #tpu.memory_space<vmem>>[vector<16xi32>, vector<16xi32>, vector<16xi32>], vector<16xf32>,
        %gather3A_438 = tpu.vector_load_idx %arg9[%add3A_374, %add3A_3] : memref<128x64xf32, #tpu.memory_space<vmem>>[vector<16xi32>, vector<16xi32>], vector<16xf32>,
        %gather3A_439 = tpu.vector_load_idx %arg9[%add3A_374, %add3A_6] : memref<128x64xf32, #tpu.memory_space<vmem>>[vector<16xi32>, vector<16xi32>], vector<16xf32>,
        %gather3A_440 = tpu.vector_load_idx %arg9[%add3A_374, %add3A_9] : memref<128x64xf32, #tpu.memory_space<vmem>>[vector<16xi32>, vector<16xi32>], vector<16xf32>,
        %gather3A_441 = tpu.vector_load_idx %arg9[%add3A_374, %add3A_12] : memref<128x64xf32, #tpu.memory_space<vmem>>[vector<16xi32>, vector<16xi32>], vector<16xf32>,
        %add3A_442 = arith.addf %gather3A_438, %get3A_335 : vector<16xf32>
        %add3A_443 = arith.addf %gather3A_439, %get3A_338 : vector<16xf32>
        %add3A_444 = arith.addf %gather3A_440, %get3A_341 : vector<16xf32>
        %add3A_445 = arith.addf %gather3A_441, %get3A_344 : vector<16xf32>
        tpu.vector_store_idx %arg11[%select_n3A, %rem3A_131, %add3A_374], %add3A_442 : memref<8x8x128xf32, #tpu.memory_space<vmem>>[vector<16xi32>, vector<16xi32>, vector<16xi32>], vector<16xf32>,
        tpu.vector_store_idx %arg11[%select_n3A_66, %rem3A_134, %add3A_374], %add3A_443 : memref<8x8x128xf32, #tpu.memory_space<vmem>>[vector<16xi32>, vector<16xi32>, vector<16xi32>], vector<16xf32>,
        tpu.vector_store_idx %arg11[%select_n3A_97, %rem3A_137, %add3A_374], %add3A_444 : memref<8x8x128xf32, #tpu.memory_space<vmem>>[vector<16xi32>, vector<16xi32>, vector<16xi32>], vector<16xf32>,
        tpu.vector_store_idx %arg11[%select_n3A_128, %rem3A_140, %add3A_374], %add3A_445 : memref<8x8x128xf32, #tpu.memory_space<vmem>>[vector<16xi32>, vector<16xi32>, vector<16xi32>], vector<16xf32>,
        %gather3A_446 = tpu.vector_load_idx %arg9[%add3A_375, %add3A_3] : memref<128x64xf32, #tpu.memory_space<vmem>>[vector<16xi32>, vector<16xi32>], vector<16xf32>,
        %gather3A_447 = tpu.vector_load_idx %arg9[%add3A_375, %add3A_6] : memref<128x64xf32, #tpu.memory_space<vmem>>[vector<16xi32>, vector<16xi32>], vector<16xf32>,
        %gather3A_448 = tpu.vector_load_idx %arg9[%add3A_375, %add3A_9] : memref<128x64xf32, #tpu.memory_space<vmem>>[vector<16xi32>, vector<16xi32>], vector<16xf32>,
        %gather3A_449 = tpu.vector_load_idx %arg9[%add3A_375, %add3A_12] : memref<128x64xf32, #tpu.memory_space<vmem>>[vector<16xi32>, vector<16xi32>], vector<16xf32>,
        %add3A_450 = arith.addf %gather3A_446, %get3A_335 : vector<16xf32>
        %add3A_451 = arith.addf %gather3A_447, %get3A_338 : vector<16xf32>
        %add3A_452 = arith.addf %gather3A_448, %get3A_341 : vector<16xf32>
        %add3A_453 = arith.addf %gather3A_449, %get3A_344 : vector<16xf32>
        tpu.vector_store_idx %arg11[%select_n3A, %rem3A_131, %add3A_375], %add3A_450 : memref<8x8x128xf32, #tpu.memory_space<vmem>>[vector<16xi32>, vector<16xi32>, vector<16xi32>], vector<16xf32>,
        tpu.vector_store_idx %arg11[%select_n3A_66, %rem3A_134, %add3A_375], %add3A_451 : memref<8x8x128xf32, #tpu.memory_space<vmem>>[vector<16xi32>, vector<16xi32>, vector<16xi32>], vector<16xf32>,
        tpu.vector_store_idx %arg11[%select_n3A_97, %rem3A_137, %add3A_375], %add3A_452 : memref<8x8x128xf32, #tpu.memory_space<vmem>>[vector<16xi32>, vector<16xi32>, vector<16xi32>], vector<16xf32>,
        tpu.vector_store_idx %arg11[%select_n3A_128, %rem3A_140, %add3A_375], %add3A_453 : memref<8x8x128xf32, #tpu.memory_space<vmem>>[vector<16xi32>, vector<16xi32>, vector<16xi32>], vector<16xf32>,
        %gather3A_454 = tpu.vector_load_idx %arg9[%add3A_376, %add3A_3] : memref<128x64xf32, #tpu.memory_space<vmem>>[vector<16xi32>, vector<16xi32>], vector<16xf32>,
        %gather3A_455 = tpu.vector_load_idx %arg9[%add3A_376, %add3A_6] : memref<128x64xf32, #tpu.memory_space<vmem>>[vector<16xi32>, vector<16xi32>], vector<16xf32>,
        %gather3A_456 = tpu.vector_load_idx %arg9[%add3A_376, %add3A_9] : memref<128x64xf32, #tpu.memory_space<vmem>>[vector<16xi32>, vector<16xi32>], vector<16xf32>,
        %gather3A_457 = tpu.vector_load_idx %arg9[%add3A_376, %add3A_12] : memref<128x64xf32, #tpu.memory_space<vmem>>[vector<16xi32>, vector<16xi32>], vector<16xf32>,
        %add3A_458 = arith.addf %gather3A_454, %get3A_335 : vector<16xf32>
        %add3A_459 = arith.addf %gather3A_455, %get3A_338 : vector<16xf32>
        %add3A_460 = arith.addf %gather3A_456, %get3A_341 : vector<16xf32>
        %add3A_461 = arith.addf %gather3A_457, %get3A_344 : vector<16xf32>
        tpu.vector_store_idx %arg11[%select_n3A, %rem3A_131, %add3A_376], %add3A_458 : memref<8x8x128xf32, #tpu.memory_space<vmem>>[vector<16xi32>, vector<16xi32>, vector<16xi32>], vector<16xf32>,
        tpu.vector_store_idx %arg11[%select_n3A_66, %rem3A_134, %add3A_376], %add3A_459 : memref<8x8x128xf32, #tpu.memory_space<vmem>>[vector<16xi32>, vector<16xi32>, vector<16xi32>], vector<16xf32>,
        tpu.vector_store_idx %arg11[%select_n3A_97, %rem3A_137, %add3A_376], %add3A_460 : memref<8x8x128xf32, #tpu.memory_space<vmem>>[vector<16xi32>, vector<16xi32>, vector<16xi32>], vector<16xf32>,
        tpu.vector_store_idx %arg11[%select_n3A_128, %rem3A_140, %add3A_376], %add3A_461 : memref<8x8x128xf32, #tpu.memory_space<vmem>>[vector<16xi32>, vector<16xi32>, vector<16xi32>], vector<16xf32>,
        %gather3A_462 = tpu.vector_load_idx %arg9[%add3A_377, %add3A_3] : memref<128x64xf32, #tpu.memory_space<vmem>>[vector<16xi32>, vector<16xi32>], vector<16xf32>,
        %gather3A_463 = tpu.vector_load_idx %arg9[%add3A_377, %add3A_6] : memref<128x64xf32, #tpu.memory_space<vmem>>[vector<16xi32>, vector<16xi32>], vector<16xf32>,
        %gather3A_464 = tpu.vector_load_idx %arg9[%add3A_377, %add3A_9] : memref<128x64xf32, #tpu.memory_space<vmem>>[vector<16xi32>, vector<16xi32>], vector<16xf32>,
        %gather3A_465 = tpu.vector_load_idx %arg9[%add3A_377, %add3A_12] : memref<128x64xf32, #tpu.memory_space<vmem>>[vector<16xi32>, vector<16xi32>], vector<16xf32>,
        %add3A_466 = arith.addf %gather3A_462, %get3A_335 : vector<16xf32>
        %add3A_467 = arith.addf %gather3A_463, %get3A_338 : vector<16xf32>
        %add3A_468 = arith.addf %gather3A_464, %get3A_341 : vector<16xf32>
        %add3A_469 = arith.addf %gather3A_465, %get3A_344 : vector<16xf32>
        tpu.vector_store_idx %arg11[%select_n3A, %rem3A_131, %add3A_377], %add3A_466 : memref<8x8x128xf32, #tpu.memory_space<vmem>>[vector<16xi32>, vector<16xi32>, vector<16xi32>], vector<16xf32>,
        tpu.vector_store_idx %arg11[%select_n3A_66, %rem3A_134, %add3A_377], %add3A_467 : memref<8x8x128xf32, #tpu.memory_space<vmem>>[vector<16xi32>, vector<16xi32>, vector<16xi32>], vector<16xf32>,
        tpu.vector_store_idx %arg11[%select_n3A_97, %rem3A_137, %add3A_377], %add3A_468 : memref<8x8x128xf32, #tpu.memory_space<vmem>>[vector<16xi32>, vector<16xi32>, vector<16xi32>], vector<16xf32>,
        tpu.vector_store_idx %arg11[%select_n3A_128, %rem3A_140, %add3A_377], %add3A_469 : memref<8x8x128xf32, #tpu.memory_space<vmem>>[vector<16xi32>, vector<16xi32>, vector<16xi32>], vector<16xf32>,
        %gather3A_470 = tpu.vector_load_idx %arg9[%add3A_378, %add3A_3] : memref<128x64xf32, #tpu.memory_space<vmem>>[vector<16xi32>, vector<16xi32>], vector<16xf32>,
        %gather3A_471 = tpu.vector_load_idx %arg9[%add3A_378, %add3A_6] : memref<128x64xf32, #tpu.memory_space<vmem>>[vector<16xi32>, vector<16xi32>], vector<16xf32>,
        %gather3A_472 = tpu.vector_load_idx %arg9[%add3A_378, %add3A_9] : memref<128x64xf32, #tpu.memory_space<vmem>>[vector<16xi32>, vector<16xi32>], vector<16xf32>,
        %gather3A_473 = tpu.vector_load_idx %arg9[%add3A_378, %add3A_12] : memref<128x64xf32, #tpu.memory_space<vmem>>[vector<16xi32>, vector<16xi32>], vector<16xf32>,
        %add3A_474 = arith.addf %gather3A_470, %get3A_335 : vector<16xf32>
        %add3A_475 = arith.addf %gather3A_471, %get3A_338 : vector<16xf32>
        %add3A_476 = arith.addf %gather3A_472, %get3A_341 : vector<16xf32>
        %add3A_477 = arith.addf %gather3A_473, %get3A_344 : vector<16xf32>
        tpu.vector_store_idx %arg11[%select_n3A, %rem3A_131, %add3A_378], %add3A_474 : memref<8x8x128xf32, #tpu.memory_space<vmem>>[vector<16xi32>, vector<16xi32>, vector<16xi32>], vector<16xf32>,
        tpu.vector_store_idx %arg11[%select_n3A_66, %rem3A_134, %add3A_378], %add3A_475 : memref<8x8x128xf32, #tpu.memory_space<vmem>>[vector<16xi32>, vector<16xi32>, vector<16xi32>], vector<16xf32>,
        tpu.vector_store_idx %arg11[%select_n3A_97, %rem3A_137, %add3A_378], %add3A_476 : memref<8x8x128xf32, #tpu.memory_space<vmem>>[vector<16xi32>, vector<16xi32>, vector<16xi32>], vector<16xf32>,
        tpu.vector_store_idx %arg11[%select_n3A_128, %rem3A_140, %add3A_378], %add3A_477 : memref<8x8x128xf32, #tpu.memory_space<vmem>>[vector<16xi32>, vector<16xi32>, vector<16xi32>], vector<16xf32>,
        %gather3A_478 = tpu.vector_load_idx %arg9[%add3A_379, %add3A_3] : memref<128x64xf32, #tpu.memory_space<vmem>>[vector<16xi32>, vector<16xi32>], vector<16xf32>,
        %gather3A_479 = tpu.vector_load_idx %arg9[%add3A_379, %add3A_6] : memref<128x64xf32, #tpu.memory_space<vmem>>[vector<16xi32>, vector<16xi32>], vector<16xf32>,
        %gather3A_480 = tpu.vector_load_idx %arg9[%add3A_379, %add3A_9] : memref<128x64xf32, #tpu.memory_space<vmem>>[vector<16xi32>, vector<16xi32>], vector<16xf32>,
        %gather3A_481 = tpu.vector_load_idx %arg9[%add3A_379, %add3A_12] : memref<128x64xf32, #tpu.memory_space<vmem>>[vector<16xi32>, vector<16xi32>], vector<16xf32>,
        %add3A_482 = arith.addf %gather3A_478, %get3A_335 : vector<16xf32>
        %add3A_483 = arith.addf %gather3A_479, %get3A_338 : vector<16xf32>
        %add3A_484 = arith.addf %gather3A_480, %get3A_341 : vector<16xf32>
        %add3A_485 = arith.addf %gather3A_481, %get3A_344 : vector<16xf32>
        tpu.vector_store_idx %arg11[%select_n3A, %rem3A_131, %add3A_379], %add3A_482 : memref<8x8x128xf32, #tpu.memory_space<vmem>>[vector<16xi32>, vector<16xi32>, vector<16xi32>], vector<16xf32>,
        tpu.vector_store_idx %arg11[%select_n3A_66, %rem3A_134, %add3A_379], %add3A_483 : memref<8x8x128xf32, #tpu.memory_space<vmem>>[vector<16xi32>, vector<16xi32>, vector<16xi32>], vector<16xf32>,
        tpu.vector_store_idx %arg11[%select_n3A_97, %rem3A_137, %add3A_379], %add3A_484 : memref<8x8x128xf32, #tpu.memory_space<vmem>>[vector<16xi32>, vector<16xi32>, vector<16xi32>], vector<16xf32>,
        tpu.vector_store_idx %arg11[%select_n3A_128, %rem3A_140, %add3A_379], %add3A_485 : memref<8x8x128xf32, #tpu.memory_space<vmem>>[vector<16xi32>, vector<16xi32>, vector<16xi32>], vector<16xf32>,
        %gather3A_486 = tpu.vector_load_idx %arg9[%add3A_380, %add3A_3] : memref<128x64xf32, #tpu.memory_space<vmem>>[vector<16xi32>, vector<16xi32>], vector<16xf32>,
        %gather3A_487 = tpu.vector_load_idx %arg9[%add3A_380, %add3A_6] : memref<128x64xf32, #tpu.memory_space<vmem>>[vector<16xi32>, vector<16xi32>], vector<16xf32>,
        %gather3A_488 = tpu.vector_load_idx %arg9[%add3A_380, %add3A_9] : memref<128x64xf32, #tpu.memory_space<vmem>>[vector<16xi32>, vector<16xi32>], vector<16xf32>,
        %gather3A_489 = tpu.vector_load_idx %arg9[%add3A_380, %add3A_12] : memref<128x64xf32, #tpu.memory_space<vmem>>[vector<16xi32>, vector<16xi32>], vector<16xf32>,
        %add3A_490 = arith.addf %gather3A_486, %get3A_335 : vector<16xf32>
        %add3A_491 = arith.addf %gather3A_487, %get3A_338 : vector<16xf32>
        %add3A_492 = arith.addf %gather3A_488, %get3A_341 : vector<16xf32>
        %add3A_493 = arith.addf %gather3A_489, %get3A_344 : vector<16xf32>
        tpu.vector_store_idx %arg11[%select_n3A, %rem3A_131, %add3A_380], %add3A_490 : memref<8x8x128xf32, #tpu.memory_space<vmem>>[vector<16xi32>, vector<16xi32>, vector<16xi32>], vector<16xf32>,
        tpu.vector_store_idx %arg11[%select_n3A_66, %rem3A_134, %add3A_380], %add3A_491 : memref<8x8x128xf32, #tpu.memory_space<vmem>>[vector<16xi32>, vector<16xi32>, vector<16xi32>], vector<16xf32>,
        tpu.vector_store_idx %arg11[%select_n3A_97, %rem3A_137, %add3A_380], %add3A_492 : memref<8x8x128xf32, #tpu.memory_space<vmem>>[vector<16xi32>, vector<16xi32>, vector<16xi32>], vector<16xf32>,
        tpu.vector_store_idx %arg11[%select_n3A_128, %rem3A_140, %add3A_380], %add3A_493 : memref<8x8x128xf32, #tpu.memory_space<vmem>>[vector<16xi32>, vector<16xi32>, vector<16xi32>], vector<16xf32>,
        %gather3A_494 = tpu.vector_load_idx %arg9[%add3A_381, %add3A_3] : memref<128x64xf32, #tpu.memory_space<vmem>>[vector<16xi32>, vector<16xi32>], vector<16xf32>,
        %gather3A_495 = tpu.vector_load_idx %arg9[%add3A_381, %add3A_6] : memref<128x64xf32, #tpu.memory_space<vmem>>[vector<16xi32>, vector<16xi32>], vector<16xf32>,
        %gather3A_496 = tpu.vector_load_idx %arg9[%add3A_381, %add3A_9] : memref<128x64xf32, #tpu.memory_space<vmem>>[vector<16xi32>, vector<16xi32>], vector<16xf32>,
        %gather3A_497 = tpu.vector_load_idx %arg9[%add3A_381, %add3A_12] : memref<128x64xf32, #tpu.memory_space<vmem>>[vector<16xi32>, vector<16xi32>], vector<16xf32>,
        %add3A_498 = arith.addf %gather3A_494, %get3A_335 : vector<16xf32>
        %add3A_499 = arith.addf %gather3A_495, %get3A_338 : vector<16xf32>
        %add3A_500 = arith.addf %gather3A_496, %get3A_341 : vector<16xf32>
        %add3A_501 = arith.addf %gather3A_497, %get3A_344 : vector<16xf32>
        tpu.vector_store_idx %arg11[%select_n3A, %rem3A_131, %add3A_381], %add3A_498 : memref<8x8x128xf32, #tpu.memory_space<vmem>>[vector<16xi32>, vector<16xi32>, vector<16xi32>], vector<16xf32>,
        tpu.vector_store_idx %arg11[%select_n3A_66, %rem3A_134, %add3A_381], %add3A_499 : memref<8x8x128xf32, #tpu.memory_space<vmem>>[vector<16xi32>, vector<16xi32>, vector<16xi32>], vector<16xf32>,
        tpu.vector_store_idx %arg11[%select_n3A_97, %rem3A_137, %add3A_381], %add3A_500 : memref<8x8x128xf32, #tpu.memory_space<vmem>>[vector<16xi32>, vector<16xi32>, vector<16xi32>], vector<16xf32>,
        tpu.vector_store_idx %arg11[%select_n3A_128, %rem3A_140, %add3A_381], %add3A_501 : memref<8x8x128xf32, #tpu.memory_space<vmem>>[vector<16xi32>, vector<16xi32>, vector<16xi32>], vector<16xf32>,
        %gather3A_502 = tpu.vector_load_idx %arg9[%add3A_382, %add3A_3] : memref<128x64xf32, #tpu.memory_space<vmem>>[vector<16xi32>, vector<16xi32>], vector<16xf32>,
        %gather3A_503 = tpu.vector_load_idx %arg9[%add3A_382, %add3A_6] : memref<128x64xf32, #tpu.memory_space<vmem>>[vector<16xi32>, vector<16xi32>], vector<16xf32>,
        %gather3A_504 = tpu.vector_load_idx %arg9[%add3A_382, %add3A_9] : memref<128x64xf32, #tpu.memory_space<vmem>>[vector<16xi32>, vector<16xi32>], vector<16xf32>,
        %gather3A_505 = tpu.vector_load_idx %arg9[%add3A_382, %add3A_12] : memref<128x64xf32, #tpu.memory_space<vmem>>[vector<16xi32>, vector<16xi32>], vector<16xf32>,
        %add3A_506 = arith.addf %gather3A_502, %get3A_335 : vector<16xf32>
        %add3A_507 = arith.addf %gather3A_503, %get3A_338 : vector<16xf32>
        %add3A_508 = arith.addf %gather3A_504, %get3A_341 : vector<16xf32>
        %add3A_509 = arith.addf %gather3A_505, %get3A_344 : vector<16xf32>
        tpu.vector_store_idx %arg11[%select_n3A, %rem3A_131, %add3A_382], %add3A_506 : memref<8x8x128xf32, #tpu.memory_space<vmem>>[vector<16xi32>, vector<16xi32>, vector<16xi32>], vector<16xf32>,
        tpu.vector_store_idx %arg11[%select_n3A_66, %rem3A_134, %add3A_382], %add3A_507 : memref<8x8x128xf32, #tpu.memory_space<vmem>>[vector<16xi32>, vector<16xi32>, vector<16xi32>], vector<16xf32>,
        tpu.vector_store_idx %arg11[%select_n3A_97, %rem3A_137, %add3A_382], %add3A_508 : memref<8x8x128xf32, #tpu.memory_space<vmem>>[vector<16xi32>, vector<16xi32>, vector<16xi32>], vector<16xf32>,
        tpu.vector_store_idx %arg11[%select_n3A_128, %rem3A_140, %add3A_382], %add3A_509 : memref<8x8x128xf32, #tpu.memory_space<vmem>>[vector<16xi32>, vector<16xi32>, vector<16xi32>], vector<16xf32>,
      }
      %scan3A_349 = arith.constant 8 : i32
      %dma_start3A_350 = arith.constant 0 : i32
      %dma_start3A_351 = arith.constant 0 : i32
      %dma_start3A_352 = arith.constant 0 : i32
      %dma_start3A_353 = tpu.memref_slice %arg5[%add3A_317, %dma_start3A_350, %add3A, %dma_start3A_351, %dma_start3A_352] : memref<200x8x32x8x128xf32, #tpu.memory_space<hbm>> -> memref<1x8x1x8x128xf32, #tpu.memory_space<hbm>>
      %dma_start3A_354 = tpu.memref_squeeze %dma_start3A_353 : memref<1x8x1x8x128xf32, #tpu.memory_space<hbm>> -> memref<8x8x128xf32, #tpu.memory_space<hbm>>
      %dma_start3A_355 = arith.constant 0 : i32
      %dma_start3A_356 = arith.constant 0 : i32
      %dma_start3A_357 = arith.constant 0 : i32
      %dma_start3A_358 = tpu.memref_slice %arg5[%add3A_317, %dma_start3A_355, %add3A, %dma_start3A_356, %dma_start3A_357] : memref<200x8x32x8x128xf32, #tpu.memory_space<hbm>> -> memref<1x8x1x8x128xf32, #tpu.memory_space<hbm>>
      %dma_start3A_359 = tpu.memref_squeeze %dma_start3A_358 : memref<1x8x1x8x128xf32, #tpu.memory_space<hbm>> -> memref<8x8x128xf32, #tpu.memory_space<hbm>>
      tpu.enqueue_dma source(%arg11 : memref<8x8x128xf32, #tpu.memory_space<vmem>>) target(%dma_start3A_359 : memref<8x8x128xf32, #tpu.memory_space<hbm>>) target_semaphore(%arg15 : memref<!tpu.dma_semaphore, #tpu.memory_space<semaphore_mem>>)
    }
    %scan3A_249 = arith.constant 100 : i32
    %dma_wait3A = arith.constant 0 : i32
    %dma_wait3A_250 = arith.constant 0 : i32
    %dma_wait3A_251 = arith.constant 0 : i32
    %dma_wait3A_252 = arith.constant 0 : i32
    %dma_wait3A_253 = tpu.memref_slice %arg5[%dma_wait3A, %dma_wait3A_250, %add3A, %dma_wait3A_251, %dma_wait3A_252] : memref<200x8x32x8x128xf32, #tpu.memory_space<hbm>> -> memref<1x8x1x8x128xf32, #tpu.memory_space<hbm>>
    %dma_wait3A_254 = tpu.memref_squeeze %dma_wait3A_253 : memref<1x8x1x8x128xf32, #tpu.memory_space<hbm>> -> memref<8x8x128xf32, #tpu.memory_space<hbm>>
    %dma_wait3A_255 = arith.constant 0 : i32
    %dma_wait3A_256 = arith.constant 0 : i32
    %dma_wait3A_257 = arith.constant 0 : i32
    %dma_wait3A_258 = tpu.memref_slice %arg5[%dma_wait3A, %dma_wait3A_255, %add3A, %dma_wait3A_256, %dma_wait3A_257] : memref<200x8x32x8x128xf32, #tpu.memory_space<hbm>> -> memref<1x8x1x8x128xf32, #tpu.memory_space<hbm>>
    %dma_wait3A_259 = tpu.memref_squeeze %dma_wait3A_258 : memref<1x8x1x8x128xf32, #tpu.memory_space<hbm>> -> memref<8x8x128xf32, #tpu.memory_space<hbm>>
    tpu.wait_dma2 semaphore(%arg14 : memref<!tpu.dma_semaphore, #tpu.memory_space<semaphore_mem>>) src(%arg10 : memref<8x8x128xf32, #tpu.memory_space<vmem>>) dst(%dma_wait3A_259 : memref<8x8x128xf32, #tpu.memory_space<hbm>>)
    %dma_wait3A_260 = arith.constant 0 : i32
    %dma_wait3A_261 = arith.constant 0 : i32
    %dma_wait3A_262 = arith.constant 0 : i32
    %dma_wait3A_263 = arith.constant 0 : i32
    %dma_wait3A_264 = tpu.memref_slice %arg5[%dma_wait3A_260, %dma_wait3A_261, %add3A, %dma_wait3A_262, %dma_wait3A_263] : memref<200x8x32x8x128xf32, #tpu.memory_space<hbm>> -> memref<1x8x1x8x128xf32, #tpu.memory_space<hbm>>
    %dma_wait3A_265 = tpu.memref_squeeze %dma_wait3A_264 : memref<1x8x1x8x128xf32, #tpu.memory_space<hbm>> -> memref<8x8x128xf32, #tpu.memory_space<hbm>>
    %dma_wait3A_266 = arith.constant 0 : i32
    %dma_wait3A_267 = arith.constant 0 : i32
    %dma_wait3A_268 = arith.constant 0 : i32
    %dma_wait3A_269 = tpu.memref_slice %arg5[%dma_wait3A_260, %dma_wait3A_266, %add3A, %dma_wait3A_267, %dma_wait3A_268] : memref<200x8x32x8x128xf32, #tpu.memory_space<hbm>> -> memref<1x8x1x8x128xf32, #tpu.memory_space<hbm>>
    %dma_wait3A_270 = tpu.memref_squeeze %dma_wait3A_269 : memref<1x8x1x8x128xf32, #tpu.memory_space<hbm>> -> memref<8x8x128xf32, #tpu.memory_space<hbm>>
    tpu.wait_dma2 semaphore(%arg15 : memref<!tpu.dma_semaphore, #tpu.memory_space<semaphore_mem>>) src(%arg11 : memref<8x8x128xf32, #tpu.memory_space<vmem>>) dst(%dma_wait3A_270 : memref<8x8x128xf32, #tpu.memory_space<hbm>>)
    return
  }
}

</mosaic_0001>

<sc_bundles>
// kernel: kernel.3.cloned.1.call-start
scs
__scs_entry_jumppad:
0x0: {  	(pc) =	sbr.rel $0x88, $3  }
0x1: {  	(tag) =	ssettag $0x0;
	lr =	simm.s32 $0x1  }
0x2: {  	[smem:$0x3F9E] =	sst lr;
	_ =	strace $0xD0000000  }
0x3: {  	_ = 	snop  }
0x4: {  	_ = 	snop  }
0x5: {  	_ = 	snop  }
0x6: {  	_ = 	snop  }
0x7: {  	_ = 	snop  }
__scs_overlays_trampoline_lowered:
0x8: {  	[smem:$0x3FAD] =	sst s0  }
0x9: {  	[smem:$0x3FAE] =	sst s1  }
0xa: {  	[smem:$0x3FAF] =	sst s2  }
0xb: {  	[smem:$0x3FB0] =	sst s3  }
0xc: {  	[smem:$0x3FB1] =	sst s4  }
0xd: {  	[smem:$0x3FB2] =	sst s5  }
0xe: {  	[smem:$0x3FB3] =	sst s6  }
0xf: {  	[smem:$0x3FB4] =	sst s7  }
0x10: {  	[smem:$0x3FB5] =	sst s8  }
0x11: {  	[smem:$0x3FB6] =	sst s9;
	s0 =	simm.s32 @!p0 $0x0  }
0x12: {  	s1 =	sld [smem:$0x3F9C];
	s0 =	simm.s32 @p0 $0x1  }
0x13: {  	[smem:$0x3FB7] =	sst s0;
	s0 =	simm.s32 @!p1 $0x0  }
0x14: {  	s2 =	sld [smem:$0x3F9B];
	s0 =	simm.s32 @p1 $0x1  }
0x15: {  	[smem:$0x3FB8] =	sst s0;
	s0 =	simm.s32 @!p2 $0x0  }
0x16: {  	s3 =	sld [smem:$0x3FDB];
	s0 =	simm.s32 @p2 $0x1  }
0x17: {  	s4 =	simm.s32 $0x1BF5;
	[smem:$0x3FBA] =	sst s0  }
0x18: {  	s0 =	sld [smem:$0x3F9D];
	_ =	swait.ge [sflag:s4], $0x0  }
0x19: {  	s7 =	sld [smem:$0x3F9E]  }
0x1a: {  	s8 =	sadd.s32 $0xFFFFE003, lr  }
0x1b: {  	s9 =	sadd.s32 $0xFFFFFEF7, lr;
	s5 =	simm.s32 $0xFFFFFFFF;
	p2 =	slt.u32 s8, $0xFFFFF086  }
0x1c: {  	p1 =	slt.u32 s9, $0xF7A;
	s5 =	simm.s32 @!p2 $0x0  }
0x1d: {  	s5 =	simm.s32 @p1 $0x1;
	p0 =	seq.s32 s7, s2  }
0x1e: {  	s7 =	smul.u32 @!p0 $0xF7A, s2;
	p2 =	seq.s32 @!p0 s5, $0x0  }
0x1f: {  	s9 =	smul.u32 $0xF7A, s1;
	s8 =	simm.s32 @!p0 $0x1BF5;
	p2 =	por !p2, p0  }
0x20: {  	[sflag:s8] =	ssyncset.s32 @!p0 $0xFFFFF086;
	s6 =	sadd.s32 @!p0 s3, s7;
	s7 =	simm.s32 @!p0 $0x108  }
0x21: {  	s3 =	sadd.s32 s3, s9;
	s6 =	sadd.s32 @!p0 $0x88, s6;
	s7 =	simm.s32 @p2 $0x1082  }
0x22: {  	[simem:s7], [sflag:s8] =	dma.local @!p0 [hbm:s6], $0xF7A  }
0x23: {  	s9 =	sor.u32 $0xD0000000, s2;
	s6 =	simm.s32 $0x108;
	_ =	swait.ge @!p0 [sflag:s8], $0x0  }
0x24: {  	s3 =	sadd.s32 $0x88, s3;
	s6 =	simm.s32 @!p1 $0x1082;
	[sflag:s4] =	ssyncset.s32 $0xFFFFF086  }
0x25: {  	[simem:s6], [sflag:s4] =	dma.local [hbm:s3], $0xF7A  }
0x26: {  	[smem:$0x3F9E] =	sst s1;
	(tag) =	ssettag s2;
	_ =	strace s9  }
0x27: {  	s1 =	sld [smem:$0x3FAE]  }
0x28: {  	s2 =	sld [smem:$0x3FAF]  }
0x29: {  	s4 =	sld [smem:$0x3FB1]  }
0x2a: {  	p0 =	seq.s32 s5, $0x0;
	s5 =	sld [smem:$0x3FB2]  }
0x2b: {  	s6 =	sld [smem:$0x3FB3]  }
0x2c: {  	s7 =	sld [smem:$0x3FB4]  }
0x2d: {  	s3 =	simm.s32 $0x108;
	s8 =	sld [smem:$0x3FB5]  }
0x2e: {  	s3 =	simm.s32 @!p0 $0x1082;
	s9 =	sld [smem:$0x3FB6]  }
0x2f: {  	lr =	sadd.s32 s0, s3;
	s0 =	sld [smem:$0x3FAD]  }
0x30: {  	s3 =	sld [smem:$0x3FB0]  }
0x31: {  	[smem:$0x3FB9] =	sst s10  }
0x32: {  	s10 =	sld [smem:$0x3FB7];
	_ =	sdelay $0x3  }
0x33: {  	p0 =	seq.s32 s10, $0x1;
	s10 =	sld [smem:$0x3FB9];
	_ =	sdelay $0x3  }
0x34: {  	[smem:$0x3FB9] =	sst s10  }
0x35: {  	s10 =	sld [smem:$0x3FB8];
	_ =	sdelay $0x3  }
0x36: {  	p1 =	seq.s32 s10, $0x1;
	s10 =	sld [smem:$0x3FB9];
	_ =	sdelay $0x3  }
0x37: {  	[smem:$0x3FB9] =	sst s10  }
0x38: {  	s10 =	sld [smem:$0x3FBA]  }
0x39: {  	_ = 	snop;
	(pc) =	sbr.ind lr, $3  }
0x3a: {  	_ = 	snop  }
0x3b: {  	_ = 	snop  }
0x3c: {  	p2 =	seq.s32 s10, $0x1;
	s10 =	sld [smem:$0x3FB9]  }
0x3d: {  	_ =	shalt  }
0x3e: {  	_ =	shalt  }
0x3f: {  	_ =	shalt  }
0x40: {  	_ =	shalt  }
0x41: {  	_ =	shalt  }
0x42: {  	_ =	shalt  }
0x43: {  	_ =	shalt  }
0x44: {  	_ =	shalt  }
0x45: {  	_ =	shalt  }
0x46: {  	_ =	shalt  }
0x47: {  	_ =	shalt  }
0x48: {  	_ =	shalt  }
0x49: {  	_ =	shalt  }
0x4a: {  	_ =	shalt  }
0x4b: {  	_ =	shalt  }
0x4c: {  	_ =	shalt  }
0x4d: {  	_ =	shalt  }
0x4e: {  	_ =	shalt  }
0x4f: {  	_ =	shalt  }
0x50: {  	_ =	shalt  }
0x51: {  	_ =	shalt  }
0x52: {  	_ =	shalt  }
0x53: {  	_ =	shalt  }
0x54: {  	_ =	shalt  }
0x55: {  	_ =	shalt  }
0x56: {  	_ =	shalt  }
0x57: {  	_ =	shalt  }
0x58: {  	_ =	shalt  }
0x59: {  	_ =	shalt  }
0x5a: {  	_ =	shalt  }
0x5b: {  	_ =	shalt  }
0x5c: {  	_ =	shalt  }
0x5d: {  	_ =	shalt  }
0x5e: {  	_ =	shalt  }
0x5f: {  	_ =	shalt  }
0x60: {  	_ =	shalt  }
0x61: {  	_ =	shalt  }
0x62: {  	_ =	shalt  }
0x63: {  	_ =	shalt  }
0x64: {  	_ =	shalt  }
0x65: {  	_ =	shalt  }
0x66: {  	_ =	shalt  }
0x67: {  	_ =	shalt  }
0x68: {  	_ =	shalt  }
0x69: {  	_ =	shalt  }
0x6a: {  	_ =	shalt  }
0x6b: {  	_ =	shalt  }
0x6c: {  	_ =	shalt  }
0x6d: {  	_ =	shalt  }
0x6e: {  	_ =	shalt  }
0x6f: {  	_ =	shalt  }
0x70: {  	_ =	shalt  }
0x71: {  	_ =	shalt  }
0x72: {  	_ =	shalt  }
0x73: {  	_ =	shalt  }
0x74: {  	_ =	shalt  }
0x75: {  	_ =	shalt  }
0x76: {  	_ =	shalt  }
0x77: {  	_ =	shalt  }
0x78: {  	_ =	shalt  }
0x79: {  	_ =	shalt  }
0x7a: {  	_ =	shalt  }
0x7b: {  	_ =	shalt  }
0x7c: {  	_ =	shalt  }
0x7d: {  	_ =	shalt  }
0x7e: {  	_ =	shalt  }
0x7f: {  	_ =	shalt  }
0x80: {  	_ =	shalt  }
0x81: {  	_ =	shalt  }
0x82: {  	_ =	shalt  }
0x83: {  	_ =	shalt  }
0x84: {  	_ =	shalt  }
0x85: {  	_ =	shalt  }
0x86: {  	_ =	shalt  }
0x87: {  	_ =	shalt  }
.Lfunc_end0:
.L_simem_size_0:
called_computation_lowered:
.L_overlay_start_0:
0x88: {  	s2 =	sld [smem:$0x3FD9]  }
0x89: {  	s3 =	sld [smem:$0x3FFE];
	_ =	sdelay $0x1  }
0x8a: {  	s1 =	srdreg.scid  }
0x8b: {  	s0 =	sand.u32 $0x1, s1  }
0x8c: {  	s17 =	sshll.u32 s0, $0xA;
	s2 =	sadd.s32 s3, s2  }
0x8d: {  	s2 =	sadd.s32 s2, s17  }
0x8e: {  	[smem:$0x3FC5] =	sst s2  }
0x8f: {  	_ = 	snop  }
0x90: {  	s2 =	sld [smem:$0x3FC9]  }
0x91: {  	s18 =	sld [smem:$0x3FD0];
	(tm) =	ssettm $0x1  }
0x92: {  	s4 =	sld [smem:$0x3FFB];
	_ =	sdelay $0x3  }
0x93: {  	_ =	strace s4  }
0x94: {  	s4 =	sld [smem:$0x3FFC];
	_ =	sdelay $0x3  }
0x95: {  	_ =	strace s4  }
0x96: {  	s4 =	sld [smem:$0x3FFD];
	_ =	sdelay $0x3  }
0x97: {  	_ =	strace s4  }
0x98: {  	_ =	strace $0x8FFFFFFF  }
0x99: {  	s19 =	sld [smem:$0x3FDB];
	_ =	sdelay $0x1  }
0x9a: {  	s5 =	simm.s32 $_scs_section_size  }
0x9b: {  	s6 =	simm.s32 $_size__tile_overlayer_lowered;
	s7 =	simm.s32 $_tile_overlayer_lowered  }
0x9c: {  	s22 =	simm.s32 $0x1BFF;
	s21 =	sshll.u32 s7, $0x1;
	s4 =	sadd.s32 s5, s19  }
0x9d: {  	s8 =	simm.s32 $0x0;
	s20 =	sshll.u32 s6, $0x1;
	s6 =	sadd.s32 s21, s4  }
0x9e: {  	[timem:s8], [sflag:s22] =	dma.local [hbm:s6], s20  }
0x9f: {  	_ =	swait.ge [sflag:s22], s20  }
0xa0: {  	s5 =	ssub.s32 $0x0, s20;
	[sflag:s22] =	ssyncset.done $0x0  }
0xa1: {  	[sflag:s22] =	ssyncadd.s32 s5;
	_ =	sdelay $0x1  }
0xa2: {  	s23 =	simm.s32 $0x1B8B  }
0xa3: {  	_ =	swait.ge [sflag:s23], $0x1  }
0xa4: {  	[sflag:s23] =	ssyncset.done $0x0  }
0xa5: {  	s25 =	simm.s32 $0x1B8E;
	s24 =	sld [smem:$0x3FFE];
	[sflag:s23] =	ssyncadd.s32 $0xFFFFFFFF  }
0xa6: {  	s26 =	simm.s32 $execute0_lowered;
	[smem:$0x3FD2] =	sst s25  }
0xa7: {  	s6 =	sshll.u32 s26, $0x1;
	_ =	strace $0x80000046;
	[dreg:$0x1] =	wrdreg $0xFFFFFFFF  }
0xa8: {  	s28 =	simm.s32 $_size_execute0_lowered;
	s4 =	sadd.s32 s4, s6;
	[dreg:$0x0] =	wrdreg $0x0  }
0xa9: {  	s6 =	sshll.u32 s28, $0x1;
	[dreg:$0x2] =	wrdreg s4  }
0xaa: {  	[dreg:$0x3] =	wrdreg s6  }
0xab: {  	[dreg:$0x4] =	wrdreg $0xC0  }
0xac: {  	_ =	task [dreg:s8], $0x5FFFF  }
0xad: {  	[dreg:$0x1] =	wrdreg $0xFFFFFFFF  }
0xae: {  	[dreg:$0x0] =	wrdreg $0x60  }
0xaf: {  	[dreg:$0x2] =	wrdreg s2  }
0xb0: {  	[dreg:$0x3] =	wrdreg s24  }
0xb1: {  	[dreg:$0x4] =	wrdreg s18  }
0xb2: {  	[dreg:$0x5] =	wrdreg $0x9  }
0xb3: {  	_ =	task.clear_ibuf [dreg:s8], $0x6FFFF;
	_ =	strace $0x90000046  }
0xb4: {  	s29 =	simm.s32 $0x9;
	_ =	strace $0x80000048  }
0xb5: {  	_ =	swait.ge [sflag:s29], $0x1  }
0xb6: {  	[sflag:s29] =	ssyncadd.s32 $0xFFFFFFFF  }
0xb7: {  	_ =	strace $0x90000048  }
0xb8: {  	_ =	sfence  }
0xb9: {  	s30 =	sld [smem:$0x0];
	_ =	sdelay $0x2  }
0xba: {  	s31 =	sshll.u32 s1, $0xD;
	s1 =	sshrl.u32 s1, $0x2  }
0xbb: {  	s3 =	sand.u32 $0x4000, s31;
	s1 =	sadd.s32 s1, s30  }
0xbc: {  	s0 =	sor.u32 s3, s0;
	s1 =	sshll.u32 s1, $0x11  }
0xbd: {  	s0 =	sor.u32 s1, s0  }
0xbe: {  	s0 =	sadd.s32 $0x8F2B, s0  }
0xbf: {  	[sflag:s0] =	ssyncadd.remote.s32 $0x1  }
0xc0: {  	_ =	sfence.sel $0xFFFF  }
0xc1: {  	[dreg:$0x0] =	wrdreg $0xFFFFFFFF;
	(pc) =	sbr.abs _section_cstart, $3  }
0xc2: {  	[dreg:$0x1] =	wrdreg $0xFFFFFFFF  }
0xc3: {  	_ =	task.clear_ibuf [dreg:s8], $0x2FFFF;
	_ =	strace $0x9FFFFFFF  }
0xc4: {  	(tm) =	ssettm $0x7FFFFFFF  }
0xc5: {  	_ =	shalt  }
tec
execute0_lowered:
.L_overlay_start_1:
0x0: {  	(tag) =	ssettag $0x1  }
0x1: {  	v0 =	vimm.s32 $0xFEDCBA9;
	v1 =	vimm.s32 $0x87654321  }
0x2: {  	v2 =	vimm.s32 $0x10FEDCBA;
	v3 =	vimm.s32 $0x98765432;
	v4 =	vimm.s32 $0x210FEDCB  }
0x3: {  	v5 =	vimm.s32 $0xA9876543;
	v18 =	vimm.s32 $0x6543210F;
	v19 =	vimm.s32 $0xFEDCBA98  }
0x4: {  	v20 =	vimm.s32 $0xEDCBA987;
	v21 =	vimm.s32 $0x76543210;
	vm14 =	vcmask $0x300  }
0x5: {  	vm13 =	vcmask $0x704;
	vm12 =	vcmask $0xB08;
	vm11 =	vcmask $0xF0C  }
0x6: {  	vm10 =	vcmask $0x1310;
	vm9 =	vcmask $0x1714;
	vm8 =	vcmask $0x1B18  }
0x7: {  	vm7 =	vcmask $0x1F1C;
	vm6 =	vcmask $0x2320;
	vm5 =	vcmask $0x2724  }
0x8: {  	vm4 =	vcmask $0x2B28;
	vm3 =	vcmask $0x2F2C;
	vm2 =	vcmask $0x3330  }
0x9: {  	vm1 =	vcmask $0x3734;
	vm0 =	vcmask $0x3B38;
	v25 =	vimm.s32 $0x1780  }
0xa: {  	v26 =	vimm.s32 $0x1F80;
	v27 =	vimm.s32 $0x781;
	v28 =	vimm.s32 $0xF81  }
0xb: {  	v29 =	vimm.s32 $0x1781;
	v30 =	vimm.s32 $0x1F81;
	v31 =	vimm.s32 $0x782  }
0xc: {  	v32 =	vimm.s32 $0xF82;
	v33 =	vimm.s32 $0x1782;
	v34 =	vimm.s32 $0x1F82  }
0xd: {  	v35 =	vimm.s32 $0x783;
	v36 =	vimm.s32 $0xF83;
	v37 =	vimm.s32 $0x1783  }
0xe: {  	v38 =	vimm.s32 $0x1F83;
	v39 =	vimm.s32 $0x784;
	v40 =	vimm.s32 $0xF84  }
0xf: {  	v41 =	vimm.s32 $0x1784;
	v42 =	vimm.s32 $0x1F84;
	v43 =	vimm.s32 $0x785  }
0x10: {  	v44 =	vimm.s32 $0xF85;
	v45 =	vimm.s32 $0x1785;
	v46 =	vimm.s32 $0x1F85  }
0x11: {  	v47 =	vimm.s32 $0x786;
	v48 =	vimm.s32 $0xF86;
	v49 =	vimm.s32 $0x1786  }
0x12: {  	v50 =	vimm.s32 $0x1F86;
	v0 =	vunpack.c.l.s4.s8 v0;
	v1 =	vunpack.c.l.s4.s8 v1  }
0x13: {  	v2 =	vunpack.c.l.s4.s8 v2;
	v3 =	vunpack.c.l.s4.s8 v3;
	v4 =	vunpack.c.l.s4.s8 v4  }
0x14: {  	v19 =	vunpack.c.l.s4.s8 v19;
	v18 =	vunpack.c.l.s4.s8 v18;
	v20 =	vunpack.c.l.s4.s8 v20  }
0x15: {  	v21 =	vunpack.c.l.s4.s8 v21;
	v25 =	vsel vm14, $0x1001, v25;
	v26 =	vsel vm14, $0x1801, v26  }
0x16: {  	v27 =	vsel vm14, $0x2, v27;
	v28 =	vsel vm14, $0x802, v28;
	v29 =	vsel vm14, $0x1002, v29  }
0x17: {  	v30 =	vsel vm14, $0x1802, v30;
	v31 =	vsel vm14, $0x3, v31;
	v32 =	vsel vm14, $0x803, v32  }
0x18: {  	v33 =	vsel vm14, $0x1003, v33;
	v34 =	vsel vm14, $0x1803, v34;
	v35 =	vsel vm14, $0x4, v35  }
0x19: {  	v36 =	vsel vm14, $0x804, v36;
	v37 =	vsel vm14, $0x1004, v37;
	v38 =	vsel vm14, $0x1804, v38  }
0x1a: {  	v39 =	vsel vm14, $0x5, v39;
	v40 =	vsel vm14, $0x805, v40;
	v41 =	vsel vm14, $0x1005, v41  }
0x1b: {  	v42 =	vsel vm14, $0x1805, v42;
	v43 =	vsel vm14, $0x6, v43;
	v44 =	vsel vm14, $0x806, v44  }
0x1c: {  	v45 =	vsel vm14, $0x1006, v45;
	v46 =	vsel vm14, $0x1806, v46;
	v47 =	vsel vm14, $0x7, v47  }
0x1d: {  	v48 =	vsel vm14, $0x807, v48;
	v49 =	vsel vm14, $0x1007, v49;
	v50 =	vsel vm14, $0x1807, v50  }
0x1e: {  	v25 =	vsel vm13, $0x1082, v25;
	v26 =	vsel vm13, $0x1882, v26;
	v27 =	vsel vm13, $0x83, v27  }
0x1f: {  	v28 =	vsel vm13, $0x883, v28;
	v29 =	vsel vm13, $0x1083, v29;
	v30 =	vsel vm13, $0x1883, v30  }
0x20: {  	v31 =	vsel vm13, $0x84, v31;
	v32 =	vsel vm13, $0x884, v32;
	v33 =	vsel vm13, $0x1084, v33  }
0x21: {  	v34 =	vsel vm13, $0x1884, v34;
	v35 =	vsel vm13, $0x85, v35;
	v36 =	vsel vm13, $0x885, v36  }
0x22: {  	v37 =	vsel vm13, $0x1085, v37;
	v38 =	vsel vm13, $0x1885, v38;
	v39 =	vsel vm13, $0x86, v39  }
0x23: {  	v40 =	vsel vm13, $0x886, v40;
	v41 =	vsel vm13, $0x1086, v41;
	v42 =	vsel vm13, $0x1886, v42  }
0x24: {  	v43 =	vsel vm13, $0x87, v43;
	v44 =	vsel vm13, $0x887, v44;
	v45 =	vsel vm13, $0x1087, v45  }
0x25: {  	v46 =	vsel vm13, $0x1887, v46;
	v47 =	vsel vm13, $0x80, v47;
	v48 =	vsel vm13, $0x880, v48  }
0x26: {  	v49 =	vsel vm13, $0x1080, v49;
	v50 =	vsel vm13, $0x1880, v50;
	v8 =	vunpack.c.0.s8.s32 v0  }
0x27: {  	v9 =	vunpack.c.0.s8.s32 v1;
	v0 =	vlaneseq.u32;
	v10 =	vunpack.c.0.s8.s32 v2  }
0x28: {  	v2 =	vunpack.c.l.s4.s8 v5;
	v11 =	vunpack.c.0.s8.s32 v3;
	v12 =	vunpack.c.0.s8.s32 v4  }
0x29: {  	v3 =	vimm.s32 $0x3210FEDC;
	v4 =	vimm.s32 $0x43210FED;
	v5 =	vimm.s32 $0xCBA98765  }
0x2a: {  	v18 =	vunpack.c.0.s8.s32 v18;
	v25 =	vsel vm12, $0x1103, v25;
	v26 =	vsel vm12, $0x1903, v26  }
0x2b: {  	v27 =	vsel vm12, $0x104, v27;
	v28 =	vsel vm12, $0x904, v28;
	v29 =	vsel vm12, $0x1104, v29  }
0x2c: {  	v30 =	vsel vm12, $0x1904, v30;
	v31 =	vsel vm12, $0x105, v31;
	v32 =	vsel vm12, $0x905, v32  }
0x2d: {  	v33 =	vsel vm12, $0x1105, v33;
	v34 =	vsel vm12, $0x1905, v34;
	v35 =	vsel vm12, $0x106, v35  }
0x2e: {  	v36 =	vsel vm12, $0x906, v36;
	v37 =	vsel vm12, $0x1106, v37;
	v38 =	vsel vm12, $0x1906, v38  }
0x2f: {  	v39 =	vsel vm12, $0x107, v39;
	v40 =	vsel vm12, $0x907, v40;
	v41 =	vsel vm12, $0x1107, v41  }
0x30: {  	v42 =	vsel vm12, $0x1907, v42;
	v43 =	vsel vm12, $0x100, v43;
	v44 =	vsel vm12, $0x900, v44  }
0x31: {  	v45 =	vsel vm12, $0x1100, v45;
	v46 =	vsel vm12, $0x1900, v46;
	v47 =	vsel vm12, $0x101, v47  }
0x32: {  	v48 =	vsel vm12, $0x901, v48;
	v49 =	vsel vm12, $0x1101, v49;
	v50 =	vsel vm12, $0x1901, v50  }
0x33: {  	v4 =	vunpack.c.l.s4.s8 v4;
	v5 =	vunpack.c.l.s4.s8 v5;
	v25 =	vsel vm11, $0x1184, v25  }
0x34: {  	v26 =	vsel vm11, $0x1984, v26;
	v27 =	vsel vm11, $0x185, v27;
	v28 =	vsel vm11, $0x985, v28  }
0x35: {  	v29 =	vsel vm11, $0x1185, v29;
	v30 =	vsel vm11, $0x1985, v30;
	v31 =	vsel vm11, $0x186, v31  }
0x36: {  	v32 =	vsel vm11, $0x986, v32;
	v33 =	vsel vm11, $0x1186, v33;
	v34 =	vsel vm11, $0x1986, v34  }
0x37: {  	v35 =	vsel vm11, $0x187, v35;
	v36 =	vsel vm11, $0x987, v36;
	v37 =	vsel vm11, $0x1187, v37  }
0x38: {  	v38 =	vsel vm11, $0x1987, v38;
	v39 =	vsel vm11, $0x180, v39;
	v40 =	vsel vm11, $0x980, v40  }
0x39: {  	v41 =	vsel vm11, $0x1180, v41;
	v42 =	vsel vm11, $0x1980, v42;
	v43 =	vsel vm11, $0x181, v43  }
0x3a: {  	v44 =	vsel vm11, $0x981, v44;
	v45 =	vsel vm11, $0x1181, v45;
	v46 =	vsel vm11, $0x1981, v46  }
0x3b: {  	v47 =	vsel vm11, $0x182, v47;
	v48 =	vsel vm11, $0x982, v48;
	v49 =	vsel vm11, $0x1182, v49  }
0x3c: {  	v50 =	vsel vm11, $0x1982, v50;
	v1 =	vcombine.low v9, v8;
	v13 =	vunpack.c.0.s8.s32 v2  }
0x3d: {  	v2 =	vunpack.c.l.s4.s8 v3;
	v3 =	vimm.s32 $0xBA987654;
	v6 =	vcombine.low v11, v10  }
0x3e: {  	v9 =	vcombine.low v8, v9;
	v10 =	vcombine.low v10, v11;
	v25 =	vsel vm10, $0x1205, v25  }
0x3f: {  	v26 =	vsel vm10, $0x1A05, v26;
	v27 =	vsel vm10, $0x206, v27;
	v28 =	vsel vm10, $0xA06, v28  }
0x40: {  	v29 =	vsel vm10, $0x1206, v29;
	v30 =	vsel vm10, $0x1A06, v30;
	v31 =	vsel vm10, $0x207, v31  }
0x41: {  	v32 =	vsel vm10, $0xA07, v32;
	v33 =	vsel vm10, $0x1207, v33;
	v34 =	vsel vm10, $0x1A07, v34  }
0x42: {  	v35 =	vsel vm10, $0x200, v35;
	v36 =	vsel vm10, $0xA00, v36;
	v37 =	vsel vm10, $0x1200, v37  }
0x43: {  	v38 =	vsel vm10, $0x1A00, v38;
	v39 =	vsel vm10, $0x201, v39;
	v40 =	vsel vm10, $0xA01, v40  }
0x44: {  	v41 =	vsel vm10, $0x1201, v41;
	v42 =	vsel vm10, $0x1A01, v42;
	v43 =	vsel vm10, $0x202, v43  }
0x45: {  	v44 =	vsel vm10, $0xA02, v44;
	v45 =	vsel vm10, $0x1202, v45;
	v46 =	vsel vm10, $0x1A02, v46  }
0x46: {  	v47 =	vsel vm10, $0x203, v47;
	v48 =	vsel vm10, $0xA03, v48;
	v49 =	vsel vm10, $0x1203, v49  }
0x47: {  	v50 =	vsel vm10, $0x1A03, v50;
	v3 =	vunpack.c.l.s4.s8 v3;
	v16 =	vunpack.c.0.s8.s32 v4  }
0x48: {  	v17 =	vunpack.c.0.s8.s32 v5;
	v5 =	vimm.s32 $0x543210FE;
	v25 =	vsel vm9, $0x1286, v25  }
0x49: {  	v26 =	vsel vm9, $0x1A86, v26;
	v27 =	vsel vm9, $0x287, v27;
	v28 =	vsel vm9, $0xA87, v28  }
0x4a: {  	v29 =	vsel vm9, $0x1287, v29;
	v30 =	vsel vm9, $0x1A87, v30;
	v31 =	vsel vm9, $0x280, v31  }
0x4b: {  	v32 =	vsel vm9, $0xA80, v32;
	v33 =	vsel vm9, $0x1280, v33;
	v34 =	vsel vm9, $0x1A80, v34  }
0x4c: {  	v35 =	vsel vm9, $0x281, v35;
	v36 =	vsel vm9, $0xA81, v36;
	v37 =	vsel vm9, $0x1281, v37  }
0x4d: {  	v38 =	vsel vm9, $0x1A81, v38;
	v39 =	vsel vm9, $0x282, v39;
	v40 =	vsel vm9, $0xA82, v40  }
0x4e: {  	v41 =	vsel vm9, $0x1282, v41;
	v42 =	vsel vm9, $0x1A82, v42;
	v43 =	vsel vm9, $0x283, v43  }
0x4f: {  	v44 =	vsel vm9, $0xA83, v44;
	v45 =	vsel vm9, $0x1283, v45;
	v46 =	vsel vm9, $0x1A83, v46  }
0x50: {  	v47 =	vsel vm9, $0x284, v47;
	v48 =	vsel vm9, $0xA84, v48;
	v49 =	vsel vm9, $0x1284, v49  }
0x51: {  	v50 =	vsel vm9, $0x1A84, v50;
	v62 =	vand.u32 $0xF, v1;
	v7 =	vcombine.low v13, v12  }
0x52: {  	v14 =	vunpack.c.0.s8.s32 v2;
	v1 =	vand.u32 $0xF, v6;
	v5 =	vunpack.c.l.s4.s8 v5  }
0x53: {  	v11 =	vcombine.low v12, v13;
	v25 =	vsel vm8, $0x1307, v25;
	v26 =	vsel vm8, $0x1B07, v26  }
0x54: {  	v27 =	vsel vm8, $0x300, v27;
	v28 =	vsel vm8, $0xB00, v28;
	v29 =	vsel vm8, $0x1300, v29  }
0x55: {  	v30 =	vsel vm8, $0x1B00, v30;
	v31 =	vsel vm8, $0x301, v31;
	v32 =	vsel vm8, $0xB01, v32  }
0x56: {  	v33 =	vsel vm8, $0x1301, v33;
	v34 =	vsel vm8, $0x1B01, v34;
	v35 =	vsel vm8, $0x302, v35  }
0x57: {  	v36 =	vsel vm8, $0xB02, v36;
	v37 =	vsel vm8, $0x1302, v37;
	v38 =	vsel vm8, $0x1B02, v38  }
0x58: {  	v39 =	vsel vm8, $0x303, v39;
	v40 =	vsel vm8, $0xB03, v40;
	v41 =	vsel vm8, $0x1303, v41  }
0x59: {  	v42 =	vsel vm8, $0x1B03, v42;
	v43 =	vsel vm8, $0x304, v43;
	v44 =	vsel vm8, $0xB04, v44  }
0x5a: {  	v45 =	vsel vm8, $0x1304, v45;
	v46 =	vsel vm8, $0x1B04, v46;
	v47 =	vsel vm8, $0x305, v47  }
0x5b: {  	v48 =	vsel vm8, $0xB05, v48;
	v49 =	vsel vm8, $0x1305, v49;
	v50 =	vsel vm8, $0x1B05, v50  }
0x5c: {  	v15 =	vunpack.c.0.s8.s32 v3;
	v6 =	vcombine.low v17, v16;
	v13 =	vcombine.low v16, v17  }
0x5d: {  	v16 =	vor.u32 $0x10, v0;
	v17 =	vor.u32 $0x20, v0;
	v25 =	vsel vm7, $0x1380, v25  }
0x5e: {  	v26 =	vsel vm7, $0x1B80, v26;
	v27 =	vsel vm7, $0x381, v27;
	v28 =	vsel vm7, $0xB81, v28  }
0x5f: {  	v29 =	vsel vm7, $0x1381, v29;
	v30 =	vsel vm7, $0x1B81, v30;
	v31 =	vsel vm7, $0x382, v31  }
0x60: {  	v32 =	vsel vm7, $0xB82, v32;
	v33 =	vsel vm7, $0x1382, v33;
	v34 =	vsel vm7, $0x1B82, v34  }
0x61: {  	v35 =	vsel vm7, $0x383, v35;
	v36 =	vsel vm7, $0xB83, v36;
	v37 =	vsel vm7, $0x1383, v37  }
0x62: {  	v38 =	vsel vm7, $0x1B83, v38;
	v39 =	vsel vm7, $0x384, v39;
	v40 =	vsel vm7, $0xB84, v40  }
0x63: {  	v41 =	vsel vm7, $0x1384, v41;
	v42 =	vsel vm7, $0x1B84, v42;
	v43 =	vsel vm7, $0x385, v43  }
0x64: {  	v44 =	vsel vm7, $0xB85, v44;
	v45 =	vsel vm7, $0x1385, v45;
	v46 =	vsel vm7, $0x1B85, v46  }
0x65: {  	v47 =	vsel vm7, $0x386, v47;
	v48 =	vsel vm7, $0xB86, v48;
	v49 =	vsel vm7, $0x1386, v49  }
0x66: {  	[tilespmem:$0x1FF90] =	vst v1;
	v50 =	vsel vm7, $0x1B86, v50;
	v1 =	vand.u32 $0xF, v7;
	v7 =	vimm.s32 $0xDCBA9876  }
0x67: {  	v22 =	vunpack.c.0.s8.s32 v5;
	v5 =	vunpack.c.0.s8.s32 v19;
	v19 =	vunpack.c.0.s8.s32 v20  }
0x68: {  	v25 =	vsel vm6, $0x1401, v25;
	v26 =	vsel vm6, $0x1C01, v26;
	v27 =	vsel vm6, $0x402, v27  }
0x69: {  	v28 =	vsel vm6, $0xC02, v28;
	v29 =	vsel vm6, $0x1402, v29;
	v30 =	vsel vm6, $0x1C02, v30  }
0x6a: {  	v31 =	vsel vm6, $0x403, v31;
	v32 =	vsel vm6, $0xC03, v32;
	v33 =	vsel vm6, $0x1403, v33  }
0x6b: {  	v34 =	vsel vm6, $0x1C03, v34;
	v35 =	vsel vm6, $0x404, v35;
	v36 =	vsel vm6, $0xC04, v36  }
0x6c: {  	v37 =	vsel vm6, $0x1404, v37;
	v38 =	vsel vm6, $0x1C04, v38;
	v39 =	vsel vm6, $0x405, v39  }
0x6d: {  	v40 =	vsel vm6, $0xC05, v40;
	v41 =	vsel vm6, $0x1405, v41;
	v42 =	vsel vm6, $0x1C05, v42  }
0x6e: {  	v43 =	vsel vm6, $0x406, v43;
	v44 =	vsel vm6, $0xC06, v44;
	v45 =	vsel vm6, $0x1406, v45  }
0x6f: {  	v46 =	vsel vm6, $0x1C06, v46;
	v47 =	vsel vm6, $0x407, v47;
	v48 =	vsel vm6, $0xC07, v48  }
0x70: {  	v49 =	vsel vm6, $0x1407, v49;
	v50 =	vsel vm6, $0x1C07, v50;
	v4 =	vcombine.low v15, v14  }
0x71: {  	[tilespmem:$0x1FFA0] =	vst v1;
	v7 =	vunpack.c.l.s4.s8 v7;
	v1 =	vand.u32 $0xF, v6;
	v12 =	vcombine.low v14, v15  }
0x72: {  	v25 =	vsel vm5, $0x1482, v25;
	v26 =	vsel vm5, $0x1C82, v26;
	v27 =	vsel vm5, $0x483, v27  }
0x73: {  	v28 =	vsel vm5, $0xC83, v28;
	v29 =	vsel vm5, $0x1483, v29;
	v30 =	vsel vm5, $0x1C83, v30  }
0x74: {  	v31 =	vsel vm5, $0x484, v31;
	v32 =	vsel vm5, $0xC84, v32;
	v33 =	vsel vm5, $0x1484, v33  }
0x75: {  	v34 =	vsel vm5, $0x1C84, v34;
	v35 =	vsel vm5, $0x485, v35;
	v36 =	vsel vm5, $0xC85, v36  }
0x76: {  	v37 =	vsel vm5, $0x1485, v37;
	v38 =	vsel vm5, $0x1C85, v38;
	v39 =	vsel vm5, $0x486, v39  }
0x77: {  	v40 =	vsel vm5, $0xC86, v40;
	v41 =	vsel vm5, $0x1486, v41;
	v42 =	vsel vm5, $0x1C86, v42  }
0x78: {  	v43 =	vsel vm5, $0x487, v43;
	v44 =	vsel vm5, $0xC87, v44;
	v45 =	vsel vm5, $0x1487, v45  }
0x79: {  	v46 =	vsel vm5, $0x1C87, v46;
	v47 =	vsel vm5, $0x480, v47;
	v48 =	vsel vm5, $0xC80, v48  }
0x7a: {  	v49 =	vsel vm5, $0x1480, v49;
	v50 =	vsel vm5, $0x1C80, v50;
	v24 =	vcombine.low v19, v18  }
0x7b: {  	v15 =	vcombine.low v18, v19;
	v18 =	vimm.s32 $0x787;
	v19 =	vimm.s32 $0xF87  }
0x7c: {  	v25 =	vsel vm4, $0x1503, v25;
	v26 =	vsel vm4, $0x1D03, v26;
	v27 =	vsel vm4, $0x504, v27  }
0x7d: {  	v28 =	vsel vm4, $0xD04, v28;
	v29 =	vsel vm4, $0x1504, v29;
	v30 =	vsel vm4, $0x1D04, v30  }
0x7e: {  	v31 =	vsel vm4, $0x505, v31;
	v32 =	vsel vm4, $0xD05, v32;
	v33 =	vsel vm4, $0x1505, v33  }
0x7f: {  	v34 =	vsel vm4, $0x1D05, v34;
	v35 =	vsel vm4, $0x506, v35;
	v36 =	vsel vm4, $0xD06, v36  }
0x80: {  	v37 =	vsel vm4, $0x1506, v37;
	v38 =	vsel vm4, $0x1D06, v38;
	v39 =	vsel vm4, $0x507, v39  }
0x81: {  	v40 =	vsel vm4, $0xD07, v40;
	v41 =	vsel vm4, $0x1507, v41;
	v42 =	vsel vm4, $0x1D07, v42  }
0x82: {  	v43 =	vsel vm4, $0x500, v43;
	v44 =	vsel vm4, $0xD00, v44;
	v45 =	vsel vm4, $0x1500, v45  }
0x83: {  	v46 =	vsel vm4, $0x1D00, v46;
	v47 =	vsel vm4, $0x501, v47;
	v48 =	vsel vm4, $0xD01, v48  }
0x84: {  	v49 =	vsel vm4, $0x1501, v49;
	v50 =	vsel vm4, $0x1D01, v50;
	v23 =	vunpack.c.0.s8.s32 v7  }
0x85: {  	v7 =	vunpack.c.0.s8.s32 v21;
	v3 =	vand.u32 $0xF, v4;
	v21 =	vand.u32 $0xF, v5  }
0x86: {  	v4 =	vand.u32 $0xF, v9;
	v18 =	vsel vm14, $0x0, v18;
	v19 =	vsel vm14, $0x800, v19  }
0x87: {  	v25 =	vsel vm3, $0x1584, v25;
	v26 =	vsel vm3, $0x1D84, v26;
	v27 =	vsel vm3, $0x585, v27  }
0x88: {  	v28 =	vsel vm3, $0xD85, v28;
	v29 =	vsel vm3, $0x1585, v29;
	v30 =	vsel vm3, $0x1D85, v30  }
0x89: {  	v31 =	vsel vm3, $0x586, v31;
	v32 =	vsel vm3, $0xD86, v32;
	v33 =	vsel vm3, $0x1586, v33  }
0x8a: {  	v34 =	vsel vm3, $0x1D86, v34;
	v35 =	vsel vm3, $0x587, v35;
	v36 =	vsel vm3, $0xD87, v36  }
0x8b: {  	v37 =	vsel vm3, $0x1587, v37;
	v38 =	vsel vm3, $0x1D87, v38;
	v39 =	vsel vm3, $0x580, v39  }
0x8c: {  	v40 =	vsel vm3, $0xD80, v40;
	v41 =	vsel vm3, $0x1580, v41;
	v42 =	vsel vm3, $0x1D80, v42  }
0x8d: {  	v43 =	vsel vm3, $0x581, v43;
	v44 =	vsel vm3, $0xD81, v44;
	v45 =	vsel vm3, $0x1581, v45  }
0x8e: {  	v46 =	vsel vm3, $0x1D81, v46;
	v47 =	vsel vm3, $0x582, v47;
	v48 =	vsel vm3, $0xD82, v48  }
0x8f: {  	v8 =	vmovc v1;
	v49 =	vsel vm3, $0x1582, v49;
	v50 =	vsel vm3, $0x1D82, v50;
	v1 =	vand.u32 $0xF, v24  }
0x90: {  	v18 =	vsel vm13, $0x81, v18;
	v19 =	vsel vm13, $0x881, v19;
	v24 =	vimm.s32 $0xF80  }
0x91: {  	v25 =	vsel vm2, $0x1605, v25;
	v26 =	vsel vm2, $0x1E05, v26;
	v27 =	vsel vm2, $0x606, v27  }
0x92: {  	v28 =	vsel vm2, $0xE06, v28;
	v29 =	vsel vm2, $0x1606, v29;
	v30 =	vsel vm2, $0x1E06, v30  }
0x93: {  	v31 =	vsel vm2, $0x607, v31;
	v32 =	vsel vm2, $0xE07, v32;
	v33 =	vsel vm2, $0x1607, v33  }
0x94: {  	v34 =	vsel vm2, $0x1E07, v34;
	v35 =	vsel vm2, $0x600, v35;
	v36 =	vsel vm2, $0xE00, v36  }
0x95: {  	v37 =	vsel vm2, $0x1600, v37;
	v38 =	vsel vm2, $0x1E00, v38;
	v39 =	vsel vm2, $0x601, v39  }
0x96: {  	v40 =	vsel vm2, $0xE01, v40;
	v41 =	vsel vm2, $0x1601, v41;
	v42 =	vsel vm2, $0x1E01, v42  }
0x97: {  	v43 =	vsel vm2, $0x602, v43;
	v44 =	vsel vm2, $0xE02, v44;
	v45 =	vsel vm2, $0x1602, v45  }
0x98: {  	v46 =	vsel vm2, $0x1E02, v46;
	v47 =	vsel vm2, $0x603, v47;
	v48 =	vsel vm2, $0xE03, v48  }
0x99: {  	v49 =	vsel vm2, $0x1603, v49;
	v50 =	vsel vm2, $0x1E03, v50;
	v20 =	vcombine.low v23, v22  }
0x9a: {  	v2 =	vcombine.low v21, v7;
	v14 =	vcombine.low v22, v23;
	v18 =	vsel vm12, $0x102, v18  }
0x9b: {  	v19 =	vsel vm12, $0x902, v19;
	v22 =	vimm.s32 $0x1F87;
	v23 =	vimm.s32 $0x780  }
0x9c: {  	v24 =	vsel vm14, $0x801, v24;
	v25 =	vsel vm1, $0x1686, v25;
	v26 =	vsel vm1, $0x1E86, v26  }
0x9d: {  	v27 =	vsel vm1, $0x687, v27;
	v28 =	vsel vm1, $0xE87, v28;
	v29 =	vsel vm1, $0x1687, v29  }
0x9e: {  	v30 =	vsel vm1, $0x1E87, v30;
	v31 =	vsel vm1, $0x680, v31;
	v32 =	vsel vm1, $0xE80, v32  }
0x9f: {  	v33 =	vsel vm1, $0x1680, v33;
	v34 =	vsel vm1, $0x1E80, v34;
	v35 =	vsel vm1, $0x681, v35  }
0xa0: {  	v36 =	vsel vm1, $0xE81, v36;
	v37 =	vsel vm1, $0x1681, v37;
	v38 =	vsel vm1, $0x1E81, v38  }
0xa1: {  	v39 =	vsel vm1, $0x682, v39;
	v40 =	vsel vm1, $0xE82, v40;
	v41 =	vsel vm1, $0x1682, v41  }
0xa2: {  	v42 =	vsel vm1, $0x1E82, v42;
	v43 =	vsel vm1, $0x683, v43;
	v44 =	vsel vm1, $0xE83, v44  }
0xa3: {  	v45 =	vsel vm1, $0x1683, v45;
	v46 =	vsel vm1, $0x1E83, v46;
	v47 =	vsel vm1, $0x684, v47  }
0xa4: {  	v18 =	vsel vm11, $0x183, v18;
	v19 =	vsel vm11, $0x983, v19;
	v22 =	vsel vm14, $0x1800, v22  }
0xa5: {  	v23 =	vsel vm14, $0x1, v23;
	v24 =	vsel vm13, $0x882, v24;
	v18 =	vsel vm10, $0x204, v18  }
0xa6: {  	v7 =	vmovc v3;
	v3 =	vand.u32 $0xF, v20;
	v9 =	vmovc v2;
	v2 =	vand.u32 $0xF, v10;
	v18 =	vsel vm9, $0x285, v18  }
0xa7: {  	v19 =	vsel vm10, $0xA04, v19;
	v22 =	vsel vm13, $0x1881, v22;
	v18 =	vsel vm8, $0x306, v18  }
0xa8: {  	v23 =	vsel vm13, $0x82, v23;
	v19 =	vsel vm9, $0xA85, v19;
	v18 =	vsel vm7, $0x387, v18  }
0xa9: {  	v24 =	vsel vm12, $0x903, v24;
	v19 =	vsel vm8, $0xB06, v19;
	v18 =	vsel vm6, $0x400, v18  }
0xaa: {  	v10 =	vmovc v3;
	v3 =	vand.u32 $0xF, v11;
	v19 =	vsel vm7, $0xB87, v19;
	v18 =	vsel vm5, $0x481, v18  }
0xab: {  	v11 =	vmovc v1;
	v1 =	vand.u32 $0xF, v12;
	v19 =	vsel vm6, $0xC00, v19;
	v18 =	vsel vm4, $0x502, v18  }
0xac: {  	v12 =	vmovc v4;
	v4 =	vand.u32 $0xF, v13;
	v19 =	vsel vm5, $0xC81, v19;
	v18 =	vsel vm3, $0x583, v18  }
0xad: {  	v13 =	vmovc v2;
	v2 =	vand.u32 $0xF, v14;
	v19 =	vsel vm4, $0xD02, v19;
	v18 =	vsel vm2, $0x604, v18  }
0xae: {  	v22 =	vsel vm12, $0x1902, v22;
	v19 =	vsel vm3, $0xD83, v19;
	v20 =	vsel vm1, $0x685, v18  }
0xaf: {  	v23 =	vsel vm12, $0x103, v23;
	v24 =	vsel vm11, $0x984, v24;
	v19 =	vsel vm2, $0xE04, v19  }
0xb0: {  	v14 =	vmovc v3;
	v3 =	vand.u32 $0xF, v15;
	v22 =	vsel vm11, $0x1983, v22;
	v21 =	vsel vm1, $0xE85, v19  }
0xb1: {  	v15 =	vmovc v1;
	v1 =	vsel vm0, $0x706, v20;
	v20 =	vmovc v2;
	v2 =	vsel vm0, $0xF06, v21;
	v21 =	vimm.s32 $0x1787  }
0xb2: {  	v23 =	vsel vm11, $0x184, v23;
	v24 =	vsel vm10, $0xA05, v24;
	v21 =	vsel vm14, $0x1000, v21  }
0xb3: {  	v22 =	vsel vm10, $0x1A04, v22;
	v23 =	vsel vm10, $0x205, v23;
	v21 =	vsel vm13, $0x1081, v21  }
0xb4: {  	v24 =	vsel vm9, $0xA86, v24;
	v22 =	vsel vm9, $0x1A85, v22;
	v21 =	vsel vm12, $0x1102, v21  }
0xb5: {  	v23 =	vsel vm9, $0x286, v23;
	v24 =	vsel vm8, $0xB07, v24;
	v21 =	vsel vm11, $0x1183, v21  }
0xb6: {  	v22 =	vsel vm8, $0x1B06, v22;
	v23 =	vsel vm8, $0x307, v23;
	v21 =	vsel vm10, $0x1204, v21  }
0xb7: {  	v24 =	vsel vm7, $0xB80, v24;
	v22 =	vsel vm7, $0x1B87, v22;
	v21 =	vsel vm9, $0x1285, v21  }
0xb8: {  	v23 =	vsel vm7, $0x380, v23;
	v24 =	vsel vm6, $0xC01, v24;
	v21 =	vsel vm8, $0x1306, v21  }
0xb9: {  	v22 =	vsel vm6, $0x1C00, v22;
	v23 =	vsel vm6, $0x401, v23;
	v21 =	vsel vm7, $0x1387, v21  }
0xba: {  	v24 =	vsel vm5, $0xC82, v24;
	v22 =	vsel vm5, $0x1C81, v22;
	v21 =	vsel vm6, $0x1400, v21  }
0xbb: {  	v23 =	vsel vm5, $0x482, v23;
	v24 =	vsel vm4, $0xD03, v24;
	v21 =	vsel vm5, $0x1481, v21  }
0xbc: {  	v22 =	vsel vm4, $0x1D02, v22;
	v23 =	vsel vm4, $0x503, v23;
	v21 =	vsel vm4, $0x1502, v21  }
0xbd: {  	v24 =	vsel vm3, $0xD84, v24;
	v22 =	vsel vm3, $0x1D83, v22;
	v21 =	vsel vm3, $0x1583, v21  }
0xbe: {  	v23 =	vsel vm3, $0x584, v23;
	v24 =	vsel vm2, $0xE05, v24;
	v21 =	vsel vm2, $0x1604, v21  }
0xbf: {  	v22 =	vsel vm2, $0x1E04, v22;
	v23 =	vsel vm2, $0x605, v23;
	v21 =	vsel vm1, $0x1685, v21  }
0xc0: {  	v24 =	vsel vm1, $0xE86, v24;
	v22 =	vsel vm1, $0x1E85, v22;
	v23 =	vsel vm1, $0x686, v23  }
0xc1: {  	s7 =	rddreg [dreg:$0x0];
	v48 =	vsel vm1, $0xE84, v48;
	v49 =	vsel vm1, $0x1684, v49;
	v50 =	vsel vm1, $0x1E84, v50  }
0xc2: {  	s6 =	rddreg [dreg:$0x1];
	v5 =	vsel vm0, $0xF05, v48;
	v19 =	vmovc v4;
	v4 =	vsel vm0, $0x1706, v21;
	v21 =	vmovc v3;
	v3 =	vsel vm0, $0x1F06, v22  }
0xc3: {  	s1 =	rddreg [dreg:$0x2];
	v22 =	vmovc v1;
	v1 =	vsel vm0, $0x707, v23;
	v23 =	vmovc v2;
	v2 =	vsel vm0, $0xF07, v24;
	v24 =	vmov v4  }
0xc4: {  	s0 =	rddreg [dreg:$0x3];
	s4 =	srdreg.scid;
	v4 =	vsel vm0, $0x1707, v25;
	v25 =	vmovc v3;
	v3 =	vsel vm0, $0x1F07, v26;
	v26 =	vmovc v1;
	v1 =	vsel vm0, $0x700, v27  }
0xc5: {  	s3 =	simm.s32 $0x0;
	s2 =	stileid.u32;
	s11 =	simm.s32 $0x400;
	v27 =	vmovc v2;
	v2 =	vsel vm0, $0xF00, v28;
	v28 =	vmovc v4;
	v4 =	vsel vm0, $0x1700, v29;
	v29 =	vmov v3  }
0xc6: {  	s12 =	simm.s32 $0x8000;
	s13 =	simm.s32 $0x80;
	s14 =	simm.s32 $0x9600;
	v3 =	vsel vm0, $0x1F00, v30;
	v30 =	vmovc v1;
	v1 =	vsel vm0, $0x701, v31;
	v31 =	vmovc v2;
	v2 =	vsel vm0, $0xF01, v32  }
0xc7: {  	s15 =	simm.s32 $0xB600;
	s16 =	simm.s32 $0x1;
	s17 =	simm.s32 $0xD600;
	v32 =	vmovc v4;
	v4 =	vsel vm0, $0x1701, v33;
	v33 =	vmovc v3;
	v3 =	vsel vm0, $0x1F01, v34;
	v34 =	vmov v1  }
0xc8: {  	s18 =	simm.s32 $0x2;
	s19 =	simm.s32 $0xF600;
	s4 =	sand.u32 $0x1, s4;
	v1 =	vsel vm0, $0x702, v35;
	v35 =	vmovc v2;
	v2 =	vsel vm0, $0xF02, v36;
	v36 =	vmovc v4;
	v4 =	vsel vm0, $0x1702, v37  }
0xc9: {  	[smem:$0x7FF] =	sst s3;
	s5 =	sshll.u32 s2, $0xB;
	s8 =	sshll.u32 s4, $0xA;
	v37 =	vmovc v3;
	v3 =	vsel vm0, $0x1F02, v38;
	v38 =	vmovc v1;
	v1 =	vsel vm0, $0x703, v39;
	v39 =	vmov v2  }
0xca: {  	s20 =	simm.s32 $0x3;
	s21 =	simm.s32 $0x4;
	_ =	strace $0x80000047;
	[tilespmem:$0x1FFD0] =	vst v62;
	v2 =	vsel vm0, $0xF03, v40;
	v40 =	vmovc v4;
	v4 =	vsel vm0, $0x1703, v41;
	v41 =	vmovc v3;
	v3 =	vsel vm0, $0x1F03, v42  }
0xcb: {  	s22 =	simm.s32 $0x0;
	s9 =	ssub.s32 $0x2, s4;
	s4 =	sor.u32 s8, s5;
	[tilespmem:$0x1FFE0] =	vst v5;
	v42 =	vmovc v1;
	v1 =	vsel vm0, $0x704, v43;
	v43 =	vmovc v2;
	v2 =	vsel vm0, $0xF04, v44;
	v44 =	vmov v4  }
0xcc: {  	s5 =	sadd.s32 $0xC00, s6;
	s31 =	sshrl.u32 s9, $0x1;
	s6 =	sadd.s32 $0x400, s6;
	[tilespmem:$0x1FFF0] =	vst v7;
	v4 =	vsel vm0, $0x1704, v45;
	v45 =	vmovc v3;
	v3 =	vsel vm0, $0x1F04, v46;
	v46 =	vmovc v1;
	v1 =	vsel vm0, $0x1705, v49  }
0xcd: {  	s10 =	sshrl.u32 s4, $0x3;
	s8 =	ssub.s32 s9, s31;
	s9 =	simm.s32 $0x6400;
	v18 =	vor.u32 $0x30, v0;
	v0 =	vsel vm0, $0x705, v47;
	v47 =	vmovc v2;
	v2 =	vsel vm0, $0x1F05, v50;
	[tilespmem:$0x1FFB0] =	vst v1  }
0xce: {  	s7 =	sadd.s32 s7, s10;
	s8 =	smax.u32 s8, $0x1;
	s10 =	simm.s32 $0x5;
	v48 =	vmovc v4;
	v50 =	vmov v0;
	v0 =	vlaneseq.u32;
	v49 =	vmov v3;
	[tilespmem:$0x1FFC0] =	vst v2  }
.LBB2_1:
0xcf: {  	[tilespmem:s9], [sflag:$0x5] =	stream.linear.gather [hbm4b:s6+s3], $0x3200, $0x38;
	[tilespmem:$0x11600] =	vst v63  }
0xd0: {  	_ =	swait.ge [sflag:s10], $0x3200  }
0xd1: {  	[sflag:s10] =	ssyncset.done $0x0  }
0xd2: {  	[sflag:s10] =	ssyncadd.s32 $0xFFFFCE00  }
0xd3: {  	[tilespmem:s3], [sflag:$0x5] =	stream.strided.gather [hbm4b:s7+s11], $0x6400, s12, s11, $0x38;
	[tilespmem:$0x11600] =	vst v63  }
0xd4: {  	_ =	swait.ge [sflag:s10], $0x6400  }
0xd5: {  	[sflag:s10] =	ssyncset.done $0x0  }
0xd6: {  	s23 =	simm.s32 $0x0;
	[sflag:s10] =	ssyncadd.s32 $0xFFFF9C00  }
0xd7: {  	[tilespmem:s14], [sflag:$0x1] =	stream.indirect.gather [hbm4b:s5+s13], $0x40, s3, s13, $0xb8;
	[tilespmem:$0x11600] =	vst v63  }
.LBB2_2:
0xd8: {  	s24 =	sshllo.u32 s23, $0x1  }
0xd9: {  	s25 =	sshll.u32 s23, $0x8;
	s26 =	sshll.u32 s24, $0x7  }
0xda: {  	s25 =	sand.u32 $0x7C00, s25;
	s26 =	sand.u32 $0x380, s26  }
0xdb: {  	p0 =	seq.s32 s23, $0x0;
	s25 =	sor.u32 s26, s25  }
0xdc: {  	[tilespmem:s15], [sflag:$0x2] =	stream.indirect.gather [hbm4b:s5+s13], $0x40, s25, s13, $0xb8;
	[tilespmem:$0x11600] =	vst v63  }
0xdd: {  	s25 =	simm.s32 @!p0 $0x4  }
0xde: {  	_ =	swait.ge @!p0 [sflag:s25], $0x2000  }
0xdf: {  	[sflag:s25] =	ssyncset.done @!p0 $0x0  }
0xe0: {  	s30 =	simm.s32 $0x0;
	[sflag:s25] =	ssyncadd.s32 @!p0 $0xFFFFE000  }
0xe1: {  	v55 =	vor.u32 s30, v0;
	_ =	swait.ge [sflag:s16], $0x2000  }
0xe2: {  	s31 =	sshll.u32 s23, $0x7;
	v53 =	vshll.u32 v55, $0x6;
	[sflag:s16] =	ssyncset.done $0x0  }
0xe3: {  	s26 =	sand.u32 $0x3FFFFF80, s31;
	v56 =	vor.u32 v0, v53;
	[sflag:s16] =	ssyncadd.s32 $0xFFFFE000  }
0xe4: {  	v57 =	vor.u32 v16, v53;
	v51 =	vld [tilespmem:s26+$0x6400]  }
0xe5: {  	v58 =	vor.u32 v17, v53;
	v52 =	vld [tilespmem:s26+$0x6410]  }
0xe6: {  	v59 =	vor.u32 v18, v53;
	v54 =	vld [tilespmem:s26+$0x6420]  }
0xe7: {  	v53 =	vld [tilespmem:s26+$0x6430]  }
0xe8: {  	v56 =	vld.idx.msk [tilespmem:v56+s14+$0x0], $0xffff  }
0xe9: {  	v55 =	vand.u32 $0x78, v55;
	v57 =	vld.idx.msk [tilespmem:v57+s14+$0x0], $0xffff  }
0xea: {  	v60 =	vor.u32 v22, v55;
	v61 =	vld.idx.msk [tilespmem:v58+s14+$0x0], $0xffff  }
0xeb: {  	v4 =	vor.u32 v23, v55;
	v59 =	vld.idx.msk [tilespmem:v59+s14+$0x0], $0xffff  }
0xec: {  	v62 =	vor.u32 s30, v62;
	v63 =	vor.u32 v24, v55  }
0xed: {  	v3 =	vmovc v5;
	v5 =	vor.u32 v25, v55;
	v55 =	vshll.u32 v62, $0x6;
	v56 =	vadd.f32 v56, v51  }
0xee: {  	v58 =	vor.u32 v0, v55;
	v57 =	vadd.f32 v57, v52  }
0xef: {  	v61 =	vadd.f32 v61, v54;
	[tilespmem:v60+s17+$0x0] =	vst.idx.msk $0xffff, v56;
	v56 =	vor.u32 v16, v55  }
0xf0: {  	v59 =	vadd.f32 v59, v53;
	v60 =	vor.u32 v17, v55;
	[tilespmem:v4+s17+$0x0] =	vst.idx.msk $0xffff, v57  }
0xf1: {  	v55 =	vor.u32 v18, v55;
	[tilespmem:v63+s17+$0x0] =	vst.idx.msk $0xffff, v61  }
0xf2: {  	v4 =	vld [tilespmem:$0x1FF90];
	[tilespmem:v5+s17+$0x0] =	vst.idx.msk $0xffff, v59  }
0xf3: {  	v58 =	vld.idx.msk [tilespmem:v58+s14+$0x0], $0xffff  }
0xf4: {  	v59 =	vand.u32 $0x78, v62;
	v56 =	vld.idx.msk [tilespmem:v56+s14+$0x0], $0xffff  }
0xf5: {  	v61 =	vld.idx.msk [tilespmem:v60+s14+$0x0], $0xffff;
	v60 =	vor.u32 v26, v59  }
0xf6: {  	v6 =	vor.u32 v27, v59;
	v5 =	vld.idx.msk [tilespmem:v55+s14+$0x0], $0xffff  }
0xf7: {  	v63 =	vor.u32 v28, v59;
	v62 =	vor.u32 s30, v4  }
0xf8: {  	v59 =	vor.u32 v29, v59;
	v55 =	vshll.u32 v62, $0x6;
	v58 =	vadd.f32 v58, v51  }
0xf9: {  	v57 =	vor.u32 v0, v55;
	v56 =	vadd.f32 v56, v52  }
0xfa: {  	v61 =	vadd.f32 v61, v54;
	[tilespmem:v60+s17+$0x0] =	vst.idx.msk $0xffff, v58;
	v58 =	vor.u32 v16, v55  }
0xfb: {  	v60 =	vadd.f32 v5, v53;
	[tilespmem:v6+s17+$0x0] =	vst.idx.msk $0xffff, v56;
	v56 =	vor.u32 v17, v55  }
0xfc: {  	v55 =	vor.u32 v18, v55;
	[tilespmem:v63+s17+$0x0] =	vst.idx.msk $0xffff, v61  }
0xfd: {  	v4 =	vld [tilespmem:$0x1FFA0];
	[tilespmem:v59+s17+$0x0] =	vst.idx.msk $0xffff, v60  }
0xfe: {  	v57 =	vld.idx.msk [tilespmem:v57+s14+$0x0], $0xffff  }
0xff: {  	v59 =	vand.u32 $0x78, v62;
	v58 =	vld.idx.msk [tilespmem:v58+s14+$0x0], $0xffff  }
0x100: {  	v60 =	vor.u32 v30, v59;
	v61 =	vld.idx.msk [tilespmem:v56+s14+$0x0], $0xffff  }
0x101: {  	v6 =	vor.u32 v31, v59;
	v5 =	vld.idx.msk [tilespmem:v55+s14+$0x0], $0xffff  }
0x102: {  	v62 =	vor.u32 s30, v4;
	v63 =	vor.u32 v32, v59  }
0x103: {  	v59 =	vor.u32 v33, v59;
	v55 =	vshll.u32 v62, $0x6;
	v57 =	vadd.f32 v57, v51  }
0x104: {  	v56 =	vor.u32 v0, v55;
	v58 =	vadd.f32 v58, v52  }
0x105: {  	v61 =	vadd.f32 v61, v54;
	[tilespmem:v60+s17+$0x0] =	vst.idx.msk $0xffff, v57;
	v57 =	vor.u32 v16, v55  }
0x106: {  	v60 =	vadd.f32 v5, v53;
	[tilespmem:v6+s17+$0x0] =	vst.idx.msk $0xffff, v58;
	v58 =	vor.u32 v17, v55  }
0x107: {  	v55 =	vor.u32 v18, v55;
	[tilespmem:v63+s17+$0x0] =	vst.idx.msk $0xffff, v61  }
0x108: {  	[tilespmem:v59+s17+$0x0] =	vst.idx.msk $0xffff, v60  }
0x109: {  	v56 =	vld.idx.msk [tilespmem:v56+s14+$0x0], $0xffff  }
0x10a: {  	v59 =	vand.u32 $0x78, v62;
	v57 =	vld.idx.msk [tilespmem:v57+s14+$0x0], $0xffff  }
0x10b: {  	v60 =	vor.u32 v34, v59;
	v61 =	vld.idx.msk [tilespmem:v58+s14+$0x0], $0xffff  }
0x10c: {  	v5 =	vor.u32 v35, v59;
	v4 =	vld.idx.msk [tilespmem:v55+s14+$0x0], $0xffff  }
0x10d: {  	v62 =	vor.u32 s30, v7;
	v63 =	vor.u32 v36, v59  }
0x10e: {  	v59 =	vor.u32 v37, v59;
	v55 =	vshll.u32 v62, $0x6;
	v56 =	vadd.f32 v56, v51  }
0x10f: {  	v58 =	vor.u32 v0, v55;
	v57 =	vadd.f32 v57, v52  }
0x110: {  	v61 =	vadd.f32 v61, v54;
	[tilespmem:v60+s17+$0x0] =	vst.idx.msk $0xffff, v56;
	v56 =	vor.u32 v16, v55  }
0x111: {  	v60 =	vadd.f32 v4, v53;
	[tilespmem:v5+s17+$0x0] =	vst.idx.msk $0xffff, v57;
	v57 =	vor.u32 v17, v55  }
0x112: {  	v55 =	vor.u32 v18, v55;
	[tilespmem:v63+s17+$0x0] =	vst.idx.msk $0xffff, v61  }
0x113: {  	[tilespmem:v59+s17+$0x0] =	vst.idx.msk $0xffff, v60  }
0x114: {  	v58 =	vld.idx.msk [tilespmem:v58+s14+$0x0], $0xffff  }
0x115: {  	v59 =	vand.u32 $0x78, v62;
	v56 =	vld.idx.msk [tilespmem:v56+s14+$0x0], $0xffff  }
0x116: {  	v60 =	vor.u32 v38, v59;
	v61 =	vld.idx.msk [tilespmem:v57+s14+$0x0], $0xffff  }
0x117: {  	v5 =	vor.u32 v39, v59;
	v4 =	vld.idx.msk [tilespmem:v55+s14+$0x0], $0xffff  }
0x118: {  	v62 =	vor.u32 s30, v8;
	v63 =	vor.u32 v40, v59  }
0x119: {  	v59 =	vor.u32 v41, v59;
	v55 =	vshll.u32 v62, $0x6;
	v58 =	vadd.f32 v58, v51  }
0x11a: {  	v57 =	vor.u32 v0, v55;
	v56 =	vadd.f32 v56, v52  }
0x11b: {  	v61 =	vadd.f32 v61, v54;
	[tilespmem:v60+s17+$0x0] =	vst.idx.msk $0xffff, v58;
	v58 =	vor.u32 v16, v55  }
0x11c: {  	v60 =	vadd.f32 v4, v53;
	[tilespmem:v5+s17+$0x0] =	vst.idx.msk $0xffff, v56;
	v56 =	vor.u32 v17, v55  }
0x11d: {  	v55 =	vor.u32 v18, v55;
	[tilespmem:v63+s17+$0x0] =	vst.idx.msk $0xffff, v61  }
0x11e: {  	[tilespmem:v59+s17+$0x0] =	vst.idx.msk $0xffff, v60  }
0x11f: {  	v57 =	vld.idx.msk [tilespmem:v57+s14+$0x0], $0xffff  }
0x120: {  	v59 =	vand.u32 $0x78, v62;
	v58 =	vld.idx.msk [tilespmem:v58+s14+$0x0], $0xffff  }
0x121: {  	v60 =	vor.u32 v42, v59;
	v61 =	vld.idx.msk [tilespmem:v56+s14+$0x0], $0xffff  }
0x122: {  	v5 =	vor.u32 v43, v59;
	v4 =	vld.idx.msk [tilespmem:v55+s14+$0x0], $0xffff  }
0x123: {  	v62 =	vor.u32 s30, v10;
	v63 =	vor.u32 v44, v59  }
0x124: {  	v59 =	vor.u32 v45, v59;
	v55 =	vshll.u32 v62, $0x6;
	v57 =	vadd.f32 v57, v51  }
0x125: {  	v56 =	vor.u32 v0, v55;
	v58 =	vadd.f32 v58, v52  }
0x126: {  	v61 =	vadd.f32 v61, v54;
	[tilespmem:v60+s17+$0x0] =	vst.idx.msk $0xffff, v57;
	v57 =	vor.u32 v16, v55  }
0x127: {  	v60 =	vadd.f32 v4, v53;
	[tilespmem:v5+s17+$0x0] =	vst.idx.msk $0xffff, v58;
	v58 =	vor.u32 v17, v55  }
0x128: {  	v55 =	vor.u32 v18, v55;
	[tilespmem:v63+s17+$0x0] =	vst.idx.msk $0xffff, v61  }
0x129: {  	[tilespmem:v59+s17+$0x0] =	vst.idx.msk $0xffff, v60  }
0x12a: {  	v56 =	vld.idx.msk [tilespmem:v56+s14+$0x0], $0xffff  }
0x12b: {  	v59 =	vand.u32 $0x78, v62;
	v57 =	vld.idx.msk [tilespmem:v57+s14+$0x0], $0xffff  }
0x12c: {  	v60 =	vor.u32 v46, v59;
	v61 =	vld.idx.msk [tilespmem:v58+s14+$0x0], $0xffff  }
0x12d: {  	v5 =	vor.u32 v47, v59;
	v4 =	vld.idx.msk [tilespmem:v55+s14+$0x0], $0xffff  }
0x12e: {  	v62 =	vor.u32 s30, v11;
	v63 =	vor.u32 v48, v59  }
0x12f: {  	v59 =	vor.u32 v49, v59;
	v55 =	vshll.u32 v62, $0x6;
	v56 =	vadd.f32 v56, v51  }
0x130: {  	v58 =	vor.u32 v0, v55;
	v57 =	vadd.f32 v57, v52  }
0x131: {  	v61 =	vadd.f32 v61, v54;
	[tilespmem:v60+s17+$0x0] =	vst.idx.msk $0xffff, v56;
	v56 =	vor.u32 v16, v55  }
0x132: {  	v60 =	vadd.f32 v4, v53;
	[tilespmem:v5+s17+$0x0] =	vst.idx.msk $0xffff, v57;
	v57 =	vor.u32 v17, v55  }
0x133: {  	v55 =	vor.u32 v18, v55;
	[tilespmem:v63+s17+$0x0] =	vst.idx.msk $0xffff, v61  }
0x134: {  	[tilespmem:v59+s17+$0x0] =	vst.idx.msk $0xffff, v60  }
0x135: {  	v58 =	vld.idx.msk [tilespmem:v58+s14+$0x0], $0xffff  }
0x136: {  	v59 =	vand.u32 $0x78, v62;
	v56 =	vld.idx.msk [tilespmem:v56+s14+$0x0], $0xffff  }
0x137: {  	v60 =	vor.u32 v50, v59;
	v61 =	vld.idx.msk [tilespmem:v57+s14+$0x0], $0xffff  }
0x138: {  	v5 =	vor.u32 v3, v59;
	v4 =	vld.idx.msk [tilespmem:v55+s14+$0x0], $0xffff  }
0x139: {  	v62 =	vor.u32 s30, v9;
	v63 =	vor.u32 v1, v59  }
0x13a: {  	v59 =	vor.u32 v2, v59;
	v55 =	vshll.u32 v62, $0x6;
	v58 =	vadd.f32 v58, v51  }
0x13b: {  	v57 =	vor.u32 v0, v55;
	v56 =	vadd.f32 v56, v52  }
0x13c: {  	v61 =	vadd.f32 v61, v54;
	[tilespmem:v60+s17+$0x0] =	vst.idx.msk $0xffff, v58;
	v58 =	vor.u32 v16, v55  }
0x13d: {  	v60 =	vadd.f32 v4, v53;
	[tilespmem:v5+s17+$0x0] =	vst.idx.msk $0xffff, v56;
	v56 =	vor.u32 v17, v55  }
0x13e: {  	v55 =	vor.u32 v18, v55;
	[tilespmem:v63+s17+$0x0] =	vst.idx.msk $0xffff, v61  }
0x13f: {  	[tilespmem:v59+s17+$0x0] =	vst.idx.msk $0xffff, v60  }
0x140: {  	v57 =	vld.idx.msk [tilespmem:v57+s14+$0x0], $0xffff  }
0x141: {  	v59 =	vand.u32 $0x78, v62;
	v58 =	vld.idx.msk [tilespmem:v58+s14+$0x0], $0xffff  }
0x142: {  	v60 =	vor.u32 v22, v59;
	v61 =	vld.idx.msk [tilespmem:v56+s14+$0x0], $0xffff  }
0x143: {  	v5 =	vor.u32 v23, v59;
	v4 =	vld.idx.msk [tilespmem:v55+s14+$0x0], $0xffff  }
0x144: {  	v62 =	vor.u32 s30, v12;
	v63 =	vor.u32 v24, v59  }
0x145: {  	v59 =	vor.u32 v25, v59;
	v55 =	vshll.u32 v62, $0x6;
	v57 =	vadd.f32 v57, v51  }
0x146: {  	v56 =	vor.u32 v0, v55;
	v58 =	vadd.f32 v58, v52  }
0x147: {  	v61 =	vadd.f32 v61, v54;
	[tilespmem:v60+s17+$0x0] =	vst.idx.msk $0xffff, v57;
	v57 =	vor.u32 v16, v55  }
0x148: {  	v60 =	vadd.f32 v4, v53;
	[tilespmem:v5+s17+$0x0] =	vst.idx.msk $0xffff, v58;
	v58 =	vor.u32 v17, v55  }
0x149: {  	v55 =	vor.u32 v18, v55;
	[tilespmem:v63+s17+$0x0] =	vst.idx.msk $0xffff, v61  }
0x14a: {  	[tilespmem:v59+s17+$0x0] =	vst.idx.msk $0xffff, v60  }
0x14b: {  	v56 =	vld.idx.msk [tilespmem:v56+s14+$0x0], $0xffff  }
0x14c: {  	v59 =	vand.u32 $0x78, v62;
	v57 =	vld.idx.msk [tilespmem:v57+s14+$0x0], $0xffff  }
0x14d: {  	v60 =	vor.u32 v26, v59;
	v61 =	vld.idx.msk [tilespmem:v58+s14+$0x0], $0xffff  }
0x14e: {  	v5 =	vor.u32 v27, v59;
	v4 =	vld.idx.msk [tilespmem:v55+s14+$0x0], $0xffff  }
0x14f: {  	v62 =	vor.u32 s30, v13;
	v63 =	vor.u32 v28, v59  }
0x150: {  	v59 =	vor.u32 v29, v59;
	v55 =	vshll.u32 v62, $0x6;
	v56 =	vadd.f32 v56, v51  }
0x151: {  	v58 =	vor.u32 v0, v55;
	v57 =	vadd.f32 v57, v52  }
0x152: {  	v61 =	vadd.f32 v61, v54;
	[tilespmem:v60+s17+$0x0] =	vst.idx.msk $0xffff, v56;
	v56 =	vor.u32 v16, v55  }
0x153: {  	v60 =	vadd.f32 v4, v53;
	[tilespmem:v5+s17+$0x0] =	vst.idx.msk $0xffff, v57;
	v57 =	vor.u32 v17, v55  }
0x154: {  	v55 =	vor.u32 v18, v55;
	[tilespmem:v63+s17+$0x0] =	vst.idx.msk $0xffff, v61  }
0x155: {  	[tilespmem:v59+s17+$0x0] =	vst.idx.msk $0xffff, v60  }
0x156: {  	v58 =	vld.idx.msk [tilespmem:v58+s14+$0x0], $0xffff  }
0x157: {  	v59 =	vand.u32 $0x78, v62;
	v56 =	vld.idx.msk [tilespmem:v56+s14+$0x0], $0xffff  }
0x158: {  	v60 =	vor.u32 v30, v59;
	v61 =	vld.idx.msk [tilespmem:v57+s14+$0x0], $0xffff  }
0x159: {  	v5 =	vor.u32 v31, v59;
	v4 =	vld.idx.msk [tilespmem:v55+s14+$0x0], $0xffff  }
0x15a: {  	v62 =	vor.u32 s30, v14;
	v63 =	vor.u32 v32, v59  }
0x15b: {  	v59 =	vor.u32 v33, v59;
	v55 =	vshll.u32 v62, $0x6;
	v58 =	vadd.f32 v58, v51  }
0x15c: {  	v57 =	vor.u32 v0, v55;
	v56 =	vadd.f32 v56, v52  }
0x15d: {  	v61 =	vadd.f32 v61, v54;
	[tilespmem:v60+s17+$0x0] =	vst.idx.msk $0xffff, v58;
	v58 =	vor.u32 v16, v55  }
0x15e: {  	v60 =	vadd.f32 v4, v53;
	[tilespmem:v5+s17+$0x0] =	vst.idx.msk $0xffff, v56;
	v56 =	vor.u32 v17, v55  }
0x15f: {  	v55 =	vor.u32 v18, v55;
	[tilespmem:v63+s17+$0x0] =	vst.idx.msk $0xffff, v61  }
0x160: {  	[tilespmem:v59+s17+$0x0] =	vst.idx.msk $0xffff, v60  }
0x161: {  	v57 =	vld.idx.msk [tilespmem:v57+s14+$0x0], $0xffff  }
0x162: {  	v59 =	vand.u32 $0x78, v62;
	v58 =	vld.idx.msk [tilespmem:v58+s14+$0x0], $0xffff  }
0x163: {  	v60 =	vor.u32 v34, v59;
	v61 =	vld.idx.msk [tilespmem:v56+s14+$0x0], $0xffff  }
0x164: {  	v5 =	vor.u32 v35, v59;
	v4 =	vld.idx.msk [tilespmem:v55+s14+$0x0], $0xffff  }
0x165: {  	v62 =	vor.u32 s30, v15;
	v63 =	vor.u32 v36, v59  }
0x166: {  	v59 =	vor.u32 v37, v59;
	v55 =	vshll.u32 v62, $0x6;
	v57 =	vadd.f32 v57, v51  }
0x167: {  	v56 =	vor.u32 v0, v55;
	v58 =	vadd.f32 v58, v52  }
0x168: {  	v61 =	vadd.f32 v61, v54;
	[tilespmem:v60+s17+$0x0] =	vst.idx.msk $0xffff, v57;
	v57 =	vor.u32 v16, v55  }
0x169: {  	v60 =	vadd.f32 v4, v53;
	[tilespmem:v5+s17+$0x0] =	vst.idx.msk $0xffff, v58;
	v58 =	vor.u32 v17, v55  }
0x16a: {  	v55 =	vor.u32 v18, v55;
	[tilespmem:v63+s17+$0x0] =	vst.idx.msk $0xffff, v61  }
0x16b: {  	[tilespmem:v59+s17+$0x0] =	vst.idx.msk $0xffff, v60  }
0x16c: {  	v56 =	vld.idx.msk [tilespmem:v56+s14+$0x0], $0xffff  }
0x16d: {  	v59 =	vand.u32 $0x78, v62;
	v57 =	vld.idx.msk [tilespmem:v57+s14+$0x0], $0xffff  }
0x16e: {  	v60 =	vor.u32 v38, v59;
	v61 =	vld.idx.msk [tilespmem:v58+s14+$0x0], $0xffff  }
0x16f: {  	v5 =	vor.u32 v39, v59;
	v4 =	vld.idx.msk [tilespmem:v55+s14+$0x0], $0xffff  }
0x170: {  	v62 =	vor.u32 s30, v19;
	v63 =	vor.u32 v40, v59  }
0x171: {  	v59 =	vor.u32 v41, v59;
	v55 =	vshll.u32 v62, $0x6;
	v56 =	vadd.f32 v56, v51  }
0x172: {  	v58 =	vor.u32 v0, v55;
	v57 =	vadd.f32 v57, v52  }
0x173: {  	v61 =	vadd.f32 v61, v54;
	[tilespmem:v60+s17+$0x0] =	vst.idx.msk $0xffff, v56;
	v56 =	vor.u32 v16, v55  }
0x174: {  	v60 =	vadd.f32 v4, v53;
	[tilespmem:v5+s17+$0x0] =	vst.idx.msk $0xffff, v57;
	v57 =	vor.u32 v17, v55  }
0x175: {  	v55 =	vor.u32 v18, v55;
	[tilespmem:v63+s17+$0x0] =	vst.idx.msk $0xffff, v61  }
0x176: {  	[tilespmem:v59+s17+$0x0] =	vst.idx.msk $0xffff, v60  }
0x177: {  	v58 =	vld.idx.msk [tilespmem:v58+s14+$0x0], $0xffff  }
0x178: {  	v59 =	vand.u32 $0x78, v62;
	v56 =	vld.idx.msk [tilespmem:v56+s14+$0x0], $0xffff  }
0x179: {  	v60 =	vor.u32 v42, v59;
	v61 =	vld.idx.msk [tilespmem:v57+s14+$0x0], $0xffff  }
0x17a: {  	v5 =	vor.u32 v43, v59;
	v4 =	vld.idx.msk [tilespmem:v55+s14+$0x0], $0xffff  }
0x17b: {  	v62 =	vor.u32 s30, v20;
	v63 =	vor.u32 v44, v59  }
0x17c: {  	v59 =	vor.u32 v45, v59;
	v55 =	vshll.u32 v62, $0x6;
	v58 =	vadd.f32 v58, v51  }
0x17d: {  	v57 =	vor.u32 v0, v55;
	v56 =	vadd.f32 v56, v52  }
0x17e: {  	v61 =	vadd.f32 v61, v54;
	[tilespmem:v60+s17+$0x0] =	vst.idx.msk $0xffff, v58;
	v58 =	vor.u32 v16, v55  }
0x17f: {  	v60 =	vadd.f32 v4, v53;
	[tilespmem:v5+s17+$0x0] =	vst.idx.msk $0xffff, v56;
	v56 =	vor.u32 v17, v55  }
0x180: {  	v55 =	vor.u32 v18, v55;
	[tilespmem:v63+s17+$0x0] =	vst.idx.msk $0xffff, v61  }
0x181: {  	[tilespmem:v59+s17+$0x0] =	vst.idx.msk $0xffff, v60  }
0x182: {  	v57 =	vld.idx.msk [tilespmem:v57+s14+$0x0], $0xffff  }
0x183: {  	v59 =	vand.u32 $0x78, v62;
	v58 =	vld.idx.msk [tilespmem:v58+s14+$0x0], $0xffff  }
0x184: {  	v60 =	vor.u32 v46, v59;
	v5 =	vld.idx.msk [tilespmem:v56+s14+$0x0], $0xffff  }
0x185: {  	v61 =	vor.u32 v47, v59;
	v4 =	vld.idx.msk [tilespmem:v55+s14+$0x0], $0xffff  }
0x186: {  	v62 =	vor.u32 s30, v21;
	v63 =	vor.u32 v48, v59  }
0x187: {  	v59 =	vor.u32 v49, v59;
	v55 =	vshll.u32 v62, $0x6;
	v57 =	vadd.f32 v57, v51  }
0x188: {  	v56 =	vor.u32 v0, v55;
	v58 =	vadd.f32 v58, v52  }
0x189: {  	[tilespmem:v60+s17+$0x0] =	vst.idx.msk $0xffff, v57;
	v57 =	vadd.f32 v5, v54;
	v60 =	vor.u32 v16, v55  }
0x18a: {  	[tilespmem:v61+s17+$0x0] =	vst.idx.msk $0xffff, v58;
	v58 =	vadd.f32 v4, v53;
	v61 =	vor.u32 v17, v55  }
0x18b: {  	[tilespmem:v63+s17+$0x0] =	vst.idx.msk $0xffff, v57  }
0x18c: {  	v55 =	vor.u32 v18, v55;
	[tilespmem:v59+s17+$0x0] =	vst.idx.msk $0xffff, v58  }
0x18d: {  	v56 =	vld.idx.msk [tilespmem:v56+s14+$0x0], $0xffff  }
0x18e: {  	v57 =	vand.u32 $0x78, v62;
	v58 =	vld.idx.msk [tilespmem:v60+s14+$0x0], $0xffff  }
0x18f: {  	v60 =	vor.u32 v50, v57;
	v59 =	vld.idx.msk [tilespmem:v61+s14+$0x0], $0xffff  }
0x190: {  	v61 =	vor.u32 v3, v57  }
0x191: {  	v62 =	vor.u32 v1, v57;
	v63 =	vld.idx.msk [tilespmem:v55+s14+$0x0], $0xffff  }
0x192: {  	v55 =	vadd.f32 v56, v51  }
0x193: {  	s26 =	simm.s32 $0x10;
	v58 =	vadd.f32 v58, v52  }
0x194: {  	[tilespmem:v60+s17+$0x0] =	vst.idx.msk $0xffff, v55;
	v55 =	vor.u32 s26, v0;
	v59 =	vadd.f32 v59, v54  }
0x195: {  	v56 =	vor.u32 v2, v57;
	[tilespmem:v61+s17+$0x0] =	vst.idx.msk $0xffff, v58;
	v60 =	vshll.u32 v55, $0x6  }
0x196: {  	v55 =	vand.u32 $0x78, v55;
	v61 =	vadd.f32 v63, v53;
	v57 =	vor.u32 v0, v60;
	[tilespmem:v62+s17+$0x0] =	vst.idx.msk $0xffff, v59  }
0x197: {  	s28 =	simm.s32 $0x20;
	s25 =	sshll.u32 s23, $0xA;
	v58 =	vor.u32 v16, v60;
	v59 =	vor.u32 v17, v60;
	v60 =	vor.u32 v18, v60  }
.LBB2_3:
0x198: {  	_ =	sdelay $0x1  }
0x199: {  	v1 =	vld [tilespmem:$0x1FFD0];
	[tilespmem:v56+s17+$0x0] =	vst.idx.msk $0xffff, v61  }
0x19a: {  	v56 =	vld.idx.msk [tilespmem:v57+s14+$0x0], $0xffff  }
0x19b: {  	v57 =	vld.idx.msk [tilespmem:v58+s14+$0x0], $0xffff  }
0x19c: {  	v58 =	vld.idx.msk [tilespmem:v59+s14+$0x0], $0xffff  }
0x19d: {  	v59 =	vld.idx.msk [tilespmem:v60+s14+$0x0], $0xffff;
	v60 =	vor.u32 v22, v55  }
0x19e: {  	v61 =	vor.u32 v23, v55  }
0x19f: {  	v63 =	vor.u32 v24, v55;
	v62 =	vor.u32 s26, v1  }
0x1a0: {  	v55 =	vor.u32 v25, v55;
	v1 =	vshll.u32 v62, $0x6;
	v56 =	vadd.f32 v56, v51  }
0x1a1: {  	v57 =	vadd.f32 v57, v52;
	v2 =	vor.u32 v0, v1  }
0x1a2: {  	v58 =	vadd.f32 v58, v54;
	[tilespmem:v60+s17+$0x0] =	vst.idx.msk $0xffff, v56;
	v60 =	vor.u32 v16, v1  }
0x1a3: {  	v59 =	vadd.f32 v59, v53;
	[tilespmem:v61+s17+$0x0] =	vst.idx.msk $0xffff, v57;
	v61 =	vor.u32 v17, v1  }
0x1a4: {  	v1 =	vor.u32 v18, v1;
	[tilespmem:v63+s17+$0x0] =	vst.idx.msk $0xffff, v58  }
0x1a5: {  	v3 =	vld [tilespmem:$0x1FF90];
	[tilespmem:v55+s17+$0x0] =	vst.idx.msk $0xffff, v59  }
0x1a6: {  	v2 =	vld.idx.msk [tilespmem:v2+s14+$0x0], $0xffff  }
0x1a7: {  	v62 =	vand.u32 $0x78, v62;
	v55 =	vld.idx.msk [tilespmem:v60+s14+$0x0], $0xffff  }
0x1a8: {  	v57 =	vor.u32 v26, v62;
	v56 =	vld.idx.msk [tilespmem:v61+s14+$0x0], $0xffff  }
0x1a9: {  	v58 =	vor.u32 v27, v62;
	v1 =	vld.idx.msk [tilespmem:v1+s14+$0x0], $0xffff  }
0x1aa: {  	v59 =	vor.u32 s26, v3;
	v60 =	vor.u32 v28, v62  }
0x1ab: {  	v61 =	vor.u32 v29, v62;
	v62 =	vshll.u32 v59, $0x6;
	v2 =	vadd.f32 v2, v51  }
0x1ac: {  	v63 =	vor.u32 v0, v62;
	v55 =	vadd.f32 v55, v52  }
0x1ad: {  	v56 =	vadd.f32 v56, v54;
	[tilespmem:v57+s17+$0x0] =	vst.idx.msk $0xffff, v2;
	v2 =	vor.u32 v16, v62  }
0x1ae: {  	v1 =	vadd.f32 v1, v53;
	[tilespmem:v58+s17+$0x0] =	vst.idx.msk $0xffff, v55;
	v55 =	vor.u32 v17, v62  }
0x1af: {  	[tilespmem:v60+s17+$0x0] =	vst.idx.msk $0xffff, v56;
	v60 =	vor.u32 v18, v62  }
0x1b0: {  	v3 =	vld [tilespmem:$0x1FFA0];
	[tilespmem:v61+s17+$0x0] =	vst.idx.msk $0xffff, v1  }
0x1b1: {  	v1 =	vld.idx.msk [tilespmem:v63+s14+$0x0], $0xffff  }
0x1b2: {  	v59 =	vand.u32 $0x78, v59;
	v2 =	vld.idx.msk [tilespmem:v2+s14+$0x0], $0xffff  }
0x1b3: {  	v57 =	vor.u32 v30, v59;
	v55 =	vld.idx.msk [tilespmem:v55+s14+$0x0], $0xffff  }
0x1b4: {  	v58 =	vor.u32 v31, v59;
	v56 =	vld.idx.msk [tilespmem:v60+s14+$0x0], $0xffff  }
0x1b5: {  	v61 =	vor.u32 v32, v59;
	v60 =	vor.u32 s26, v3  }
0x1b6: {  	v59 =	vor.u32 v33, v59;
	v62 =	vshll.u32 v60, $0x6;
	v1 =	vadd.f32 v1, v51  }
0x1b7: {  	v63 =	vor.u32 v0, v62;
	v2 =	vadd.f32 v2, v52  }
0x1b8: {  	v55 =	vadd.f32 v55, v54;
	[tilespmem:v57+s17+$0x0] =	vst.idx.msk $0xffff, v1;
	v1 =	vor.u32 v16, v62  }
0x1b9: {  	v56 =	vadd.f32 v56, v53;
	[tilespmem:v58+s17+$0x0] =	vst.idx.msk $0xffff, v2;
	v2 =	vor.u32 v17, v62  }
0x1ba: {  	v62 =	vor.u32 v18, v62;
	[tilespmem:v61+s17+$0x0] =	vst.idx.msk $0xffff, v55  }
0x1bb: {  	[tilespmem:v59+s17+$0x0] =	vst.idx.msk $0xffff, v56  }
0x1bc: {  	v56 =	vld.idx.msk [tilespmem:v63+s14+$0x0], $0xffff  }
0x1bd: {  	v60 =	vand.u32 $0x78, v60;
	v1 =	vld.idx.msk [tilespmem:v1+s14+$0x0], $0xffff  }
0x1be: {  	v57 =	vor.u32 v34, v60;
	v2 =	vld.idx.msk [tilespmem:v2+s14+$0x0], $0xffff  }
0x1bf: {  	v58 =	vor.u32 v35, v60;
	v55 =	vld.idx.msk [tilespmem:v62+s14+$0x0], $0xffff  }
0x1c0: {  	v61 =	vor.u32 v36, v60;
	v59 =	vor.u32 s26, v7  }
0x1c1: {  	v60 =	vor.u32 v37, v60;
	v62 =	vshll.u32 v59, $0x6;
	v56 =	vadd.f32 v56, v51  }
0x1c2: {  	v63 =	vor.u32 v0, v62;
	v1 =	vadd.f32 v1, v52  }
0x1c3: {  	v2 =	vadd.f32 v2, v54;
	[tilespmem:v57+s17+$0x0] =	vst.idx.msk $0xffff, v56;
	v56 =	vor.u32 v16, v62  }
0x1c4: {  	v55 =	vadd.f32 v55, v53;
	[tilespmem:v58+s17+$0x0] =	vst.idx.msk $0xffff, v1;
	v1 =	vor.u32 v17, v62  }
0x1c5: {  	[tilespmem:v61+s17+$0x0] =	vst.idx.msk $0xffff, v2;
	v2 =	vor.u32 v18, v62  }
0x1c6: {  	[tilespmem:v60+s17+$0x0] =	vst.idx.msk $0xffff, v55  }
0x1c7: {  	v55 =	vld.idx.msk [tilespmem:v63+s14+$0x0], $0xffff  }
0x1c8: {  	v59 =	vand.u32 $0x78, v59;
	v56 =	vld.idx.msk [tilespmem:v56+s14+$0x0], $0xffff  }
0x1c9: {  	v57 =	vor.u32 v38, v59;
	v1 =	vld.idx.msk [tilespmem:v1+s14+$0x0], $0xffff  }
0x1ca: {  	v58 =	vor.u32 v39, v59;
	v2 =	vld.idx.msk [tilespmem:v2+s14+$0x0], $0xffff  }
0x1cb: {  	v61 =	vor.u32 v40, v59;
	v60 =	vor.u32 s26, v8  }
0x1cc: {  	v59 =	vor.u32 v41, v59;
	v62 =	vshll.u32 v60, $0x6;
	v55 =	vadd.f32 v55, v51  }
0x1cd: {  	v63 =	vor.u32 v0, v62;
	v56 =	vadd.f32 v56, v52  }
0x1ce: {  	v1 =	vadd.f32 v1, v54;
	[tilespmem:v57+s17+$0x0] =	vst.idx.msk $0xffff, v55;
	v55 =	vor.u32 v16, v62  }
0x1cf: {  	v2 =	vadd.f32 v2, v53;
	[tilespmem:v58+s17+$0x0] =	vst.idx.msk $0xffff, v56;
	v56 =	vor.u32 v17, v62  }
0x1d0: {  	[tilespmem:v61+s17+$0x0] =	vst.idx.msk $0xffff, v1;
	v1 =	vor.u32 v18, v62  }
0x1d1: {  	[tilespmem:v59+s17+$0x0] =	vst.idx.msk $0xffff, v2  }
0x1d2: {  	v2 =	vld.idx.msk [tilespmem:v63+s14+$0x0], $0xffff  }
0x1d3: {  	v60 =	vand.u32 $0x78, v60;
	v55 =	vld.idx.msk [tilespmem:v55+s14+$0x0], $0xffff  }
0x1d4: {  	v57 =	vor.u32 v42, v60;
	v56 =	vld.idx.msk [tilespmem:v56+s14+$0x0], $0xffff  }
0x1d5: {  	v58 =	vor.u32 v43, v60;
	v1 =	vld.idx.msk [tilespmem:v1+s14+$0x0], $0xffff  }
0x1d6: {  	v61 =	vor.u32 v44, v60;
	v59 =	vor.u32 s26, v10  }
0x1d7: {  	v60 =	vor.u32 v45, v60;
	v62 =	vshll.u32 v59, $0x6;
	v2 =	vadd.f32 v2, v51  }
0x1d8: {  	v63 =	vor.u32 v0, v62;
	v55 =	vadd.f32 v55, v52  }
0x1d9: {  	v56 =	vadd.f32 v56, v54;
	[tilespmem:v57+s17+$0x0] =	vst.idx.msk $0xffff, v2;
	v2 =	vor.u32 v16, v62  }
0x1da: {  	v1 =	vadd.f32 v1, v53;
	[tilespmem:v58+s17+$0x0] =	vst.idx.msk $0xffff, v55;
	v55 =	vor.u32 v17, v62  }
0x1db: {  	[tilespmem:v61+s17+$0x0] =	vst.idx.msk $0xffff, v56;
	v61 =	vor.u32 v18, v62  }
0x1dc: {  	[tilespmem:v60+s17+$0x0] =	vst.idx.msk $0xffff, v1  }
0x1dd: {  	v1 =	vld.idx.msk [tilespmem:v63+s14+$0x0], $0xffff  }
0x1de: {  	v59 =	vand.u32 $0x78, v59;
	v2 =	vld.idx.msk [tilespmem:v2+s14+$0x0], $0xffff  }
0x1df: {  	v57 =	vor.u32 v46, v59;
	v55 =	vld.idx.msk [tilespmem:v55+s14+$0x0], $0xffff  }
0x1e0: {  	v58 =	vor.u32 v47, v59;
	v56 =	vld.idx.msk [tilespmem:v61+s14+$0x0], $0xffff  }
0x1e1: {  	v60 =	vor.u32 s26, v11;
	v61 =	vor.u32 v48, v59  }
0x1e2: {  	v62 =	vshll.u32 v60, $0x6;
	v59 =	vor.u32 v49, v59;
	v1 =	vadd.f32 v1, v51  }
0x1e3: {  	v63 =	vor.u32 v0, v62;
	v2 =	vadd.f32 v2, v52  }
0x1e4: {  	v55 =	vadd.f32 v55, v54;
	[tilespmem:v57+s17+$0x0] =	vst.idx.msk $0xffff, v1;
	v1 =	vor.u32 v16, v62  }
0x1e5: {  	v5 =	vld [tilespmem:$0x1FFE0];
	v56 =	vadd.f32 v56, v53;
	[tilespmem:v58+s17+$0x0] =	vst.idx.msk $0xffff, v2;
	v2 =	vor.u32 v17, v62  }
0x1e6: {  	v4 =	vld [tilespmem:$0x1FFC0];
	v62 =	vor.u32 v18, v62;
	[tilespmem:v61+s17+$0x0] =	vst.idx.msk $0xffff, v55  }
0x1e7: {  	v3 =	vld [tilespmem:$0x1FFB0];
	[tilespmem:v59+s17+$0x0] =	vst.idx.msk $0xffff, v56  }
0x1e8: {  	v56 =	vld.idx.msk [tilespmem:v63+s14+$0x0], $0xffff  }
0x1e9: {  	v60 =	vand.u32 $0x78, v60;
	v1 =	vld.idx.msk [tilespmem:v1+s14+$0x0], $0xffff  }
0x1ea: {  	v57 =	vor.u32 v50, v60;
	v2 =	vld.idx.msk [tilespmem:v2+s14+$0x0], $0xffff  }
0x1eb: {  	v58 =	vor.u32 v5, v60;
	v55 =	vld.idx.msk [tilespmem:v62+s14+$0x0], $0xffff  }
0x1ec: {  	v61 =	vor.u32 v3, v60;
	v59 =	vor.u32 s26, v9  }
0x1ed: {  	v60 =	vor.u32 v4, v60;
	v62 =	vshll.u32 v59, $0x6;
	v56 =	vadd.f32 v56, v51  }
0x1ee: {  	v63 =	vor.u32 v0, v62;
	v1 =	vadd.f32 v1, v52  }
0x1ef: {  	v2 =	vadd.f32 v2, v54;
	[tilespmem:v57+s17+$0x0] =	vst.idx.msk $0xffff, v56;
	v56 =	vor.u32 v16, v62  }
0x1f0: {  	v55 =	vadd.f32 v55, v53;
	[tilespmem:v58+s17+$0x0] =	vst.idx.msk $0xffff, v1;
	v1 =	vor.u32 v17, v62  }
0x1f1: {  	[tilespmem:v61+s17+$0x0] =	vst.idx.msk $0xffff, v2;
	v2 =	vor.u32 v18, v62  }
0x1f2: {  	[tilespmem:v60+s17+$0x0] =	vst.idx.msk $0xffff, v55  }
0x1f3: {  	v55 =	vld.idx.msk [tilespmem:v63+s14+$0x0], $0xffff  }
0x1f4: {  	v59 =	vand.u32 $0x78, v59;
	v56 =	vld.idx.msk [tilespmem:v56+s14+$0x0], $0xffff  }
0x1f5: {  	v57 =	vor.u32 v22, v59;
	v1 =	vld.idx.msk [tilespmem:v1+s14+$0x0], $0xffff  }
0x1f6: {  	v58 =	vor.u32 v23, v59;
	v2 =	vld.idx.msk [tilespmem:v2+s14+$0x0], $0xffff  }
0x1f7: {  	v61 =	vor.u32 v24, v59;
	v60 =	vor.u32 s26, v12  }
0x1f8: {  	v59 =	vor.u32 v25, v59;
	v62 =	vshll.u32 v60, $0x6;
	v55 =	vadd.f32 v55, v51  }
0x1f9: {  	v63 =	vor.u32 v0, v62;
	v56 =	vadd.f32 v56, v52  }
0x1fa: {  	v1 =	vadd.f32 v1, v54;
	[tilespmem:v57+s17+$0x0] =	vst.idx.msk $0xffff, v55;
	v55 =	vor.u32 v16, v62  }
0x1fb: {  	v2 =	vadd.f32 v2, v53;
	[tilespmem:v58+s17+$0x0] =	vst.idx.msk $0xffff, v56;
	v56 =	vor.u32 v17, v62  }
0x1fc: {  	[tilespmem:v61+s17+$0x0] =	vst.idx.msk $0xffff, v1;
	v1 =	vor.u32 v18, v62  }
0x1fd: {  	[tilespmem:v59+s17+$0x0] =	vst.idx.msk $0xffff, v2  }
0x1fe: {  	v2 =	vld.idx.msk [tilespmem:v63+s14+$0x0], $0xffff  }
0x1ff: {  	v60 =	vand.u32 $0x78, v60;
	v55 =	vld.idx.msk [tilespmem:v55+s14+$0x0], $0xffff  }
0x200: {  	v57 =	vor.u32 v26, v60;
	v56 =	vld.idx.msk [tilespmem:v56+s14+$0x0], $0xffff  }
0x201: {  	v58 =	vor.u32 v27, v60;
	v1 =	vld.idx.msk [tilespmem:v1+s14+$0x0], $0xffff  }
0x202: {  	v61 =	vor.u32 v28, v60;
	v59 =	vor.u32 s26, v13  }
0x203: {  	v60 =	vor.u32 v29, v60;
	v62 =	vshll.u32 v59, $0x6;
	v2 =	vadd.f32 v2, v51  }
0x204: {  	v63 =	vor.u32 v0, v62;
	v55 =	vadd.f32 v55, v52  }
0x205: {  	v56 =	vadd.f32 v56, v54;
	[tilespmem:v57+s17+$0x0] =	vst.idx.msk $0xffff, v2;
	v2 =	vor.u32 v16, v62  }
0x206: {  	v1 =	vadd.f32 v1, v53;
	[tilespmem:v58+s17+$0x0] =	vst.idx.msk $0xffff, v55;
	v55 =	vor.u32 v17, v62  }
0x207: {  	[tilespmem:v61+s17+$0x0] =	vst.idx.msk $0xffff, v56;
	v61 =	vor.u32 v18, v62  }
0x208: {  	[tilespmem:v60+s17+$0x0] =	vst.idx.msk $0xffff, v1  }
0x209: {  	v1 =	vld.idx.msk [tilespmem:v63+s14+$0x0], $0xffff  }
0x20a: {  	v59 =	vand.u32 $0x78, v59;
	v2 =	vld.idx.msk [tilespmem:v2+s14+$0x0], $0xffff  }
0x20b: {  	v57 =	vor.u32 v30, v59;
	v55 =	vld.idx.msk [tilespmem:v55+s14+$0x0], $0xffff  }
0x20c: {  	v58 =	vor.u32 v31, v59;
	v56 =	vld.idx.msk [tilespmem:v61+s14+$0x0], $0xffff  }
0x20d: {  	v60 =	vor.u32 s26, v14;
	v61 =	vor.u32 v32, v59  }
0x20e: {  	v62 =	vshll.u32 v60, $0x6;
	v59 =	vor.u32 v33, v59;
	v1 =	vadd.f32 v1, v51  }
0x20f: {  	v63 =	vor.u32 v0, v62;
	v2 =	vadd.f32 v2, v52  }
0x210: {  	v55 =	vadd.f32 v55, v54;
	[tilespmem:v57+s17+$0x0] =	vst.idx.msk $0xffff, v1;
	v1 =	vor.u32 v16, v62  }
0x211: {  	v56 =	vadd.f32 v56, v53;
	[tilespmem:v58+s17+$0x0] =	vst.idx.msk $0xffff, v2;
	v2 =	vor.u32 v17, v62  }
0x212: {  	v62 =	vor.u32 v18, v62;
	[tilespmem:v61+s17+$0x0] =	vst.idx.msk $0xffff, v55  }
0x213: {  	[tilespmem:v59+s17+$0x0] =	vst.idx.msk $0xffff, v56  }
0x214: {  	v56 =	vld.idx.msk [tilespmem:v63+s14+$0x0], $0xffff  }
0x215: {  	v60 =	vand.u32 $0x78, v60;
	v1 =	vld.idx.msk [tilespmem:v1+s14+$0x0], $0xffff  }
0x216: {  	v57 =	vor.u32 v34, v60;
	v2 =	vld.idx.msk [tilespmem:v2+s14+$0x0], $0xffff  }
0x217: {  	v58 =	vor.u32 v35, v60;
	v55 =	vld.idx.msk [tilespmem:v62+s14+$0x0], $0xffff  }
0x218: {  	v61 =	vor.u32 v36, v60;
	v59 =	vor.u32 s26, v15  }
0x219: {  	v60 =	vor.u32 v37, v60;
	v62 =	vshll.u32 v59, $0x6;
	v56 =	vadd.f32 v56, v51  }
0x21a: {  	v63 =	vor.u32 v0, v62;
	v1 =	vadd.f32 v1, v52  }
0x21b: {  	v2 =	vadd.f32 v2, v54;
	[tilespmem:v57+s17+$0x0] =	vst.idx.msk $0xffff, v56;
	v56 =	vor.u32 v16, v62  }
0x21c: {  	v55 =	vadd.f32 v55, v53;
	[tilespmem:v58+s17+$0x0] =	vst.idx.msk $0xffff, v1;
	v1 =	vor.u32 v17, v62  }
0x21d: {  	[tilespmem:v61+s17+$0x0] =	vst.idx.msk $0xffff, v2;
	v2 =	vor.u32 v18, v62  }
0x21e: {  	[tilespmem:v60+s17+$0x0] =	vst.idx.msk $0xffff, v55  }
0x21f: {  	v55 =	vld.idx.msk [tilespmem:v63+s14+$0x0], $0xffff  }
0x220: {  	v59 =	vand.u32 $0x78, v59;
	v56 =	vld.idx.msk [tilespmem:v56+s14+$0x0], $0xffff  }
0x221: {  	v57 =	vor.u32 v38, v59;
	v1 =	vld.idx.msk [tilespmem:v1+s14+$0x0], $0xffff  }
0x222: {  	v58 =	vor.u32 v39, v59;
	v2 =	vld.idx.msk [tilespmem:v2+s14+$0x0], $0xffff  }
0x223: {  	v61 =	vor.u32 v40, v59;
	v60 =	vor.u32 s26, v19  }
0x224: {  	v59 =	vor.u32 v41, v59;
	v62 =	vshll.u32 v60, $0x6;
	v55 =	vadd.f32 v55, v51  }
0x225: {  	v63 =	vor.u32 v0, v62;
	v56 =	vadd.f32 v56, v52  }
0x226: {  	v1 =	vadd.f32 v1, v54;
	[tilespmem:v57+s17+$0x0] =	vst.idx.msk $0xffff, v55;
	v55 =	vor.u32 v16, v62  }
0x227: {  	v2 =	vadd.f32 v2, v53;
	[tilespmem:v58+s17+$0x0] =	vst.idx.msk $0xffff, v56;
	v56 =	vor.u32 v17, v62  }
0x228: {  	[tilespmem:v61+s17+$0x0] =	vst.idx.msk $0xffff, v1;
	v1 =	vor.u32 v18, v62  }
0x229: {  	[tilespmem:v59+s17+$0x0] =	vst.idx.msk $0xffff, v2  }
0x22a: {  	v2 =	vld.idx.msk [tilespmem:v63+s14+$0x0], $0xffff  }
0x22b: {  	v60 =	vand.u32 $0x78, v60;
	v55 =	vld.idx.msk [tilespmem:v55+s14+$0x0], $0xffff  }
0x22c: {  	v57 =	vor.u32 v42, v60;
	v56 =	vld.idx.msk [tilespmem:v56+s14+$0x0], $0xffff  }
0x22d: {  	v58 =	vor.u32 v43, v60;
	v1 =	vld.idx.msk [tilespmem:v1+s14+$0x0], $0xffff  }
0x22e: {  	v61 =	vor.u32 v44, v60;
	v59 =	vor.u32 s26, v20  }
0x22f: {  	v60 =	vor.u32 v45, v60;
	v62 =	vshll.u32 v59, $0x6;
	v2 =	vadd.f32 v2, v51  }
0x230: {  	v63 =	vor.u32 v0, v62;
	v55 =	vadd.f32 v55, v52  }
0x231: {  	v56 =	vadd.f32 v56, v54;
	[tilespmem:v57+s17+$0x0] =	vst.idx.msk $0xffff, v2;
	v2 =	vor.u32 v16, v62  }
0x232: {  	v1 =	vadd.f32 v1, v53;
	[tilespmem:v58+s17+$0x0] =	vst.idx.msk $0xffff, v55;
	v55 =	vor.u32 v17, v62  }
0x233: {  	[tilespmem:v61+s17+$0x0] =	vst.idx.msk $0xffff, v56;
	v61 =	vor.u32 v18, v62  }
0x234: {  	[tilespmem:v60+s17+$0x0] =	vst.idx.msk $0xffff, v1  }
0x235: {  	v1 =	vld.idx.msk [tilespmem:v63+s14+$0x0], $0xffff  }
0x236: {  	v59 =	vand.u32 $0x78, v59;
	v2 =	vld.idx.msk [tilespmem:v2+s14+$0x0], $0xffff  }
0x237: {  	v57 =	vor.u32 v46, v59;
	v55 =	vld.idx.msk [tilespmem:v55+s14+$0x0], $0xffff  }
0x238: {  	v58 =	vor.u32 v47, v59;
	v56 =	vld.idx.msk [tilespmem:v61+s14+$0x0], $0xffff  }
0x239: {  	v60 =	vor.u32 s26, v21;
	v61 =	vor.u32 v48, v59  }
0x23a: {  	v62 =	vshll.u32 v60, $0x6;
	v59 =	vor.u32 v49, v59;
	v1 =	vadd.f32 v1, v51  }
0x23b: {  	v63 =	vor.u32 v0, v62;
	v2 =	vadd.f32 v2, v52  }
0x23c: {  	v55 =	vadd.f32 v55, v54;
	[tilespmem:v57+s17+$0x0] =	vst.idx.msk $0xffff, v1;
	v1 =	vor.u32 v16, v62  }
0x23d: {  	v56 =	vadd.f32 v56, v53;
	[tilespmem:v58+s17+$0x0] =	vst.idx.msk $0xffff, v2;
	v2 =	vor.u32 v17, v62  }
0x23e: {  	v62 =	vor.u32 v18, v62;
	[tilespmem:v61+s17+$0x0] =	vst.idx.msk $0xffff, v55  }
0x23f: {  	[tilespmem:v59+s17+$0x0] =	vst.idx.msk $0xffff, v56  }
0x240: {  	v57 =	vld.idx.msk [tilespmem:v63+s14+$0x0], $0xffff  }
0x241: {  	v1 =	vld.idx.msk [tilespmem:v1+s14+$0x0], $0xffff  }
0x242: {  	v60 =	vand.u32 $0x78, v60;
	v2 =	vld.idx.msk [tilespmem:v2+s14+$0x0], $0xffff  }
0x243: {  	v61 =	vld.idx.msk [tilespmem:v62+s14+$0x0], $0xffff;
	v62 =	vor.u32 v50, v60  }
0x244: {  	s29 =	smov.u32 s28;
	v63 =	vor.u32 v5, v60  }
0x245: {  	p0 =	sne.s32 s28, $0x70;
	s26 =	smov.u32 s29;
	v3 =	vor.u32 v3, v60  }
.Ltmp0:
0x246: {  	v55 =	vor.u32 s26, v0;
	v56 =	vor.u32 v4, v60;
	v4 =	vadd.f32 v57, v51;
	(pc) =	sbr.rel @p0 .LBB2_3-.Ltmp0, $4  }
0x247: {  	v60 =	vshll.u32 v55, $0x6;
	v1 =	vadd.f32 v1, v52  }
0x248: {  	v58 =	vor.u32 v16, v60;
	v2 =	vadd.f32 v2, v54;
	[tilespmem:v62+s17+$0x0] =	vst.idx.msk $0xffff, v4  }
0x249: {  	v59 =	vor.u32 v17, v60;
	v57 =	vor.u32 v0, v60;
	[tilespmem:v63+s17+$0x0] =	vst.idx.msk $0xffff, v1  }
0x24a: {  	s28 =	sadd.s32 $0x10, s28;
	v55 =	vand.u32 $0x78, v55;
	v60 =	vor.u32 v18, v60;
	v61 =	vadd.f32 v61, v53;
	[tilespmem:v3+s17+$0x0] =	vst.idx.msk $0xffff, v2  }
0x24b: {  	_ =	sdelay $0x3  }
0x24c: {  	v6 =	vld [tilespmem:$0x1FFD0];
	[tilespmem:v56+s17+$0x0] =	vst.idx.msk $0xffff, v61  }
0x24d: {  	v1 =	vld.idx.msk [tilespmem:v57+s14+$0x0], $0xffff  }
0x24e: {  	v2 =	vld.idx.msk [tilespmem:v58+s14+$0x0], $0xffff  }
0x24f: {  	v4 =	vor.u32 v22, v55;
	v3 =	vld.idx.msk [tilespmem:v59+s14+$0x0], $0xffff  }
0x250: {  	v56 =	vld.idx.msk [tilespmem:v60+s14+$0x0], $0xffff;
	v57 =	vor.u32 v23, v55  }
0x251: {  	v59 =	vor.u32 v24, v55;
	v58 =	vor.u32 s26, v6  }
0x252: {  	v55 =	vor.u32 v25, v55;
	v60 =	vshll.u32 v58, $0x6;
	v1 =	vadd.f32 v1, v51  }
0x253: {  	v2 =	vadd.f32 v2, v52;
	v61 =	vor.u32 v0, v60  }
0x254: {  	v3 =	vadd.f32 v3, v54;
	[tilespmem:v4+s17+$0x0] =	vst.idx.msk $0xffff, v1;
	v1 =	vor.u32 v16, v60  }
0x255: {  	v4 =	vadd.f32 v56, v53;
	[tilespmem:v57+s17+$0x0] =	vst.idx.msk $0xffff, v2;
	v2 =	vor.u32 v17, v60  }
0x256: {  	[tilespmem:v59+s17+$0x0] =	vst.idx.msk $0xffff, v3;
	v3 =	vor.u32 v18, v60  }
0x257: {  	v5 =	vld [tilespmem:$0x1FF90];
	[tilespmem:v55+s17+$0x0] =	vst.idx.msk $0xffff, v4  }
0x258: {  	v4 =	vld.idx.msk [tilespmem:v61+s14+$0x0], $0xffff  }
0x259: {  	v63 =	vand.u32 $0x78, v58;
	v1 =	vld.idx.msk [tilespmem:v1+s14+$0x0], $0xffff  }
0x25a: {  	v56 =	vor.u32 v26, v63;
	v2 =	vld.idx.msk [tilespmem:v2+s14+$0x0], $0xffff  }
0x25b: {  	v57 =	vor.u32 v27, v63;
	v3 =	vld.idx.msk [tilespmem:v3+s14+$0x0], $0xffff  }
0x25c: {  	v58 =	vor.u32 s26, v5;
	v59 =	vor.u32 v28, v63  }
0x25d: {  	v60 =	vshll.u32 v58, $0x6;
	v55 =	vor.u32 v29, v63;
	v4 =	vadd.f32 v4, v51  }
0x25e: {  	v61 =	vor.u32 v0, v60;
	v1 =	vadd.f32 v1, v52  }
0x25f: {  	v2 =	vadd.f32 v2, v54;
	[tilespmem:v56+s17+$0x0] =	vst.idx.msk $0xffff, v4;
	v4 =	vor.u32 v16, v60  }
0x260: {  	v3 =	vadd.f32 v3, v53;
	[tilespmem:v57+s17+$0x0] =	vst.idx.msk $0xffff, v1;
	v1 =	vor.u32 v17, v60  }
0x261: {  	[tilespmem:v59+s17+$0x0] =	vst.idx.msk $0xffff, v2;
	v2 =	vor.u32 v18, v60  }
0x262: {  	v5 =	vld [tilespmem:$0x1FFA0];
	[tilespmem:v55+s17+$0x0] =	vst.idx.msk $0xffff, v3  }
0x263: {  	v3 =	vld.idx.msk [tilespmem:v61+s14+$0x0], $0xffff  }
0x264: {  	v60 =	vand.u32 $0x78, v58;
	v4 =	vld.idx.msk [tilespmem:v4+s14+$0x0], $0xffff  }
0x265: {  	v56 =	vor.u32 v30, v60;
	v1 =	vld.idx.msk [tilespmem:v1+s14+$0x0], $0xffff  }
0x266: {  	v57 =	vor.u32 v31, v60;
	v2 =	vld.idx.msk [tilespmem:v2+s14+$0x0], $0xffff  }
0x267: {  	v58 =	vor.u32 s26, v5;
	v59 =	vor.u32 v32, v60  }
0x268: {  	v55 =	vor.u32 v33, v60;
	v60 =	vshll.u32 v58, $0x6;
	v3 =	vadd.f32 v3, v51  }
0x269: {  	v61 =	vor.u32 v0, v60;
	v4 =	vadd.f32 v4, v52  }
0x26a: {  	v1 =	vadd.f32 v1, v54;
	[tilespmem:v56+s17+$0x0] =	vst.idx.msk $0xffff, v3;
	v3 =	vor.u32 v16, v60  }
0x26b: {  	v2 =	vadd.f32 v2, v53;
	[tilespmem:v57+s17+$0x0] =	vst.idx.msk $0xffff, v4;
	v4 =	vor.u32 v17, v60  }
0x26c: {  	[tilespmem:v59+s17+$0x0] =	vst.idx.msk $0xffff, v1;
	v1 =	vor.u32 v18, v60  }
0x26d: {  	[tilespmem:v55+s17+$0x0] =	vst.idx.msk $0xffff, v2  }
0x26e: {  	v2 =	vld.idx.msk [tilespmem:v61+s14+$0x0], $0xffff  }
0x26f: {  	v61 =	vand.u32 $0x78, v58;
	v3 =	vld.idx.msk [tilespmem:v3+s14+$0x0], $0xffff  }
0x270: {  	v56 =	vor.u32 v34, v61;
	v4 =	vld.idx.msk [tilespmem:v4+s14+$0x0], $0xffff  }
0x271: {  	v57 =	vor.u32 v35, v61;
	v1 =	vld.idx.msk [tilespmem:v1+s14+$0x0], $0xffff  }
0x272: {  	v58 =	vor.u32 s26, v7;
	v59 =	vor.u32 v36, v61  }
0x273: {  	v55 =	vor.u32 v37, v61;
	v60 =	vshll.u32 v58, $0x6;
	v2 =	vadd.f32 v2, v51  }
0x274: {  	v61 =	vor.u32 v0, v60;
	v3 =	vadd.f32 v3, v52  }
0x275: {  	v4 =	vadd.f32 v4, v54;
	[tilespmem:v56+s17+$0x0] =	vst.idx.msk $0xffff, v2;
	v2 =	vor.u32 v16, v60  }
0x276: {  	v1 =	vadd.f32 v1, v53;
	[tilespmem:v57+s17+$0x0] =	vst.idx.msk $0xffff, v3;
	v3 =	vor.u32 v17, v60  }
0x277: {  	[tilespmem:v59+s17+$0x0] =	vst.idx.msk $0xffff, v4;
	v4 =	vor.u32 v18, v60  }
0x278: {  	[tilespmem:v55+s17+$0x0] =	vst.idx.msk $0xffff, v1  }
0x279: {  	v1 =	vld.idx.msk [tilespmem:v61+s14+$0x0], $0xffff  }
0x27a: {  	v62 =	vand.u32 $0x78, v58;
	v2 =	vld.idx.msk [tilespmem:v2+s14+$0x0], $0xffff  }
0x27b: {  	v56 =	vor.u32 v38, v62;
	v3 =	vld.idx.msk [tilespmem:v3+s14+$0x0], $0xffff  }
0x27c: {  	v57 =	vor.u32 v39, v62;
	v4 =	vld.idx.msk [tilespmem:v4+s14+$0x0], $0xffff  }
0x27d: {  	v58 =	vor.u32 s26, v8;
	v59 =	vor.u32 v40, v62  }
0x27e: {  	v60 =	vshll.u32 v58, $0x6;
	v55 =	vor.u32 v41, v62;
	v1 =	vadd.f32 v1, v51  }
0x27f: {  	v61 =	vor.u32 v0, v60;
	v2 =	vadd.f32 v2, v52  }
0x280: {  	v3 =	vadd.f32 v3, v54;
	[tilespmem:v56+s17+$0x0] =	vst.idx.msk $0xffff, v1;
	v1 =	vor.u32 v16, v60  }
0x281: {  	v4 =	vadd.f32 v4, v53;
	[tilespmem:v57+s17+$0x0] =	vst.idx.msk $0xffff, v2;
	v2 =	vor.u32 v17, v60  }
0x282: {  	[tilespmem:v59+s17+$0x0] =	vst.idx.msk $0xffff, v3;
	v3 =	vor.u32 v18, v60  }
0x283: {  	[tilespmem:v55+s17+$0x0] =	vst.idx.msk $0xffff, v4  }
0x284: {  	v4 =	vld.idx.msk [tilespmem:v61+s14+$0x0], $0xffff  }
0x285: {  	v63 =	vand.u32 $0x78, v58;
	v1 =	vld.idx.msk [tilespmem:v1+s14+$0x0], $0xffff  }
0x286: {  	v56 =	vor.u32 v42, v63;
	v2 =	vld.idx.msk [tilespmem:v2+s14+$0x0], $0xffff  }
0x287: {  	v57 =	vor.u32 v43, v63;
	v3 =	vld.idx.msk [tilespmem:v3+s14+$0x0], $0xffff  }
0x288: {  	v58 =	vor.u32 s26, v10;
	v59 =	vor.u32 v44, v63  }
0x289: {  	v60 =	vshll.u32 v58, $0x6;
	v55 =	vor.u32 v45, v63;
	v4 =	vadd.f32 v4, v51  }
0x28a: {  	v61 =	vor.u32 v0, v60;
	v1 =	vadd.f32 v1, v52  }
0x28b: {  	v2 =	vadd.f32 v2, v54;
	[tilespmem:v56+s17+$0x0] =	vst.idx.msk $0xffff, v4;
	v4 =	vor.u32 v16, v60  }
0x28c: {  	v3 =	vadd.f32 v3, v53;
	[tilespmem:v57+s17+$0x0] =	vst.idx.msk $0xffff, v1;
	v1 =	vor.u32 v17, v60  }
0x28d: {  	[tilespmem:v59+s17+$0x0] =	vst.idx.msk $0xffff, v2;
	v2 =	vor.u32 v18, v60  }
0x28e: {  	[tilespmem:v55+s17+$0x0] =	vst.idx.msk $0xffff, v3  }
0x28f: {  	v3 =	vld.idx.msk [tilespmem:v61+s14+$0x0], $0xffff  }
0x290: {  	v60 =	vand.u32 $0x78, v58;
	v4 =	vld.idx.msk [tilespmem:v4+s14+$0x0], $0xffff  }
0x291: {  	v56 =	vor.u32 v46, v60;
	v1 =	vld.idx.msk [tilespmem:v1+s14+$0x0], $0xffff  }
0x292: {  	v57 =	vor.u32 v47, v60;
	v2 =	vld.idx.msk [tilespmem:v2+s14+$0x0], $0xffff  }
0x293: {  	v58 =	vor.u32 s26, v11;
	v59 =	vor.u32 v48, v60  }
0x294: {  	v55 =	vor.u32 v49, v60;
	v60 =	vshll.u32 v58, $0x6;
	v3 =	vadd.f32 v3, v51  }
0x295: {  	v61 =	vor.u32 v0, v60;
	v4 =	vadd.f32 v4, v52  }
0x296: {  	v1 =	vadd.f32 v1, v54;
	[tilespmem:v56+s17+$0x0] =	vst.idx.msk $0xffff, v3;
	v3 =	vor.u32 v16, v60  }
0x297: {  	v5 =	vld [tilespmem:$0x1FFC0];
	v2 =	vadd.f32 v2, v53;
	[tilespmem:v57+s17+$0x0] =	vst.idx.msk $0xffff, v4;
	v4 =	vor.u32 v17, v60  }
0x298: {  	v63 =	vld [tilespmem:$0x1FFE0];
	[tilespmem:v59+s17+$0x0] =	vst.idx.msk $0xffff, v1;
	v1 =	vor.u32 v18, v60  }
0x299: {  	v62 =	vld [tilespmem:$0x1FFB0];
	[tilespmem:v55+s17+$0x0] =	vst.idx.msk $0xffff, v2  }
0x29a: {  	v2 =	vld.idx.msk [tilespmem:v61+s14+$0x0], $0xffff  }
0x29b: {  	v55 =	vand.u32 $0x78, v58;
	v3 =	vld.idx.msk [tilespmem:v3+s14+$0x0], $0xffff  }
0x29c: {  	v56 =	vor.u32 v50, v55;
	v4 =	vld.idx.msk [tilespmem:v4+s14+$0x0], $0xffff  }
0x29d: {  	v57 =	vor.u32 v63, v55;
	v1 =	vld.idx.msk [tilespmem:v1+s14+$0x0], $0xffff  }
0x29e: {  	v58 =	vor.u32 s26, v9;
	v59 =	vor.u32 v62, v55  }
0x29f: {  	v55 =	vor.u32 v5, v55;
	v60 =	vshll.u32 v58, $0x6;
	v2 =	vadd.f32 v2, v51  }
0x2a0: {  	v61 =	vor.u32 v0, v60;
	v3 =	vadd.f32 v3, v52  }
0x2a1: {  	v4 =	vadd.f32 v4, v54;
	[tilespmem:v56+s17+$0x0] =	vst.idx.msk $0xffff, v2;
	v2 =	vor.u32 v16, v60  }
0x2a2: {  	v1 =	vadd.f32 v1, v53;
	[tilespmem:v57+s17+$0x0] =	vst.idx.msk $0xffff, v3;
	v3 =	vor.u32 v17, v60  }
0x2a3: {  	[tilespmem:v59+s17+$0x0] =	vst.idx.msk $0xffff, v4;
	v4 =	vor.u32 v18, v60  }
0x2a4: {  	[tilespmem:v55+s17+$0x0] =	vst.idx.msk $0xffff, v1  }
0x2a5: {  	v1 =	vld.idx.msk [tilespmem:v61+s14+$0x0], $0xffff  }
0x2a6: {  	v61 =	vand.u32 $0x78, v58;
	v2 =	vld.idx.msk [tilespmem:v2+s14+$0x0], $0xffff  }
0x2a7: {  	v56 =	vor.u32 v22, v61;
	v3 =	vld.idx.msk [tilespmem:v3+s14+$0x0], $0xffff  }
0x2a8: {  	v57 =	vor.u32 v23, v61;
	v4 =	vld.idx.msk [tilespmem:v4+s14+$0x0], $0xffff  }
0x2a9: {  	v58 =	vor.u32 s26, v12;
	v59 =	vor.u32 v24, v61  }
0x2aa: {  	v55 =	vor.u32 v25, v61;
	v60 =	vshll.u32 v58, $0x6;
	v1 =	vadd.f32 v1, v51  }
0x2ab: {  	v61 =	vor.u32 v0, v60;
	v2 =	vadd.f32 v2, v52  }
0x2ac: {  	v3 =	vadd.f32 v3, v54;
	[tilespmem:v56+s17+$0x0] =	vst.idx.msk $0xffff, v1;
	v1 =	vor.u32 v16, v60  }
0x2ad: {  	v4 =	vadd.f32 v4, v53;
	[tilespmem:v57+s17+$0x0] =	vst.idx.msk $0xffff, v2;
	v2 =	vor.u32 v17, v60  }
0x2ae: {  	[tilespmem:v59+s17+$0x0] =	vst.idx.msk $0xffff, v3;
	v3 =	vor.u32 v18, v60  }
0x2af: {  	[tilespmem:v55+s17+$0x0] =	vst.idx.msk $0xffff, v4  }
0x2b0: {  	v4 =	vld.idx.msk [tilespmem:v61+s14+$0x0], $0xffff  }
0x2b1: {  	v60 =	vand.u32 $0x78, v58;
	v1 =	vld.idx.msk [tilespmem:v1+s14+$0x0], $0xffff  }
0x2b2: {  	v56 =	vor.u32 v26, v60;
	v2 =	vld.idx.msk [tilespmem:v2+s14+$0x0], $0xffff  }
0x2b3: {  	v57 =	vor.u32 v27, v60;
	v3 =	vld.idx.msk [tilespmem:v3+s14+$0x0], $0xffff  }
0x2b4: {  	v58 =	vor.u32 s26, v13;
	v59 =	vor.u32 v28, v60  }
0x2b5: {  	v55 =	vor.u32 v29, v60;
	v60 =	vshll.u32 v58, $0x6;
	v4 =	vadd.f32 v4, v51  }
0x2b6: {  	v61 =	vor.u32 v0, v60;
	v1 =	vadd.f32 v1, v52  }
0x2b7: {  	v2 =	vadd.f32 v2, v54;
	[tilespmem:v56+s17+$0x0] =	vst.idx.msk $0xffff, v4;
	v4 =	vor.u32 v16, v60  }
0x2b8: {  	v3 =	vadd.f32 v3, v53;
	[tilespmem:v57+s17+$0x0] =	vst.idx.msk $0xffff, v1;
	v1 =	vor.u32 v17, v60  }
0x2b9: {  	[tilespmem:v59+s17+$0x0] =	vst.idx.msk $0xffff, v2;
	v2 =	vor.u32 v18, v60  }
0x2ba: {  	[tilespmem:v55+s17+$0x0] =	vst.idx.msk $0xffff, v3  }
0x2bb: {  	v3 =	vld.idx.msk [tilespmem:v61+s14+$0x0], $0xffff  }
0x2bc: {  	v61 =	vand.u32 $0x78, v58;
	v4 =	vld.idx.msk [tilespmem:v4+s14+$0x0], $0xffff  }
0x2bd: {  	v56 =	vor.u32 v30, v61;
	v1 =	vld.idx.msk [tilespmem:v1+s14+$0x0], $0xffff  }
0x2be: {  	v57 =	vor.u32 v31, v61;
	v2 =	vld.idx.msk [tilespmem:v2+s14+$0x0], $0xffff  }
0x2bf: {  	v58 =	vor.u32 s26, v14;
	v59 =	vor.u32 v32, v61  }
0x2c0: {  	v55 =	vor.u32 v33, v61;
	v60 =	vshll.u32 v58, $0x6;
	v3 =	vadd.f32 v3, v51  }
0x2c1: {  	v61 =	vor.u32 v0, v60;
	v4 =	vadd.f32 v4, v52  }
0x2c2: {  	v1 =	vadd.f32 v1, v54;
	[tilespmem:v56+s17+$0x0] =	vst.idx.msk $0xffff, v3;
	v3 =	vor.u32 v16, v60  }
0x2c3: {  	v2 =	vadd.f32 v2, v53;
	[tilespmem:v57+s17+$0x0] =	vst.idx.msk $0xffff, v4;
	v4 =	vor.u32 v17, v60  }
0x2c4: {  	[tilespmem:v59+s17+$0x0] =	vst.idx.msk $0xffff, v1;
	v1 =	vor.u32 v18, v60  }
0x2c5: {  	[tilespmem:v55+s17+$0x0] =	vst.idx.msk $0xffff, v2  }
0x2c6: {  	v2 =	vld.idx.msk [tilespmem:v61+s14+$0x0], $0xffff  }
0x2c7: {  	v60 =	vand.u32 $0x78, v58;
	v3 =	vld.idx.msk [tilespmem:v3+s14+$0x0], $0xffff  }
0x2c8: {  	v56 =	vor.u32 v34, v60;
	v4 =	vld.idx.msk [tilespmem:v4+s14+$0x0], $0xffff  }
0x2c9: {  	v57 =	vor.u32 v35, v60;
	v1 =	vld.idx.msk [tilespmem:v1+s14+$0x0], $0xffff  }
0x2ca: {  	v58 =	vor.u32 s26, v15;
	v59 =	vor.u32 v36, v60  }
0x2cb: {  	v55 =	vor.u32 v37, v60;
	v60 =	vshll.u32 v58, $0x6;
	v2 =	vadd.f32 v2, v51  }
0x2cc: {  	v61 =	vor.u32 v0, v60;
	v3 =	vadd.f32 v3, v52  }
0x2cd: {  	v4 =	vadd.f32 v4, v54;
	[tilespmem:v56+s17+$0x0] =	vst.idx.msk $0xffff, v2;
	v2 =	vor.u32 v16, v60  }
0x2ce: {  	v1 =	vadd.f32 v1, v53;
	[tilespmem:v57+s17+$0x0] =	vst.idx.msk $0xffff, v3;
	v3 =	vor.u32 v17, v60  }
0x2cf: {  	[tilespmem:v59+s17+$0x0] =	vst.idx.msk $0xffff, v4;
	v4 =	vor.u32 v18, v60  }
0x2d0: {  	[tilespmem:v55+s17+$0x0] =	vst.idx.msk $0xffff, v1  }
0x2d1: {  	v1 =	vld.idx.msk [tilespmem:v61+s14+$0x0], $0xffff  }
0x2d2: {  	v61 =	vand.u32 $0x78, v58;
	v2 =	vld.idx.msk [tilespmem:v2+s14+$0x0], $0xffff  }
0x2d3: {  	v56 =	vor.u32 v38, v61;
	v3 =	vld.idx.msk [tilespmem:v3+s14+$0x0], $0xffff  }
0x2d4: {  	v57 =	vor.u32 v39, v61;
	v4 =	vld.idx.msk [tilespmem:v4+s14+$0x0], $0xffff  }
0x2d5: {  	v58 =	vor.u32 s26, v19;
	v59 =	vor.u32 v40, v61  }
0x2d6: {  	v55 =	vor.u32 v41, v61;
	v60 =	vshll.u32 v58, $0x6;
	v1 =	vadd.f32 v1, v51  }
0x2d7: {  	v61 =	vor.u32 v0, v60;
	v2 =	vadd.f32 v2, v52  }
0x2d8: {  	v3 =	vadd.f32 v3, v54;
	[tilespmem:v56+s17+$0x0] =	vst.idx.msk $0xffff, v1;
	v1 =	vor.u32 v16, v60  }
0x2d9: {  	v4 =	vadd.f32 v4, v53;
	[tilespmem:v57+s17+$0x0] =	vst.idx.msk $0xffff, v2;
	v2 =	vor.u32 v17, v60  }
0x2da: {  	[tilespmem:v59+s17+$0x0] =	vst.idx.msk $0xffff, v3;
	v3 =	vor.u32 v18, v60  }
0x2db: {  	[tilespmem:v55+s17+$0x0] =	vst.idx.msk $0xffff, v4  }
0x2dc: {  	v4 =	vld.idx.msk [tilespmem:v61+s14+$0x0], $0xffff  }
0x2dd: {  	v60 =	vand.u32 $0x78, v58;
	v1 =	vld.idx.msk [tilespmem:v1+s14+$0x0], $0xffff  }
0x2de: {  	v56 =	vor.u32 v42, v60;
	v2 =	vld.idx.msk [tilespmem:v2+s14+$0x0], $0xffff  }
0x2df: {  	v57 =	vor.u32 v43, v60;
	v3 =	vld.idx.msk [tilespmem:v3+s14+$0x0], $0xffff  }
0x2e0: {  	v58 =	vor.u32 s26, v20;
	v59 =	vor.u32 v44, v60  }
0x2e1: {  	v55 =	vor.u32 v45, v60;
	v60 =	vshll.u32 v58, $0x6;
	v4 =	vadd.f32 v4, v51  }
0x2e2: {  	v61 =	vor.u32 v0, v60;
	v1 =	vadd.f32 v1, v52  }
0x2e3: {  	v2 =	vadd.f32 v2, v54;
	[tilespmem:v56+s17+$0x0] =	vst.idx.msk $0xffff, v4;
	v4 =	vor.u32 v16, v60  }
0x2e4: {  	v3 =	vadd.f32 v3, v53;
	[tilespmem:v57+s17+$0x0] =	vst.idx.msk $0xffff, v1;
	v1 =	vor.u32 v17, v60  }
0x2e5: {  	[tilespmem:v59+s17+$0x0] =	vst.idx.msk $0xffff, v2;
	v2 =	vor.u32 v18, v60  }
0x2e6: {  	[tilespmem:v55+s17+$0x0] =	vst.idx.msk $0xffff, v3  }
0x2e7: {  	v3 =	vld.idx.msk [tilespmem:v61+s14+$0x0], $0xffff  }
0x2e8: {  	v61 =	vand.u32 $0x78, v58;
	v4 =	vld.idx.msk [tilespmem:v4+s14+$0x0], $0xffff  }
0x2e9: {  	v56 =	vor.u32 v46, v61;
	v1 =	vld.idx.msk [tilespmem:v1+s14+$0x0], $0xffff  }
0x2ea: {  	v57 =	vor.u32 v47, v61;
	v2 =	vld.idx.msk [tilespmem:v2+s14+$0x0], $0xffff  }
0x2eb: {  	v58 =	vor.u32 s26, v21;
	v59 =	vor.u32 v48, v61  }
0x2ec: {  	v55 =	vor.u32 v49, v61;
	v60 =	vshll.u32 v58, $0x6;
	v3 =	vadd.f32 v3, v51  }
0x2ed: {  	v61 =	vor.u32 v0, v60;
	v4 =	vadd.f32 v4, v52  }
0x2ee: {  	v1 =	vadd.f32 v1, v54;
	[tilespmem:v56+s17+$0x0] =	vst.idx.msk $0xffff, v3;
	v3 =	vor.u32 v16, v60  }
0x2ef: {  	v2 =	vadd.f32 v2, v53;
	[tilespmem:v57+s17+$0x0] =	vst.idx.msk $0xffff, v4;
	v4 =	vor.u32 v17, v60  }
0x2f0: {  	[tilespmem:v59+s17+$0x0] =	vst.idx.msk $0xffff, v1;
	v1 =	vor.u32 v18, v60  }
0x2f1: {  	[tilespmem:v55+s17+$0x0] =	vst.idx.msk $0xffff, v2  }
0x2f2: {  	v2 =	vld.idx.msk [tilespmem:v61+s14+$0x0], $0xffff  }
0x2f3: {  	v55 =	vand.u32 $0x78, v58;
	v3 =	vld.idx.msk [tilespmem:v3+s14+$0x0], $0xffff  }
0x2f4: {  	v60 =	vor.u32 v50, v55;
	v4 =	vld.idx.msk [tilespmem:v4+s14+$0x0], $0xffff  }
0x2f5: {  	v61 =	vor.u32 v63, v55;
	v1 =	vld.idx.msk [tilespmem:v1+s14+$0x0], $0xffff  }
0x2f6: {  	v58 =	vor.u32 v62, v55  }
0x2f7: {  	v55 =	vor.u32 v5, v55;
	v2 =	vadd.f32 v2, v51  }
0x2f8: {  	v3 =	vadd.f32 v3, v52  }
0x2f9: {  	s29 =	sshll.u32 s23, $0x13;
	v4 =	vadd.f32 v4, v54;
	[tilespmem:v60+s17+$0x0] =	vst.idx.msk $0xffff, v2  }
0x2fa: {  	p0 =	seq.s32 s23, $0x63;
	s26 =	sor.u32 s4, s29;
	v1 =	vadd.f32 v1, v53;
	[tilespmem:v61+s17+$0x0] =	vst.idx.msk $0xffff, v3  }
0x2fb: {  	s25 =	sadd.s32 @!p0 $0x400, s25;
	s26 =	sshrl.u32 s26, $0x3;
	[tilespmem:v58+s17+$0x0] =	vst.idx.msk $0xffff, v4  }
0x2fc: {  	s25 =	sand.u32 @!p0 $0x3FC00, s25;
	s26 =	sadd.s32 s1, s26;
	[tilespmem:v55+s17+$0x0] =	vst.idx.msk $0xffff, v1  }
0x2fd: {  	[hbm4b:s26+s11] =	stream.strided.scatter [tilespmem:s17], [sflag:$0x3], $0x2000, s12, s11, $0x38;
	[tilespmem:$0x11600] =	vst v63  }
0x2fe: {  	s28 =	simm.s32 @!p0 $0x9600;
	s25 =	sshrl.u32 @!p0 s25, $0x2;
	s26 =	simm.s32 @!p0 $0x80  }
0x2ff: {  	[tilespmem:s28], [sflag:$0x1] =	stream.indirect.gather @!p0 [hbm4b:s5+s26], $0x40, s25, s26, $0xb8;
	[tilespmem:$0x11600] =	vst v63  }
0x300: {  	s25 =	simm.s32 @!p0 $0x3  }
0x301: {  	s30 =	simm.s32 $0x0;
	_ =	swait.ge @!p0 [sflag:s25], $0x2000  }
0x302: {  	v1 =	vor.u32 s30, v0;
	[sflag:s25] =	ssyncset.done @!p0 $0x0  }
0x303: {  	v2 =	vshll.u32 v1, $0x6;
	[sflag:s25] =	ssyncadd.s32 @!p0 $0xFFFFE000  }
0x304: {  	v3 =	vor.u32 v0, v2;
	_ =	swait.ge [sflag:s18], $0x2000  }
0x305: {  	s31 =	sshll.u32 s24, $0x6;
	v4 =	vor.u32 v16, v2;
	[sflag:s18] =	ssyncset.done $0x0  }
0x306: {  	s26 =	sand.u32 $0x3FFFFFC0, s31;
	[sflag:s18] =	ssyncadd.s32 $0xFFFFE000  }
0x307: {  	v52 =	vld [tilespmem:s26+$0x6400]  }
0x308: {  	v59 =	vor.u32 v17, v2;
	v53 =	vld [tilespmem:s26+$0x6410]  }
0x309: {  	v2 =	vor.u32 v18, v2;
	v3 =	vld.idx.msk [tilespmem:v3+s15+$0x0], $0xffff  }
0x30a: {  	v1 =	vand.u32 $0x78, v1;
	v4 =	vld.idx.msk [tilespmem:v4+s15+$0x0], $0xffff  }
0x30b: {  	v56 =	vor.u32 v22, v1;
	v54 =	vld [tilespmem:s26+$0x6420]  }
0x30c: {  	v57 =	vor.u32 v23, v1;
	v51 =	vld [tilespmem:s26+$0x6430]  }
0x30d: {  	v58 =	vor.u32 s30, v6;
	v55 =	vld.idx.msk [tilespmem:v59+s15+$0x0], $0xffff  }
0x30e: {  	v60 =	vshll.u32 v58, $0x6;
	v2 =	vld.idx.msk [tilespmem:v2+s15+$0x0], $0xffff;
	v3 =	vadd.f32 v3, v52  }
0x30f: {  	v61 =	vor.u32 v0, v60;
	v59 =	vor.u32 v24, v1;
	v4 =	vadd.f32 v4, v53  }
0x310: {  	v1 =	vor.u32 v25, v1;
	[tilespmem:v56+s19+$0x0] =	vst.idx.msk $0xffff, v3;
	v3 =	vor.u32 v16, v60  }
0x311: {  	[tilespmem:v57+s19+$0x0] =	vst.idx.msk $0xffff, v4;
	v4 =	vor.u32 v17, v60;
	v60 =	vor.u32 v18, v60  }
0x312: {  	v55 =	vadd.f32 v55, v54  }
0x313: {  	v2 =	vadd.f32 v2, v51  }
0x314: {  	[tilespmem:v59+s19+$0x0] =	vst.idx.msk $0xffff, v55  }
0x315: {  	[tilespmem:v1+s19+$0x0] =	vst.idx.msk $0xffff, v2  }
0x316: {  	v55 =	vld.idx.msk [tilespmem:v60+s15+$0x0], $0xffff  }
0x317: {  	v60 =	vld [tilespmem:$0x1FF90]  }
0x318: {  	v1 =	vld.idx.msk [tilespmem:v61+s15+$0x0], $0xffff  }
0x319: {  	v2 =	vand.u32 $0x78, v58;
	v3 =	vld.idx.msk [tilespmem:v3+s15+$0x0], $0xffff  }
0x31a: {  	v56 =	vor.u32 v26, v2;
	v4 =	vld.idx.msk [tilespmem:v4+s15+$0x0], $0xffff  }
0x31b: {  	v57 =	vor.u32 v27, v2  }
0x31c: {  	v59 =	vor.u32 v28, v2;
	v58 =	vor.u32 s30, v60  }
0x31d: {  	v2 =	vor.u32 v29, v2;
	v1 =	vadd.f32 v1, v52;
	v60 =	vshll.u32 v58, $0x6  }
0x31e: {  	v3 =	vadd.f32 v3, v53;
	v61 =	vor.u32 v0, v60  }
0x31f: {  	v4 =	vadd.f32 v4, v54;
	[tilespmem:v56+s19+$0x0] =	vst.idx.msk $0xffff, v1;
	v1 =	vor.u32 v16, v60  }
0x320: {  	v55 =	vadd.f32 v55, v51;
	[tilespmem:v57+s19+$0x0] =	vst.idx.msk $0xffff, v3;
	v3 =	vor.u32 v17, v60  }
0x321: {  	[tilespmem:v59+s19+$0x0] =	vst.idx.msk $0xffff, v4;
	v4 =	vor.u32 v18, v60  }
0x322: {  	v60 =	vld [tilespmem:$0x1FFA0];
	[tilespmem:v2+s19+$0x0] =	vst.idx.msk $0xffff, v55  }
0x323: {  	v2 =	vld.idx.msk [tilespmem:v61+s15+$0x0], $0xffff  }
0x324: {  	v61 =	vand.u32 $0x78, v58;
	v1 =	vld.idx.msk [tilespmem:v1+s15+$0x0], $0xffff  }
0x325: {  	v3 =	vld.idx.msk [tilespmem:v3+s15+$0x0], $0xffff;
	v56 =	vor.u32 v30, v61  }
0x326: {  	v4 =	vld.idx.msk [tilespmem:v4+s15+$0x0], $0xffff;
	v57 =	vor.u32 v31, v61  }
0x327: {  	v58 =	vor.u32 s30, v60;
	v59 =	vor.u32 v32, v61  }
0x328: {  	v55 =	vor.u32 v33, v61;
	v60 =	vshll.u32 v58, $0x6;
	v2 =	vadd.f32 v2, v52  }
0x329: {  	v61 =	vor.u32 v0, v60;
	v1 =	vadd.f32 v1, v53  }
0x32a: {  	v3 =	vadd.f32 v3, v54;
	[tilespmem:v56+s19+$0x0] =	vst.idx.msk $0xffff, v2;
	v2 =	vor.u32 v16, v60  }
0x32b: {  	v4 =	vadd.f32 v4, v51;
	[tilespmem:v57+s19+$0x0] =	vst.idx.msk $0xffff, v1;
	v1 =	vor.u32 v17, v60  }
0x32c: {  	[tilespmem:v59+s19+$0x0] =	vst.idx.msk $0xffff, v3;
	v3 =	vor.u32 v18, v60  }
0x32d: {  	v60 =	vld [tilespmem:$0x1FFF0];
	[tilespmem:v55+s19+$0x0] =	vst.idx.msk $0xffff, v4  }
0x32e: {  	v4 =	vld.idx.msk [tilespmem:v61+s15+$0x0], $0xffff  }
0x32f: {  	v61 =	vand.u32 $0x78, v58;
	v2 =	vld.idx.msk [tilespmem:v2+s15+$0x0], $0xffff  }
0x330: {  	v56 =	vor.u32 v34, v61;
	v1 =	vld.idx.msk [tilespmem:v1+s15+$0x0], $0xffff  }
0x331: {  	v57 =	vor.u32 v35, v61;
	v3 =	vld.idx.msk [tilespmem:v3+s15+$0x0], $0xffff  }
0x332: {  	v59 =	vor.u32 v36, v61;
	v58 =	vor.u32 s30, v60  }
0x333: {  	v55 =	vor.u32 v37, v61;
	v60 =	vshll.u32 v58, $0x6;
	v4 =	vadd.f32 v4, v52  }
0x334: {  	v61 =	vor.u32 v0, v60;
	v2 =	vadd.f32 v2, v53  }
0x335: {  	v1 =	vadd.f32 v1, v54;
	[tilespmem:v56+s19+$0x0] =	vst.idx.msk $0xffff, v4;
	v4 =	vor.u32 v16, v60  }
0x336: {  	v3 =	vadd.f32 v3, v51;
	[tilespmem:v57+s19+$0x0] =	vst.idx.msk $0xffff, v2;
	v2 =	vor.u32 v17, v60  }
0x337: {  	[tilespmem:v59+s19+$0x0] =	vst.idx.msk $0xffff, v1;
	v1 =	vor.u32 v18, v60  }
0x338: {  	[tilespmem:v55+s19+$0x0] =	vst.idx.msk $0xffff, v3  }
0x339: {  	v3 =	vld.idx.msk [tilespmem:v61+s15+$0x0], $0xffff  }
0x33a: {  	v61 =	vand.u32 $0x78, v58;
	v4 =	vld.idx.msk [tilespmem:v4+s15+$0x0], $0xffff  }
0x33b: {  	v56 =	vor.u32 v38, v61;
	v2 =	vld.idx.msk [tilespmem:v2+s15+$0x0], $0xffff  }
0x33c: {  	v57 =	vor.u32 v39, v61;
	v1 =	vld.idx.msk [tilespmem:v1+s15+$0x0], $0xffff  }
0x33d: {  	v58 =	vor.u32 s30, v8;
	v59 =	vor.u32 v40, v61  }
0x33e: {  	v55 =	vor.u32 v41, v61;
	v60 =	vshll.u32 v58, $0x6;
	v3 =	vadd.f32 v3, v52  }
0x33f: {  	v61 =	vor.u32 v0, v60;
	v4 =	vadd.f32 v4, v53  }
0x340: {  	v2 =	vadd.f32 v2, v54;
	[tilespmem:v56+s19+$0x0] =	vst.idx.msk $0xffff, v3;
	v3 =	vor.u32 v16, v60  }
0x341: {  	v1 =	vadd.f32 v1, v51;
	[tilespmem:v57+s19+$0x0] =	vst.idx.msk $0xffff, v4;
	v4 =	vor.u32 v17, v60  }
0x342: {  	[tilespmem:v59+s19+$0x0] =	vst.idx.msk $0xffff, v2;
	v2 =	vor.u32 v18, v60  }
0x343: {  	[tilespmem:v55+s19+$0x0] =	vst.idx.msk $0xffff, v1  }
0x344: {  	v1 =	vld.idx.msk [tilespmem:v61+s15+$0x0], $0xffff  }
0x345: {  	v60 =	vand.u32 $0x78, v58;
	v3 =	vld.idx.msk [tilespmem:v3+s15+$0x0], $0xffff  }
0x346: {  	v56 =	vor.u32 v42, v60;
	v4 =	vld.idx.msk [tilespmem:v4+s15+$0x0], $0xffff  }
0x347: {  	v57 =	vor.u32 v43, v60;
	v2 =	vld.idx.msk [tilespmem:v2+s15+$0x0], $0xffff  }
0x348: {  	v58 =	vor.u32 s30, v10;
	v59 =	vor.u32 v44, v60  }
0x349: {  	v55 =	vor.u32 v45, v60;
	v60 =	vshll.u32 v58, $0x6;
	v1 =	vadd.f32 v1, v52  }
0x34a: {  	v61 =	vor.u32 v0, v60;
	v3 =	vadd.f32 v3, v53  }
0x34b: {  	v4 =	vadd.f32 v4, v54;
	[tilespmem:v56+s19+$0x0] =	vst.idx.msk $0xffff, v1;
	v1 =	vor.u32 v16, v60  }
0x34c: {  	v2 =	vadd.f32 v2, v51;
	[tilespmem:v57+s19+$0x0] =	vst.idx.msk $0xffff, v3;
	v3 =	vor.u32 v17, v60  }
0x34d: {  	[tilespmem:v59+s19+$0x0] =	vst.idx.msk $0xffff, v4;
	v4 =	vor.u32 v18, v60  }
0x34e: {  	[tilespmem:v55+s19+$0x0] =	vst.idx.msk $0xffff, v2  }
0x34f: {  	v2 =	vld.idx.msk [tilespmem:v61+s15+$0x0], $0xffff  }
0x350: {  	v61 =	vand.u32 $0x78, v58;
	v1 =	vld.idx.msk [tilespmem:v1+s15+$0x0], $0xffff  }
0x351: {  	v56 =	vor.u32 v46, v61;
	v3 =	vld.idx.msk [tilespmem:v3+s15+$0x0], $0xffff  }
0x352: {  	v57 =	vor.u32 v47, v61;
	v4 =	vld.idx.msk [tilespmem:v4+s15+$0x0], $0xffff  }
0x353: {  	v58 =	vor.u32 s30, v11;
	v59 =	vor.u32 v48, v61  }
0x354: {  	v55 =	vor.u32 v49, v61;
	v60 =	vshll.u32 v58, $0x6;
	v2 =	vadd.f32 v2, v52  }
0x355: {  	v61 =	vor.u32 v0, v60;
	v1 =	vadd.f32 v1, v53  }
0x356: {  	v3 =	vadd.f32 v3, v54;
	[tilespmem:v56+s19+$0x0] =	vst.idx.msk $0xffff, v2;
	v2 =	vor.u32 v16, v60  }
0x357: {  	v4 =	vadd.f32 v4, v51;
	[tilespmem:v57+s19+$0x0] =	vst.idx.msk $0xffff, v1;
	v1 =	vor.u32 v17, v60  }
0x358: {  	[tilespmem:v59+s19+$0x0] =	vst.idx.msk $0xffff, v3;
	v3 =	vor.u32 v18, v60  }
0x359: {  	[tilespmem:v55+s19+$0x0] =	vst.idx.msk $0xffff, v4  }
0x35a: {  	v4 =	vld.idx.msk [tilespmem:v61+s15+$0x0], $0xffff  }
0x35b: {  	v60 =	vand.u32 $0x78, v58;
	v2 =	vld.idx.msk [tilespmem:v2+s15+$0x0], $0xffff  }
0x35c: {  	v56 =	vor.u32 v50, v60;
	v1 =	vld.idx.msk [tilespmem:v1+s15+$0x0], $0xffff  }
0x35d: {  	v57 =	vor.u32 v63, v60;
	v3 =	vld.idx.msk [tilespmem:v3+s15+$0x0], $0xffff  }
0x35e: {  	v58 =	vor.u32 s30, v9;
	v59 =	vor.u32 v62, v60  }
0x35f: {  	v55 =	vor.u32 v5, v60;
	v60 =	vshll.u32 v58, $0x6;
	v4 =	vadd.f32 v4, v52  }
0x360: {  	v61 =	vor.u32 v0, v60;
	v2 =	vadd.f32 v2, v53  }
0x361: {  	v1 =	vadd.f32 v1, v54;
	[tilespmem:v56+s19+$0x0] =	vst.idx.msk $0xffff, v4;
	v4 =	vor.u32 v16, v60  }
0x362: {  	v3 =	vadd.f32 v3, v51;
	[tilespmem:v57+s19+$0x0] =	vst.idx.msk $0xffff, v2;
	v2 =	vor.u32 v17, v60  }
0x363: {  	[tilespmem:v59+s19+$0x0] =	vst.idx.msk $0xffff, v1;
	v1 =	vor.u32 v18, v60  }
0x364: {  	[tilespmem:v55+s19+$0x0] =	vst.idx.msk $0xffff, v3  }
0x365: {  	v3 =	vld.idx.msk [tilespmem:v61+s15+$0x0], $0xffff  }
0x366: {  	v61 =	vand.u32 $0x78, v58;
	v4 =	vld.idx.msk [tilespmem:v4+s15+$0x0], $0xffff  }
0x367: {  	v56 =	vor.u32 v22, v61;
	v2 =	vld.idx.msk [tilespmem:v2+s15+$0x0], $0xffff  }
0x368: {  	v57 =	vor.u32 v23, v61;
	v1 =	vld.idx.msk [tilespmem:v1+s15+$0x0], $0xffff  }
0x369: {  	v58 =	vor.u32 s30, v12;
	v59 =	vor.u32 v24, v61  }
0x36a: {  	v55 =	vor.u32 v25, v61;
	v60 =	vshll.u32 v58, $0x6;
	v3 =	vadd.f32 v3, v52  }
0x36b: {  	v61 =	vor.u32 v0, v60;
	v4 =	vadd.f32 v4, v53  }
0x36c: {  	v2 =	vadd.f32 v2, v54;
	[tilespmem:v56+s19+$0x0] =	vst.idx.msk $0xffff, v3;
	v3 =	vor.u32 v16, v60  }
0x36d: {  	v1 =	vadd.f32 v1, v51;
	[tilespmem:v57+s19+$0x0] =	vst.idx.msk $0xffff, v4;
	v4 =	vor.u32 v17, v60  }
0x36e: {  	[tilespmem:v59+s19+$0x0] =	vst.idx.msk $0xffff, v2;
	v2 =	vor.u32 v18, v60  }
0x36f: {  	[tilespmem:v55+s19+$0x0] =	vst.idx.msk $0xffff, v1  }
0x370: {  	v1 =	vld.idx.msk [tilespmem:v61+s15+$0x0], $0xffff  }
0x371: {  	v60 =	vand.u32 $0x78, v58;
	v3 =	vld.idx.msk [tilespmem:v3+s15+$0x0], $0xffff  }
0x372: {  	v56 =	vor.u32 v26, v60;
	v4 =	vld.idx.msk [tilespmem:v4+s15+$0x0], $0xffff  }
0x373: {  	v57 =	vor.u32 v27, v60;
	v2 =	vld.idx.msk [tilespmem:v2+s15+$0x0], $0xffff  }
0x374: {  	v58 =	vor.u32 s30, v13;
	v59 =	vor.u32 v28, v60  }
0x375: {  	v55 =	vor.u32 v29, v60;
	v60 =	vshll.u32 v58, $0x6;
	v1 =	vadd.f32 v1, v52  }
0x376: {  	v61 =	vor.u32 v0, v60;
	v3 =	vadd.f32 v3, v53  }
0x377: {  	v4 =	vadd.f32 v4, v54;
	[tilespmem:v56+s19+$0x0] =	vst.idx.msk $0xffff, v1;
	v1 =	vor.u32 v16, v60  }
0x378: {  	v2 =	vadd.f32 v2, v51;
	[tilespmem:v57+s19+$0x0] =	vst.idx.msk $0xffff, v3;
	v3 =	vor.u32 v17, v60  }
0x379: {  	[tilespmem:v59+s19+$0x0] =	vst.idx.msk $0xffff, v4;
	v4 =	vor.u32 v18, v60  }
0x37a: {  	[tilespmem:v55+s19+$0x0] =	vst.idx.msk $0xffff, v2  }
0x37b: {  	v2 =	vld.idx.msk [tilespmem:v61+s15+$0x0], $0xffff  }
0x37c: {  	v61 =	vand.u32 $0x78, v58;
	v1 =	vld.idx.msk [tilespmem:v1+s15+$0x0], $0xffff  }
0x37d: {  	v56 =	vor.u32 v30, v61;
	v3 =	vld.idx.msk [tilespmem:v3+s15+$0x0], $0xffff  }
0x37e: {  	v57 =	vor.u32 v31, v61;
	v4 =	vld.idx.msk [tilespmem:v4+s15+$0x0], $0xffff  }
0x37f: {  	v58 =	vor.u32 s30, v14;
	v59 =	vor.u32 v32, v61  }
0x380: {  	v55 =	vor.u32 v33, v61;
	v60 =	vshll.u32 v58, $0x6;
	v2 =	vadd.f32 v2, v52  }
0x381: {  	v61 =	vor.u32 v0, v60;
	v1 =	vadd.f32 v1, v53  }
0x382: {  	v3 =	vadd.f32 v3, v54;
	[tilespmem:v56+s19+$0x0] =	vst.idx.msk $0xffff, v2;
	v2 =	vor.u32 v16, v60  }
0x383: {  	v4 =	vadd.f32 v4, v51;
	[tilespmem:v57+s19+$0x0] =	vst.idx.msk $0xffff, v1;
	v1 =	vor.u32 v17, v60  }
0x384: {  	[tilespmem:v59+s19+$0x0] =	vst.idx.msk $0xffff, v3;
	v3 =	vor.u32 v18, v60  }
0x385: {  	[tilespmem:v55+s19+$0x0] =	vst.idx.msk $0xffff, v4  }
0x386: {  	v4 =	vld.idx.msk [tilespmem:v61+s15+$0x0], $0xffff  }
0x387: {  	v60 =	vand.u32 $0x78, v58;
	v2 =	vld.idx.msk [tilespmem:v2+s15+$0x0], $0xffff  }
0x388: {  	v56 =	vor.u32 v34, v60;
	v1 =	vld.idx.msk [tilespmem:v1+s15+$0x0], $0xffff  }
0x389: {  	v57 =	vor.u32 v35, v60;
	v3 =	vld.idx.msk [tilespmem:v3+s15+$0x0], $0xffff  }
0x38a: {  	v58 =	vor.u32 s30, v15;
	v59 =	vor.u32 v36, v60  }
0x38b: {  	v55 =	vor.u32 v37, v60;
	v60 =	vshll.u32 v58, $0x6;
	v4 =	vadd.f32 v4, v52  }
0x38c: {  	v61 =	vor.u32 v0, v60;
	v2 =	vadd.f32 v2, v53  }
0x38d: {  	v1 =	vadd.f32 v1, v54;
	[tilespmem:v56+s19+$0x0] =	vst.idx.msk $0xffff, v4;
	v4 =	vor.u32 v16, v60  }
0x38e: {  	v3 =	vadd.f32 v3, v51;
	[tilespmem:v57+s19+$0x0] =	vst.idx.msk $0xffff, v2;
	v2 =	vor.u32 v17, v60  }
0x38f: {  	[tilespmem:v59+s19+$0x0] =	vst.idx.msk $0xffff, v1;
	v1 =	vor.u32 v18, v60  }
0x390: {  	[tilespmem:v55+s19+$0x0] =	vst.idx.msk $0xffff, v3  }
0x391: {  	v3 =	vld.idx.msk [tilespmem:v61+s15+$0x0], $0xffff  }
0x392: {  	v61 =	vand.u32 $0x78, v58;
	v4 =	vld.idx.msk [tilespmem:v4+s15+$0x0], $0xffff  }
0x393: {  	v56 =	vor.u32 v38, v61;
	v2 =	vld.idx.msk [tilespmem:v2+s15+$0x0], $0xffff  }
0x394: {  	v57 =	vor.u32 v39, v61;
	v1 =	vld.idx.msk [tilespmem:v1+s15+$0x0], $0xffff  }
0x395: {  	v58 =	vor.u32 s30, v19;
	v59 =	vor.u32 v40, v61  }
0x396: {  	v55 =	vor.u32 v41, v61;
	v60 =	vshll.u32 v58, $0x6;
	v3 =	vadd.f32 v3, v52  }
0x397: {  	v61 =	vor.u32 v0, v60;
	v4 =	vadd.f32 v4, v53  }
0x398: {  	v2 =	vadd.f32 v2, v54;
	[tilespmem:v56+s19+$0x0] =	vst.idx.msk $0xffff, v3;
	v3 =	vor.u32 v16, v60  }
0x399: {  	v1 =	vadd.f32 v1, v51;
	[tilespmem:v57+s19+$0x0] =	vst.idx.msk $0xffff, v4;
	v4 =	vor.u32 v17, v60  }
0x39a: {  	[tilespmem:v59+s19+$0x0] =	vst.idx.msk $0xffff, v2;
	v2 =	vor.u32 v18, v60  }
0x39b: {  	[tilespmem:v55+s19+$0x0] =	vst.idx.msk $0xffff, v1  }
0x39c: {  	v1 =	vld.idx.msk [tilespmem:v61+s15+$0x0], $0xffff  }
0x39d: {  	v60 =	vand.u32 $0x78, v58;
	v3 =	vld.idx.msk [tilespmem:v3+s15+$0x0], $0xffff  }
0x39e: {  	v56 =	vor.u32 v42, v60;
	v4 =	vld.idx.msk [tilespmem:v4+s15+$0x0], $0xffff  }
0x39f: {  	v57 =	vor.u32 v43, v60;
	v2 =	vld.idx.msk [tilespmem:v2+s15+$0x0], $0xffff  }
0x3a0: {  	v58 =	vor.u32 s30, v20;
	v59 =	vor.u32 v44, v60  }
0x3a1: {  	v55 =	vor.u32 v45, v60;
	v60 =	vshll.u32 v58, $0x6;
	v1 =	vadd.f32 v1, v52  }
0x3a2: {  	v61 =	vor.u32 v0, v60;
	v3 =	vadd.f32 v3, v53  }
0x3a3: {  	v4 =	vadd.f32 v4, v54;
	[tilespmem:v56+s19+$0x0] =	vst.idx.msk $0xffff, v1;
	v1 =	vor.u32 v16, v60  }
0x3a4: {  	v2 =	vadd.f32 v2, v51;
	[tilespmem:v57+s19+$0x0] =	vst.idx.msk $0xffff, v3;
	v3 =	vor.u32 v17, v60  }
0x3a5: {  	[tilespmem:v59+s19+$0x0] =	vst.idx.msk $0xffff, v4;
	v4 =	vor.u32 v18, v60  }
0x3a6: {  	[tilespmem:v55+s19+$0x0] =	vst.idx.msk $0xffff, v2  }
0x3a7: {  	v2 =	vld.idx.msk [tilespmem:v61+s15+$0x0], $0xffff  }
0x3a8: {  	v61 =	vand.u32 $0x78, v58;
	v1 =	vld.idx.msk [tilespmem:v1+s15+$0x0], $0xffff  }
0x3a9: {  	v56 =	vor.u32 v46, v61;
	v3 =	vld.idx.msk [tilespmem:v3+s15+$0x0], $0xffff  }
0x3aa: {  	v57 =	vor.u32 v47, v61;
	v4 =	vld.idx.msk [tilespmem:v4+s15+$0x0], $0xffff  }
0x3ab: {  	v58 =	vor.u32 s30, v21;
	v59 =	vor.u32 v48, v61  }
0x3ac: {  	v55 =	vor.u32 v49, v61;
	v60 =	vshll.u32 v58, $0x6;
	v2 =	vadd.f32 v2, v52  }
0x3ad: {  	v61 =	vor.u32 v0, v60;
	v1 =	vadd.f32 v1, v53  }
0x3ae: {  	[tilespmem:v56+s19+$0x0] =	vst.idx.msk $0xffff, v2;
	v2 =	vadd.f32 v3, v54;
	v3 =	vor.u32 v16, v60  }
0x3af: {  	[tilespmem:v57+s19+$0x0] =	vst.idx.msk $0xffff, v1;
	v1 =	vadd.f32 v4, v51  }
0x3b0: {  	v4 =	vor.u32 v17, v60;
	[tilespmem:v59+s19+$0x0] =	vst.idx.msk $0xffff, v2  }
0x3b1: {  	[tilespmem:v55+s19+$0x0] =	vst.idx.msk $0xffff, v1  }
0x3b2: {  	v2 =	vld.idx.msk [tilespmem:v61+s15+$0x0], $0xffff  }
0x3b3: {  	v1 =	vor.u32 v18, v60;
	v55 =	vand.u32 $0x78, v58;
	v3 =	vld.idx.msk [tilespmem:v3+s15+$0x0], $0xffff  }
0x3b4: {  	v60 =	vor.u32 v50, v55  }
0x3b5: {  	v61 =	vor.u32 v63, v55;
	v4 =	vld.idx.msk [tilespmem:v4+s15+$0x0], $0xffff;
	_ =	sdelay $0x1  }
0x3b6: {  	v58 =	vor.u32 v62, v55;
	v2 =	vadd.f32 v2, v52  }
0x3b7: {  	s25 =	simm.s32 $0x10;
	v1 =	vld.idx.msk [tilespmem:v1+s15+$0x0], $0xffff;
	v3 =	vadd.f32 v3, v53  }
0x3b8: {  	[tilespmem:v60+s19+$0x0] =	vst.idx.msk $0xffff, v2;
	v2 =	vor.u32 s25, v0  }
0x3b9: {  	v56 =	vor.u32 v5, v55;
	v4 =	vadd.f32 v4, v54;
	[tilespmem:v61+s19+$0x0] =	vst.idx.msk $0xffff, v3;
	v3 =	vshll.u32 v2, $0x6  }
0x3ba: {  	[tilespmem:$0x1FF80] =	vst v51;
	v57 =	vor.u32 v0, v3  }
0x3bb: {  	v62 =	vmov v6;
	v55 =	vand.u32 $0x78, v2;
	[tilespmem:v58+s19+$0x0] =	vst.idx.msk $0xffff, v4;
	v58 =	vor.u32 v16, v3  }
0x3bc: {  	s26 =	simm.s32 $0x20;
	v59 =	vor.u32 v17, v3;
	v60 =	vor.u32 v18, v3;
	v61 =	vadd.f32 v1, v51;
	v51 =	vmovc v63  }
.LBB2_5:
0x3bd: {  	_ = 	snop  }
0x3be: {  	v6 =	vld [tilespmem:$0x1FF80];
	[tilespmem:v56+s19+$0x0] =	vst.idx.msk $0xffff, v61  }
0x3bf: {  	v1 =	vld.idx.msk [tilespmem:v57+s15+$0x0], $0xffff  }
0x3c0: {  	v2 =	vld.idx.msk [tilespmem:v58+s15+$0x0], $0xffff  }
0x3c1: {  	v56 =	vor.u32 v22, v55;
	v3 =	vld.idx.msk [tilespmem:v59+s15+$0x0], $0xffff  }
0x3c2: {  	v4 =	vld.idx.msk [tilespmem:v60+s15+$0x0], $0xffff;
	v57 =	vor.u32 v23, v55  }
0x3c3: {  	v58 =	vor.u32 s25, v62;
	v59 =	vor.u32 v24, v55  }
0x3c4: {  	v55 =	vor.u32 v25, v55;
	v60 =	vshll.u32 v58, $0x6;
	v1 =	vadd.f32 v1, v52  }
0x3c5: {  	v61 =	vor.u32 v0, v60;
	v2 =	vadd.f32 v2, v53  }
0x3c6: {  	v3 =	vadd.f32 v3, v54;
	[tilespmem:v56+s19+$0x0] =	vst.idx.msk $0xffff, v1;
	v1 =	vor.u32 v16, v60  }
0x3c7: {  	v4 =	vadd.f32 v4, v6;
	[tilespmem:v57+s19+$0x0] =	vst.idx.msk $0xffff, v2;
	v2 =	vor.u32 v17, v60  }
0x3c8: {  	[tilespmem:v59+s19+$0x0] =	vst.idx.msk $0xffff, v3;
	v3 =	vor.u32 v18, v60  }
0x3c9: {  	v5 =	vld [tilespmem:$0x1FF90];
	[tilespmem:v55+s19+$0x0] =	vst.idx.msk $0xffff, v4  }
0x3ca: {  	v4 =	vld.idx.msk [tilespmem:v61+s15+$0x0], $0xffff  }
0x3cb: {  	v58 =	vand.u32 $0x78, v58;
	v1 =	vld.idx.msk [tilespmem:v1+s15+$0x0], $0xffff  }
0x3cc: {  	v55 =	vor.u32 v26, v58;
	v2 =	vld.idx.msk [tilespmem:v2+s15+$0x0], $0xffff  }
0x3cd: {  	v56 =	vor.u32 v27, v58;
	v3 =	vld.idx.msk [tilespmem:v3+s15+$0x0], $0xffff  }
0x3ce: {  	v57 =	vor.u32 s25, v5;
	v59 =	vor.u32 v28, v58  }
0x3cf: {  	v60 =	vshll.u32 v57, $0x6;
	v58 =	vor.u32 v29, v58;
	v4 =	vadd.f32 v4, v52  }
0x3d0: {  	v61 =	vor.u32 v0, v60;
	v1 =	vadd.f32 v1, v53  }
0x3d1: {  	v2 =	vadd.f32 v2, v54;
	[tilespmem:v55+s19+$0x0] =	vst.idx.msk $0xffff, v4;
	v4 =	vor.u32 v16, v60  }
0x3d2: {  	v3 =	vadd.f32 v3, v6;
	[tilespmem:v56+s19+$0x0] =	vst.idx.msk $0xffff, v1;
	v1 =	vor.u32 v17, v60  }
0x3d3: {  	[tilespmem:v59+s19+$0x0] =	vst.idx.msk $0xffff, v2;
	v2 =	vor.u32 v18, v60  }
0x3d4: {  	v5 =	vld [tilespmem:$0x1FFA0];
	[tilespmem:v58+s19+$0x0] =	vst.idx.msk $0xffff, v3  }
0x3d5: {  	v3 =	vld.idx.msk [tilespmem:v61+s15+$0x0], $0xffff  }
0x3d6: {  	v57 =	vand.u32 $0x78, v57;
	v4 =	vld.idx.msk [tilespmem:v4+s15+$0x0], $0xffff  }
0x3d7: {  	v55 =	vor.u32 v30, v57;
	v1 =	vld.idx.msk [tilespmem:v1+s15+$0x0], $0xffff  }
0x3d8: {  	v56 =	vor.u32 v31, v57;
	v2 =	vld.idx.msk [tilespmem:v2+s15+$0x0], $0xffff  }
0x3d9: {  	v59 =	vor.u32 v32, v57;
	v58 =	vor.u32 s25, v5  }
0x3da: {  	v57 =	vor.u32 v33, v57;
	v60 =	vshll.u32 v58, $0x6;
	v3 =	vadd.f32 v3, v52  }
0x3db: {  	v61 =	vor.u32 v0, v60;
	v4 =	vadd.f32 v4, v53  }
0x3dc: {  	v1 =	vadd.f32 v1, v54;
	[tilespmem:v55+s19+$0x0] =	vst.idx.msk $0xffff, v3;
	v3 =	vor.u32 v16, v60  }
0x3dd: {  	v2 =	vadd.f32 v2, v6;
	[tilespmem:v56+s19+$0x0] =	vst.idx.msk $0xffff, v4;
	v4 =	vor.u32 v17, v60  }
0x3de: {  	[tilespmem:v59+s19+$0x0] =	vst.idx.msk $0xffff, v1;
	v1 =	vor.u32 v18, v60  }
0x3df: {  	[tilespmem:v57+s19+$0x0] =	vst.idx.msk $0xffff, v2  }
0x3e0: {  	v2 =	vld.idx.msk [tilespmem:v61+s15+$0x0], $0xffff  }
0x3e1: {  	v58 =	vand.u32 $0x78, v58;
	v3 =	vld.idx.msk [tilespmem:v3+s15+$0x0], $0xffff  }
0x3e2: {  	v55 =	vor.u32 v34, v58;
	v4 =	vld.idx.msk [tilespmem:v4+s15+$0x0], $0xffff  }
0x3e3: {  	v56 =	vor.u32 v35, v58;
	v1 =	vld.idx.msk [tilespmem:v1+s15+$0x0], $0xffff  }
0x3e4: {  	v59 =	vor.u32 v36, v58;
	v57 =	vor.u32 s25, v7  }
0x3e5: {  	v58 =	vor.u32 v37, v58;
	v60 =	vshll.u32 v57, $0x6;
	v2 =	vadd.f32 v2, v52  }
0x3e6: {  	v61 =	vor.u32 v0, v60;
	v3 =	vadd.f32 v3, v53  }
0x3e7: {  	v4 =	vadd.f32 v4, v54;
	[tilespmem:v55+s19+$0x0] =	vst.idx.msk $0xffff, v2;
	v2 =	vor.u32 v16, v60  }
0x3e8: {  	v1 =	vadd.f32 v1, v6;
	[tilespmem:v56+s19+$0x0] =	vst.idx.msk $0xffff, v3;
	v3 =	vor.u32 v17, v60  }
0x3e9: {  	[tilespmem:v59+s19+$0x0] =	vst.idx.msk $0xffff, v4;
	v4 =	vor.u32 v18, v60  }
0x3ea: {  	[tilespmem:v58+s19+$0x0] =	vst.idx.msk $0xffff, v1  }
0x3eb: {  	v1 =	vld.idx.msk [tilespmem:v61+s15+$0x0], $0xffff  }
0x3ec: {  	v57 =	vand.u32 $0x78, v57;
	v2 =	vld.idx.msk [tilespmem:v2+s15+$0x0], $0xffff  }
0x3ed: {  	v55 =	vor.u32 v38, v57;
	v3 =	vld.idx.msk [tilespmem:v3+s15+$0x0], $0xffff  }
0x3ee: {  	v56 =	vor.u32 v39, v57;
	v4 =	vld.idx.msk [tilespmem:v4+s15+$0x0], $0xffff  }
0x3ef: {  	v59 =	vor.u32 v40, v57;
	v58 =	vor.u32 s25, v8  }
0x3f0: {  	v57 =	vor.u32 v41, v57;
	v60 =	vshll.u32 v58, $0x6;
	v1 =	vadd.f32 v1, v52  }
0x3f1: {  	v61 =	vor.u32 v0, v60;
	v2 =	vadd.f32 v2, v53  }
0x3f2: {  	v3 =	vadd.f32 v3, v54;
	[tilespmem:v55+s19+$0x0] =	vst.idx.msk $0xffff, v1;
	v1 =	vor.u32 v16, v60  }
0x3f3: {  	v4 =	vadd.f32 v4, v6;
	[tilespmem:v56+s19+$0x0] =	vst.idx.msk $0xffff, v2;
	v2 =	vor.u32 v17, v60  }
0x3f4: {  	[tilespmem:v59+s19+$0x0] =	vst.idx.msk $0xffff, v3;
	v3 =	vor.u32 v18, v60  }
0x3f5: {  	[tilespmem:v57+s19+$0x0] =	vst.idx.msk $0xffff, v4  }
0x3f6: {  	v4 =	vld.idx.msk [tilespmem:v61+s15+$0x0], $0xffff  }
0x3f7: {  	v58 =	vand.u32 $0x78, v58;
	v1 =	vld.idx.msk [tilespmem:v1+s15+$0x0], $0xffff  }
0x3f8: {  	v55 =	vor.u32 v42, v58;
	v2 =	vld.idx.msk [tilespmem:v2+s15+$0x0], $0xffff  }
0x3f9: {  	v56 =	vor.u32 v43, v58;
	v3 =	vld.idx.msk [tilespmem:v3+s15+$0x0], $0xffff  }
0x3fa: {  	v59 =	vor.u32 v44, v58;
	v57 =	vor.u32 s25, v10  }
0x3fb: {  	v58 =	vor.u32 v45, v58;
	v60 =	vshll.u32 v57, $0x6;
	v4 =	vadd.f32 v4, v52  }
0x3fc: {  	v61 =	vor.u32 v0, v60;
	v1 =	vadd.f32 v1, v53  }
0x3fd: {  	v2 =	vadd.f32 v2, v54;
	[tilespmem:v55+s19+$0x0] =	vst.idx.msk $0xffff, v4;
	v4 =	vor.u32 v16, v60  }
0x3fe: {  	v3 =	vadd.f32 v3, v6;
	[tilespmem:v56+s19+$0x0] =	vst.idx.msk $0xffff, v1;
	v1 =	vor.u32 v17, v60  }
0x3ff: {  	[tilespmem:v59+s19+$0x0] =	vst.idx.msk $0xffff, v2;
	v2 =	vor.u32 v18, v60  }
0x400: {  	[tilespmem:v58+s19+$0x0] =	vst.idx.msk $0xffff, v3  }
0x401: {  	v3 =	vld.idx.msk [tilespmem:v61+s15+$0x0], $0xffff  }
0x402: {  	v57 =	vand.u32 $0x78, v57;
	v4 =	vld.idx.msk [tilespmem:v4+s15+$0x0], $0xffff  }
0x403: {  	v55 =	vor.u32 v46, v57;
	v1 =	vld.idx.msk [tilespmem:v1+s15+$0x0], $0xffff  }
0x404: {  	v56 =	vor.u32 v47, v57;
	v2 =	vld.idx.msk [tilespmem:v2+s15+$0x0], $0xffff  }
0x405: {  	v59 =	vor.u32 v48, v57;
	v58 =	vor.u32 s25, v11  }
0x406: {  	v57 =	vor.u32 v49, v57;
	v60 =	vshll.u32 v58, $0x6;
	v3 =	vadd.f32 v3, v52  }
0x407: {  	v61 =	vor.u32 v0, v60;
	v4 =	vadd.f32 v4, v53  }
0x408: {  	v1 =	vadd.f32 v1, v54;
	[tilespmem:v55+s19+$0x0] =	vst.idx.msk $0xffff, v3;
	v3 =	vor.u32 v16, v60  }
0x409: {  	v2 =	vadd.f32 v2, v6;
	[tilespmem:v56+s19+$0x0] =	vst.idx.msk $0xffff, v4;
	v4 =	vor.u32 v17, v60  }
0x40a: {  	v63 =	vld [tilespmem:$0x1FFB0];
	[tilespmem:v59+s19+$0x0] =	vst.idx.msk $0xffff, v1;
	v1 =	vor.u32 v18, v60  }
0x40b: {  	v5 =	vmov v7;
	v7 =	vld [tilespmem:$0x1FFC0];
	[tilespmem:v57+s19+$0x0] =	vst.idx.msk $0xffff, v2  }
0x40c: {  	v2 =	vld.idx.msk [tilespmem:v61+s15+$0x0], $0xffff  }
0x40d: {  	v58 =	vand.u32 $0x78, v58;
	v3 =	vld.idx.msk [tilespmem:v3+s15+$0x0], $0xffff  }
0x40e: {  	v55 =	vor.u32 v50, v58;
	v4 =	vld.idx.msk [tilespmem:v4+s15+$0x0], $0xffff  }
0x40f: {  	v56 =	vor.u32 v51, v58;
	v1 =	vld.idx.msk [tilespmem:v1+s15+$0x0], $0xffff  }
0x410: {  	v59 =	vor.u32 v63, v58;
	v57 =	vor.u32 s25, v9  }
0x411: {  	v58 =	vor.u32 v7, v58;
	v60 =	vshll.u32 v57, $0x6;
	v2 =	vadd.f32 v2, v52  }
0x412: {  	v61 =	vor.u32 v0, v60;
	v3 =	vadd.f32 v3, v53  }
0x413: {  	v4 =	vadd.f32 v4, v54;
	[tilespmem:v55+s19+$0x0] =	vst.idx.msk $0xffff, v2;
	v2 =	vor.u32 v16, v60  }
0x414: {  	v1 =	vadd.f32 v1, v6;
	[tilespmem:v56+s19+$0x0] =	vst.idx.msk $0xffff, v3;
	v3 =	vor.u32 v17, v60  }
0x415: {  	[tilespmem:v59+s19+$0x0] =	vst.idx.msk $0xffff, v4;
	v4 =	vor.u32 v18, v60  }
0x416: {  	[tilespmem:v58+s19+$0x0] =	vst.idx.msk $0xffff, v1  }
0x417: {  	v1 =	vld.idx.msk [tilespmem:v61+s15+$0x0], $0xffff  }
0x418: {  	v57 =	vand.u32 $0x78, v57;
	v2 =	vld.idx.msk [tilespmem:v2+s15+$0x0], $0xffff  }
0x419: {  	v55 =	vor.u32 v22, v57;
	v3 =	vld.idx.msk [tilespmem:v3+s15+$0x0], $0xffff  }
0x41a: {  	v56 =	vor.u32 v23, v57;
	v4 =	vld.idx.msk [tilespmem:v4+s15+$0x0], $0xffff  }
0x41b: {  	v59 =	vor.u32 v24, v57;
	v58 =	vor.u32 s25, v12  }
0x41c: {  	v57 =	vor.u32 v25, v57;
	v60 =	vshll.u32 v58, $0x6;
	v1 =	vadd.f32 v1, v52  }
0x41d: {  	v61 =	vor.u32 v0, v60;
	v2 =	vadd.f32 v2, v53  }
0x41e: {  	v3 =	vadd.f32 v3, v54;
	[tilespmem:v55+s19+$0x0] =	vst.idx.msk $0xffff, v1;
	v1 =	vor.u32 v16, v60  }
0x41f: {  	v4 =	vadd.f32 v4, v6;
	[tilespmem:v56+s19+$0x0] =	vst.idx.msk $0xffff, v2;
	v2 =	vor.u32 v17, v60  }
0x420: {  	[tilespmem:v59+s19+$0x0] =	vst.idx.msk $0xffff, v3;
	v3 =	vor.u32 v18, v60  }
0x421: {  	[tilespmem:v57+s19+$0x0] =	vst.idx.msk $0xffff, v4  }
0x422: {  	v4 =	vld.idx.msk [tilespmem:v61+s15+$0x0], $0xffff  }
0x423: {  	v58 =	vand.u32 $0x78, v58;
	v1 =	vld.idx.msk [tilespmem:v1+s15+$0x0], $0xffff  }
0x424: {  	v55 =	vor.u32 v26, v58;
	v2 =	vld.idx.msk [tilespmem:v2+s15+$0x0], $0xffff  }
0x425: {  	v56 =	vor.u32 v27, v58;
	v3 =	vld.idx.msk [tilespmem:v3+s15+$0x0], $0xffff  }
0x426: {  	v59 =	vor.u32 v28, v58;
	v57 =	vor.u32 s25, v13  }
0x427: {  	v58 =	vor.u32 v29, v58;
	v60 =	vshll.u32 v57, $0x6;
	v4 =	vadd.f32 v4, v52  }
0x428: {  	v61 =	vor.u32 v0, v60;
	v1 =	vadd.f32 v1, v53  }
0x429: {  	v2 =	vadd.f32 v2, v54;
	[tilespmem:v55+s19+$0x0] =	vst.idx.msk $0xffff, v4;
	v4 =	vor.u32 v16, v60  }
0x42a: {  	v3 =	vadd.f32 v3, v6;
	[tilespmem:v56+s19+$0x0] =	vst.idx.msk $0xffff, v1;
	v1 =	vor.u32 v17, v60  }
0x42b: {  	[tilespmem:v59+s19+$0x0] =	vst.idx.msk $0xffff, v2;
	v2 =	vor.u32 v18, v60  }
0x42c: {  	[tilespmem:v58+s19+$0x0] =	vst.idx.msk $0xffff, v3  }
0x42d: {  	v3 =	vld.idx.msk [tilespmem:v61+s15+$0x0], $0xffff  }
0x42e: {  	v57 =	vand.u32 $0x78, v57;
	v4 =	vld.idx.msk [tilespmem:v4+s15+$0x0], $0xffff  }
0x42f: {  	v55 =	vor.u32 v30, v57;
	v1 =	vld.idx.msk [tilespmem:v1+s15+$0x0], $0xffff  }
0x430: {  	v56 =	vor.u32 v31, v57;
	v2 =	vld.idx.msk [tilespmem:v2+s15+$0x0], $0xffff  }
0x431: {  	v59 =	vor.u32 v32, v57;
	v58 =	vor.u32 s25, v14  }
0x432: {  	v57 =	vor.u32 v33, v57;
	v60 =	vshll.u32 v58, $0x6;
	v3 =	vadd.f32 v3, v52  }
0x433: {  	v61 =	vor.u32 v0, v60;
	v4 =	vadd.f32 v4, v53  }
0x434: {  	v1 =	vadd.f32 v1, v54;
	[tilespmem:v55+s19+$0x0] =	vst.idx.msk $0xffff, v3;
	v3 =	vor.u32 v16, v60  }
0x435: {  	v2 =	vadd.f32 v2, v6;
	[tilespmem:v56+s19+$0x0] =	vst.idx.msk $0xffff, v4;
	v4 =	vor.u32 v17, v60  }
0x436: {  	[tilespmem:v59+s19+$0x0] =	vst.idx.msk $0xffff, v1;
	v1 =	vor.u32 v18, v60  }
0x437: {  	[tilespmem:v57+s19+$0x0] =	vst.idx.msk $0xffff, v2  }
0x438: {  	v2 =	vld.idx.msk [tilespmem:v61+s15+$0x0], $0xffff  }
0x439: {  	v58 =	vand.u32 $0x78, v58;
	v3 =	vld.idx.msk [tilespmem:v3+s15+$0x0], $0xffff  }
0x43a: {  	v55 =	vor.u32 v34, v58;
	v4 =	vld.idx.msk [tilespmem:v4+s15+$0x0], $0xffff  }
0x43b: {  	v56 =	vor.u32 v35, v58;
	v1 =	vld.idx.msk [tilespmem:v1+s15+$0x0], $0xffff  }
0x43c: {  	v59 =	vor.u32 v36, v58;
	v57 =	vor.u32 s25, v15  }
0x43d: {  	v58 =	vor.u32 v37, v58;
	v60 =	vshll.u32 v57, $0x6;
	v2 =	vadd.f32 v2, v52  }
0x43e: {  	v61 =	vor.u32 v0, v60;
	v3 =	vadd.f32 v3, v53  }
0x43f: {  	v4 =	vadd.f32 v4, v54;
	[tilespmem:v55+s19+$0x0] =	vst.idx.msk $0xffff, v2;
	v2 =	vor.u32 v16, v60  }
0x440: {  	v1 =	vadd.f32 v1, v6;
	[tilespmem:v56+s19+$0x0] =	vst.idx.msk $0xffff, v3;
	v3 =	vor.u32 v17, v60  }
0x441: {  	[tilespmem:v59+s19+$0x0] =	vst.idx.msk $0xffff, v4;
	v4 =	vor.u32 v18, v60  }
0x442: {  	[tilespmem:v58+s19+$0x0] =	vst.idx.msk $0xffff, v1  }
0x443: {  	v1 =	vld.idx.msk [tilespmem:v61+s15+$0x0], $0xffff  }
0x444: {  	v57 =	vand.u32 $0x78, v57;
	v2 =	vld.idx.msk [tilespmem:v2+s15+$0x0], $0xffff  }
0x445: {  	v55 =	vor.u32 v38, v57;
	v3 =	vld.idx.msk [tilespmem:v3+s15+$0x0], $0xffff  }
0x446: {  	v56 =	vor.u32 v39, v57;
	v4 =	vld.idx.msk [tilespmem:v4+s15+$0x0], $0xffff  }
0x447: {  	v59 =	vor.u32 v40, v57;
	v58 =	vor.u32 s25, v19  }
0x448: {  	v57 =	vor.u32 v41, v57;
	v60 =	vshll.u32 v58, $0x6;
	v1 =	vadd.f32 v1, v52  }
0x449: {  	v61 =	vor.u32 v0, v60;
	v2 =	vadd.f32 v2, v53  }
0x44a: {  	v3 =	vadd.f32 v3, v54;
	[tilespmem:v55+s19+$0x0] =	vst.idx.msk $0xffff, v1;
	v1 =	vor.u32 v16, v60  }
0x44b: {  	v4 =	vadd.f32 v4, v6;
	[tilespmem:v56+s19+$0x0] =	vst.idx.msk $0xffff, v2;
	v2 =	vor.u32 v17, v60  }
0x44c: {  	[tilespmem:v59+s19+$0x0] =	vst.idx.msk $0xffff, v3;
	v3 =	vor.u32 v18, v60  }
0x44d: {  	[tilespmem:v57+s19+$0x0] =	vst.idx.msk $0xffff, v4  }
0x44e: {  	v4 =	vld.idx.msk [tilespmem:v61+s15+$0x0], $0xffff  }
0x44f: {  	v58 =	vand.u32 $0x78, v58;
	v1 =	vld.idx.msk [tilespmem:v1+s15+$0x0], $0xffff  }
0x450: {  	v55 =	vor.u32 v42, v58;
	v2 =	vld.idx.msk [tilespmem:v2+s15+$0x0], $0xffff  }
0x451: {  	v56 =	vor.u32 v43, v58;
	v3 =	vld.idx.msk [tilespmem:v3+s15+$0x0], $0xffff  }
0x452: {  	v59 =	vor.u32 v44, v58;
	v57 =	vor.u32 s25, v20  }
0x453: {  	v58 =	vor.u32 v45, v58;
	v60 =	vshll.u32 v57, $0x6;
	v4 =	vadd.f32 v4, v52  }
0x454: {  	v61 =	vor.u32 v0, v60;
	v1 =	vadd.f32 v1, v53  }
0x455: {  	v2 =	vadd.f32 v2, v54;
	[tilespmem:v55+s19+$0x0] =	vst.idx.msk $0xffff, v4;
	v4 =	vor.u32 v16, v60  }
0x456: {  	v3 =	vadd.f32 v3, v6;
	[tilespmem:v56+s19+$0x0] =	vst.idx.msk $0xffff, v1;
	v1 =	vor.u32 v17, v60  }
0x457: {  	[tilespmem:v59+s19+$0x0] =	vst.idx.msk $0xffff, v2;
	v2 =	vor.u32 v18, v60  }
0x458: {  	[tilespmem:v58+s19+$0x0] =	vst.idx.msk $0xffff, v3  }
0x459: {  	v3 =	vld.idx.msk [tilespmem:v61+s15+$0x0], $0xffff  }
0x45a: {  	v57 =	vand.u32 $0x78, v57;
	v4 =	vld.idx.msk [tilespmem:v4+s15+$0x0], $0xffff  }
0x45b: {  	v55 =	vor.u32 v46, v57;
	v1 =	vld.idx.msk [tilespmem:v1+s15+$0x0], $0xffff  }
0x45c: {  	v56 =	vor.u32 v47, v57;
	v2 =	vld.idx.msk [tilespmem:v2+s15+$0x0], $0xffff  }
0x45d: {  	v59 =	vor.u32 v48, v57;
	v58 =	vor.u32 s25, v21  }
0x45e: {  	v60 =	vshll.u32 v58, $0x6;
	v3 =	vadd.f32 v3, v52  }
0x45f: {  	v57 =	vor.u32 v49, v57;
	v61 =	vor.u32 v0, v60;
	v4 =	vadd.f32 v4, v53  }
0x460: {  	v58 =	vand.u32 $0x78, v58;
	v1 =	vadd.f32 v1, v54;
	[tilespmem:v55+s19+$0x0] =	vst.idx.msk $0xffff, v3;
	v3 =	vor.u32 v16, v60  }
0x461: {  	v0 =	vmov v50;
	v2 =	vadd.f32 v2, v6;
	[tilespmem:v56+s19+$0x0] =	vst.idx.msk $0xffff, v4;
	v4 =	vor.u32 v17, v60  }
0x462: {  	[tilespmem:v59+s19+$0x0] =	vst.idx.msk $0xffff, v1;
	v1 =	vor.u32 v18, v60;
	v60 =	vor.u32 v50, v58;
	v50 =	vmov v49  }
0x463: {  	v49 =	vmovc v48;
	v48 =	vmovc v47;
	v47 =	vmov v46;
	v46 =	vmov v45;
	v45 =	vmov v44  }
0x464: {  	v44 =	vmovc v43;
	v43 =	vmovc v42;
	v42 =	vmov v41;
	v41 =	vmov v40;
	v40 =	vmov v39  }
0x465: {  	v39 =	vmovc v38;
	v38 =	vmovc v37;
	v37 =	vmov v36;
	v36 =	vmov v35;
	v35 =	vmov v34  }
0x466: {  	v34 =	vmovc v33;
	v33 =	vmovc v32;
	v32 =	vmov v31;
	v31 =	vmov v30;
	v30 =	vmov v29  }
0x467: {  	v29 =	vmovc v28;
	v28 =	vmovc v27;
	v27 =	vmov v26;
	v26 =	vmov v25;
	v25 =	vmov v24  }
0x468: {  	v24 =	vmovc v23;
	v23 =	vmovc v22;
	v22 =	vmov v21;
	v21 =	vmov v20;
	v20 =	vmov v19  }
0x469: {  	s28 =	smov.u32 s26;
	v19 =	vmovc v15;
	v15 =	vmovc v14;
	v14 =	vmov v13;
	v13 =	vmov v12;
	v12 =	vmov v11  }
0x46a: {  	s25 =	smov.u32 s28;
	v11 =	vmovc v10;
	v10 =	vmovc v9;
	v9 =	vmov v8;
	v8 =	vmov v5;
	[tilespmem:v57+s19+$0x0] =	vst.idx.msk $0xffff, v2;
	v57 =	vlaneseq.u32  }
0x46b: {  	v63 =	vor.u32 v63, v58;
	v56 =	vor.u32 v7, v58;
	v55 =	vor.u32 s25, v57  }
0x46c: {  	v5 =	vmovc v62;
	v62 =	vor.u32 v51, v58;
	v7 =	vmovc v8;
	v2 =	vld.idx.msk [tilespmem:v61+s15+$0x0], $0xffff;
	v61 =	vshll.u32 v55, $0x6;
	v55 =	vand.u32 $0x78, v55  }
0x46d: {  	v8 =	vmovc v9;
	v9 =	vmovc v10;
	v10 =	vmov v11;
	v11 =	vmov v12;
	v12 =	vmov v13  }
0x46e: {  	v13 =	vmovc v14;
	v14 =	vmovc v15;
	v15 =	vmov v19;
	v19 =	vmov v20;
	v20 =	vmov v21  }
0x46f: {  	v3 =	vld.idx.msk [tilespmem:v3+s15+$0x0], $0xffff;
	v21 =	vmovc v22;
	v22 =	vmovc v23;
	v23 =	vmov v24;
	v24 =	vmov v25;
	v25 =	vmov v26  }
0x470: {  	v26 =	vmovc v27;
	v27 =	vmovc v28;
	v28 =	vmov v29;
	v29 =	vmov v30;
	v30 =	vmov v31;
	v4 =	vld.idx.msk [tilespmem:v4+s15+$0x0], $0xffff  }
0x471: {  	v31 =	vmovc v32;
	v32 =	vmovc v33;
	v33 =	vmov v34;
	v34 =	vmov v35;
	v35 =	vmov v36  }
0x472: {  	p0 =	sne.s32 s26, $0x70;
	v36 =	vmovc v37;
	v37 =	vmovc v38;
	v38 =	vmov v39;
	v39 =	vmov v40;
	v40 =	vmov v41;
	v1 =	vld.idx.msk [tilespmem:v1+s15+$0x0], $0xffff  }
.Ltmp1:
0x473: {  	v41 =	vmovc v42;
	v42 =	vmovc v43;
	v43 =	vmov v44;
	v44 =	vmov v45;
	v2 =	vadd.f32 v2, v52;
	(pc) =	sbr.rel @p0 .LBB2_5-.Ltmp1, $4  }
0x474: {  	v45 =	vmovc v46;
	v46 =	vmovc v47;
	v47 =	vmov v48;
	v48 =	vmov v49;
	v3 =	vadd.f32 v3, v53  }
0x475: {  	v49 =	vmov v50;
	v57 =	vor.u32 v57, v61;
	v4 =	vadd.f32 v4, v54;
	[tilespmem:v60+s19+$0x0] =	vst.idx.msk $0xffff, v2  }
0x476: {  	v50 =	vmov v0;
	v58 =	vor.u32 v16, v61;
	v59 =	vor.u32 v17, v61;
	[tilespmem:v62+s19+$0x0] =	vst.idx.msk $0xffff, v3  }
0x477: {  	s26 =	sadd.s32 $0x10, s26;
	v0 =	vlaneseq.u32;
	v60 =	vor.u32 v18, v61;
	v61 =	vadd.f32 v1, v6;
	v62 =	vmovc v5;
	[tilespmem:v63+s19+$0x0] =	vst.idx.msk $0xffff, v4  }
0x478: {  	_ =	sdelay $0x3  }
0x479: {  	v6 =	vld [tilespmem:$0x1FF80];
	[tilespmem:v56+s19+$0x0] =	vst.idx.msk $0xffff, v61  }
0x47a: {  	v1 =	vld.idx.msk [tilespmem:v57+s15+$0x0], $0xffff  }
0x47b: {  	v2 =	vld.idx.msk [tilespmem:v58+s15+$0x0], $0xffff  }
0x47c: {  	v4 =	vor.u32 v22, v55;
	v3 =	vld.idx.msk [tilespmem:v59+s15+$0x0], $0xffff  }
0x47d: {  	v56 =	vld.idx.msk [tilespmem:v60+s15+$0x0], $0xffff;
	v57 =	vor.u32 v23, v55  }
0x47e: {  	v58 =	vor.u32 s25, v62;
	v59 =	vor.u32 v24, v55  }
0x47f: {  	v55 =	vor.u32 v25, v55;
	v60 =	vshll.u32 v58, $0x6;
	v1 =	vadd.f32 v1, v52  }
0x480: {  	v61 =	vor.u32 v0, v60;
	v2 =	vadd.f32 v2, v53  }
0x481: {  	v3 =	vadd.f32 v3, v54;
	[tilespmem:v4+s19+$0x0] =	vst.idx.msk $0xffff, v1;
	v1 =	vor.u32 v16, v60  }
0x482: {  	v4 =	vadd.f32 v56, v6;
	[tilespmem:v57+s19+$0x0] =	vst.idx.msk $0xffff, v2;
	v2 =	vor.u32 v17, v60  }
0x483: {  	[tilespmem:v59+s19+$0x0] =	vst.idx.msk $0xffff, v3;
	v3 =	vor.u32 v18, v60  }
0x484: {  	v5 =	vld [tilespmem:$0x1FF90];
	[tilespmem:v55+s19+$0x0] =	vst.idx.msk $0xffff, v4  }
0x485: {  	v4 =	vld.idx.msk [tilespmem:v61+s15+$0x0], $0xffff  }
0x486: {  	v60 =	vand.u32 $0x78, v58;
	v1 =	vld.idx.msk [tilespmem:v1+s15+$0x0], $0xffff  }
0x487: {  	v56 =	vor.u32 v26, v60;
	v2 =	vld.idx.msk [tilespmem:v2+s15+$0x0], $0xffff  }
0x488: {  	v57 =	vor.u32 v27, v60;
	v3 =	vld.idx.msk [tilespmem:v3+s15+$0x0], $0xffff  }
0x489: {  	v58 =	vor.u32 s25, v5;
	v59 =	vor.u32 v28, v60  }
0x48a: {  	v55 =	vor.u32 v29, v60;
	v60 =	vshll.u32 v58, $0x6;
	v4 =	vadd.f32 v4, v52  }
0x48b: {  	v61 =	vor.u32 v0, v60;
	v1 =	vadd.f32 v1, v53  }
0x48c: {  	v2 =	vadd.f32 v2, v54;
	[tilespmem:v56+s19+$0x0] =	vst.idx.msk $0xffff, v4;
	v4 =	vor.u32 v16, v60  }
0x48d: {  	v3 =	vadd.f32 v3, v6;
	[tilespmem:v57+s19+$0x0] =	vst.idx.msk $0xffff, v1;
	v1 =	vor.u32 v17, v60  }
0x48e: {  	[tilespmem:v59+s19+$0x0] =	vst.idx.msk $0xffff, v2;
	v2 =	vor.u32 v18, v60  }
0x48f: {  	v5 =	vld [tilespmem:$0x1FFA0];
	[tilespmem:v55+s19+$0x0] =	vst.idx.msk $0xffff, v3  }
0x490: {  	v3 =	vld.idx.msk [tilespmem:v61+s15+$0x0], $0xffff  }
0x491: {  	v61 =	vand.u32 $0x78, v58;
	v4 =	vld.idx.msk [tilespmem:v4+s15+$0x0], $0xffff  }
0x492: {  	v56 =	vor.u32 v30, v61;
	v1 =	vld.idx.msk [tilespmem:v1+s15+$0x0], $0xffff  }
0x493: {  	v57 =	vor.u32 v31, v61;
	v2 =	vld.idx.msk [tilespmem:v2+s15+$0x0], $0xffff  }
0x494: {  	v58 =	vor.u32 s25, v5;
	v59 =	vor.u32 v32, v61  }
0x495: {  	v55 =	vor.u32 v33, v61;
	v60 =	vshll.u32 v58, $0x6;
	v3 =	vadd.f32 v3, v52  }
0x496: {  	v61 =	vor.u32 v0, v60;
	v4 =	vadd.f32 v4, v53  }
0x497: {  	v1 =	vadd.f32 v1, v54;
	[tilespmem:v56+s19+$0x0] =	vst.idx.msk $0xffff, v3;
	v3 =	vor.u32 v16, v60  }
0x498: {  	v2 =	vadd.f32 v2, v6;
	[tilespmem:v57+s19+$0x0] =	vst.idx.msk $0xffff, v4;
	v4 =	vor.u32 v17, v60  }
0x499: {  	[tilespmem:v59+s19+$0x0] =	vst.idx.msk $0xffff, v1;
	v1 =	vor.u32 v18, v60  }
0x49a: {  	[tilespmem:v55+s19+$0x0] =	vst.idx.msk $0xffff, v2  }
0x49b: {  	v2 =	vld.idx.msk [tilespmem:v61+s15+$0x0], $0xffff  }
0x49c: {  	v63 =	vand.u32 $0x78, v58;
	v3 =	vld.idx.msk [tilespmem:v3+s15+$0x0], $0xffff  }
0x49d: {  	v56 =	vor.u32 v34, v63;
	v4 =	vld.idx.msk [tilespmem:v4+s15+$0x0], $0xffff  }
0x49e: {  	v57 =	vor.u32 v35, v63;
	v1 =	vld.idx.msk [tilespmem:v1+s15+$0x0], $0xffff  }
0x49f: {  	v58 =	vor.u32 s25, v7;
	v59 =	vor.u32 v36, v63  }
0x4a0: {  	v60 =	vshll.u32 v58, $0x6;
	v55 =	vor.u32 v37, v63;
	v2 =	vadd.f32 v2, v52  }
0x4a1: {  	v61 =	vor.u32 v0, v60;
	v3 =	vadd.f32 v3, v53  }
0x4a2: {  	v4 =	vadd.f32 v4, v54;
	[tilespmem:v56+s19+$0x0] =	vst.idx.msk $0xffff, v2;
	v2 =	vor.u32 v16, v60  }
0x4a3: {  	v1 =	vadd.f32 v1, v6;
	[tilespmem:v57+s19+$0x0] =	vst.idx.msk $0xffff, v3;
	v3 =	vor.u32 v17, v60  }
0x4a4: {  	[tilespmem:v59+s19+$0x0] =	vst.idx.msk $0xffff, v4;
	v4 =	vor.u32 v18, v60  }
0x4a5: {  	[tilespmem:v55+s19+$0x0] =	vst.idx.msk $0xffff, v1  }
0x4a6: {  	v1 =	vld.idx.msk [tilespmem:v61+s15+$0x0], $0xffff  }
0x4a7: {  	v60 =	vand.u32 $0x78, v58;
	v2 =	vld.idx.msk [tilespmem:v2+s15+$0x0], $0xffff  }
0x4a8: {  	v56 =	vor.u32 v38, v60;
	v3 =	vld.idx.msk [tilespmem:v3+s15+$0x0], $0xffff  }
0x4a9: {  	v57 =	vor.u32 v39, v60;
	v4 =	vld.idx.msk [tilespmem:v4+s15+$0x0], $0xffff  }
0x4aa: {  	v58 =	vor.u32 s25, v8;
	v59 =	vor.u32 v40, v60  }
0x4ab: {  	v55 =	vor.u32 v41, v60;
	v60 =	vshll.u32 v58, $0x6;
	v1 =	vadd.f32 v1, v52  }
0x4ac: {  	v61 =	vor.u32 v0, v60;
	v2 =	vadd.f32 v2, v53  }
0x4ad: {  	v3 =	vadd.f32 v3, v54;
	[tilespmem:v56+s19+$0x0] =	vst.idx.msk $0xffff, v1;
	v1 =	vor.u32 v16, v60  }
0x4ae: {  	v4 =	vadd.f32 v4, v6;
	[tilespmem:v57+s19+$0x0] =	vst.idx.msk $0xffff, v2;
	v2 =	vor.u32 v17, v60  }
0x4af: {  	[tilespmem:v59+s19+$0x0] =	vst.idx.msk $0xffff, v3;
	v3 =	vor.u32 v18, v60  }
0x4b0: {  	[tilespmem:v55+s19+$0x0] =	vst.idx.msk $0xffff, v4  }
0x4b1: {  	v4 =	vld.idx.msk [tilespmem:v61+s15+$0x0], $0xffff  }
0x4b2: {  	v61 =	vand.u32 $0x78, v58;
	v1 =	vld.idx.msk [tilespmem:v1+s15+$0x0], $0xffff  }
0x4b3: {  	v56 =	vor.u32 v42, v61;
	v2 =	vld.idx.msk [tilespmem:v2+s15+$0x0], $0xffff  }
0x4b4: {  	v57 =	vor.u32 v43, v61;
	v3 =	vld.idx.msk [tilespmem:v3+s15+$0x0], $0xffff  }
0x4b5: {  	v58 =	vor.u32 s25, v10;
	v59 =	vor.u32 v44, v61  }
0x4b6: {  	v55 =	vor.u32 v45, v61;
	v60 =	vshll.u32 v58, $0x6;
	v4 =	vadd.f32 v4, v52  }
0x4b7: {  	v61 =	vor.u32 v0, v60;
	v1 =	vadd.f32 v1, v53  }
0x4b8: {  	v2 =	vadd.f32 v2, v54;
	[tilespmem:v56+s19+$0x0] =	vst.idx.msk $0xffff, v4;
	v4 =	vor.u32 v16, v60  }
0x4b9: {  	v3 =	vadd.f32 v3, v6;
	[tilespmem:v57+s19+$0x0] =	vst.idx.msk $0xffff, v1;
	v1 =	vor.u32 v17, v60  }
0x4ba: {  	[tilespmem:v59+s19+$0x0] =	vst.idx.msk $0xffff, v2;
	v2 =	vor.u32 v18, v60  }
0x4bb: {  	[tilespmem:v55+s19+$0x0] =	vst.idx.msk $0xffff, v3  }
0x4bc: {  	v3 =	vld.idx.msk [tilespmem:v61+s15+$0x0], $0xffff  }
0x4bd: {  	v63 =	vand.u32 $0x78, v58;
	v4 =	vld.idx.msk [tilespmem:v4+s15+$0x0], $0xffff  }
0x4be: {  	v56 =	vor.u32 v46, v63;
	v1 =	vld.idx.msk [tilespmem:v1+s15+$0x0], $0xffff  }
0x4bf: {  	v57 =	vor.u32 v47, v63;
	v2 =	vld.idx.msk [tilespmem:v2+s15+$0x0], $0xffff  }
0x4c0: {  	v59 =	vor.u32 v48, v63  }
0x4c1: {  	v58 =	vor.u32 s25, v11;
	v55 =	vor.u32 v49, v63;
	v3 =	vadd.f32 v3, v52  }
0x4c2: {  	v60 =	vshll.u32 v58, $0x6;
	v4 =	vadd.f32 v4, v53  }
0x4c3: {  	v61 =	vor.u32 v0, v60;
	v1 =	vadd.f32 v1, v54;
	[tilespmem:v56+s19+$0x0] =	vst.idx.msk $0xffff, v3  }
0x4c4: {  	v3 =	vor.u32 v16, v60;
	v2 =	vadd.f32 v2, v6;
	[tilespmem:v57+s19+$0x0] =	vst.idx.msk $0xffff, v4  }
0x4c5: {  	v4 =	vor.u32 v17, v60;
	[tilespmem:v59+s19+$0x0] =	vst.idx.msk $0xffff, v1  }
0x4c6: {  	v63 =	vld [tilespmem:$0x1FFC0];
	v1 =	vor.u32 v18, v60;
	[tilespmem:v55+s19+$0x0] =	vst.idx.msk $0xffff, v2;
	v55 =	vand.u32 $0x78, v58  }
0x4c7: {  	v5 =	vmov v51;
	v57 =	vor.u32 v51, v55;
	v51 =	vld [tilespmem:$0x1FFB0]  }
0x4c8: {  	v2 =	vld.idx.msk [tilespmem:v61+s15+$0x0], $0xffff  }
0x4c9: {  	v3 =	vld.idx.msk [tilespmem:v3+s15+$0x0], $0xffff  }
0x4ca: {  	v56 =	vor.u32 v50, v55;
	v4 =	vld.idx.msk [tilespmem:v4+s15+$0x0], $0xffff  }
0x4cb: {  	v1 =	vld.idx.msk [tilespmem:v1+s15+$0x0], $0xffff  }
0x4cc: {  	v58 =	vor.u32 s25, v9;
	v59 =	vor.u32 v51, v55  }
0x4cd: {  	v60 =	vshll.u32 v58, $0x6;
	v2 =	vadd.f32 v2, v52;
	v55 =	vor.u32 v63, v55  }
0x4ce: {  	v61 =	vor.u32 v0, v60;
	v3 =	vadd.f32 v3, v53  }
0x4cf: {  	v4 =	vadd.f32 v4, v54;
	[tilespmem:v56+s19+$0x0] =	vst.idx.msk $0xffff, v2;
	v2 =	vor.u32 v16, v60  }
0x4d0: {  	v1 =	vadd.f32 v1, v6;
	[tilespmem:v57+s19+$0x0] =	vst.idx.msk $0xffff, v3;
	v3 =	vor.u32 v17, v60  }
0x4d1: {  	[tilespmem:v59+s19+$0x0] =	vst.idx.msk $0xffff, v4;
	v4 =	vor.u32 v18, v60  }
0x4d2: {  	[tilespmem:v55+s19+$0x0] =	vst.idx.msk $0xffff, v1  }
0x4d3: {  	v1 =	vld.idx.msk [tilespmem:v61+s15+$0x0], $0xffff  }
0x4d4: {  	v60 =	vand.u32 $0x78, v58;
	v2 =	vld.idx.msk [tilespmem:v2+s15+$0x0], $0xffff  }
0x4d5: {  	v56 =	vor.u32 v22, v60;
	v3 =	vld.idx.msk [tilespmem:v3+s15+$0x0], $0xffff  }
0x4d6: {  	v57 =	vor.u32 v23, v60;
	v4 =	vld.idx.msk [tilespmem:v4+s15+$0x0], $0xffff  }
0x4d7: {  	v58 =	vor.u32 s25, v12;
	v59 =	vor.u32 v24, v60  }
0x4d8: {  	v55 =	vor.u32 v25, v60;
	v60 =	vshll.u32 v58, $0x6;
	v1 =	vadd.f32 v1, v52  }
0x4d9: {  	v61 =	vor.u32 v0, v60;
	v2 =	vadd.f32 v2, v53  }
0x4da: {  	v3 =	vadd.f32 v3, v54;
	[tilespmem:v56+s19+$0x0] =	vst.idx.msk $0xffff, v1;
	v1 =	vor.u32 v16, v60  }
0x4db: {  	v4 =	vadd.f32 v4, v6;
	[tilespmem:v57+s19+$0x0] =	vst.idx.msk $0xffff, v2;
	v2 =	vor.u32 v17, v60  }
0x4dc: {  	[tilespmem:v59+s19+$0x0] =	vst.idx.msk $0xffff, v3;
	v3 =	vor.u32 v18, v60  }
0x4dd: {  	[tilespmem:v55+s19+$0x0] =	vst.idx.msk $0xffff, v4  }
0x4de: {  	v4 =	vld.idx.msk [tilespmem:v61+s15+$0x0], $0xffff  }
0x4df: {  	v61 =	vand.u32 $0x78, v58;
	v1 =	vld.idx.msk [tilespmem:v1+s15+$0x0], $0xffff  }
0x4e0: {  	v56 =	vor.u32 v26, v61;
	v2 =	vld.idx.msk [tilespmem:v2+s15+$0x0], $0xffff  }
0x4e1: {  	v57 =	vor.u32 v27, v61;
	v3 =	vld.idx.msk [tilespmem:v3+s15+$0x0], $0xffff  }
0x4e2: {  	v58 =	vor.u32 s25, v13;
	v59 =	vor.u32 v28, v61  }
0x4e3: {  	v55 =	vor.u32 v29, v61;
	v60 =	vshll.u32 v58, $0x6;
	v4 =	vadd.f32 v4, v52  }
0x4e4: {  	v61 =	vor.u32 v0, v60;
	v1 =	vadd.f32 v1, v53  }
0x4e5: {  	v2 =	vadd.f32 v2, v54;
	[tilespmem:v56+s19+$0x0] =	vst.idx.msk $0xffff, v4;
	v4 =	vor.u32 v16, v60  }
0x4e6: {  	v3 =	vadd.f32 v3, v6;
	[tilespmem:v57+s19+$0x0] =	vst.idx.msk $0xffff, v1;
	v1 =	vor.u32 v17, v60  }
0x4e7: {  	[tilespmem:v59+s19+$0x0] =	vst.idx.msk $0xffff, v2;
	v2 =	vor.u32 v18, v60  }
0x4e8: {  	[tilespmem:v55+s19+$0x0] =	vst.idx.msk $0xffff, v3  }
0x4e9: {  	v3 =	vld.idx.msk [tilespmem:v61+s15+$0x0], $0xffff  }
0x4ea: {  	v60 =	vand.u32 $0x78, v58;
	v4 =	vld.idx.msk [tilespmem:v4+s15+$0x0], $0xffff  }
0x4eb: {  	v56 =	vor.u32 v30, v60;
	v1 =	vld.idx.msk [tilespmem:v1+s15+$0x0], $0xffff  }
0x4ec: {  	v57 =	vor.u32 v31, v60;
	v2 =	vld.idx.msk [tilespmem:v2+s15+$0x0], $0xffff  }
0x4ed: {  	v58 =	vor.u32 s25, v14;
	v59 =	vor.u32 v32, v60  }
0x4ee: {  	v55 =	vor.u32 v33, v60;
	v60 =	vshll.u32 v58, $0x6;
	v3 =	vadd.f32 v3, v52  }
0x4ef: {  	v61 =	vor.u32 v0, v60;
	v4 =	vadd.f32 v4, v53  }
0x4f0: {  	v1 =	vadd.f32 v1, v54;
	[tilespmem:v56+s19+$0x0] =	vst.idx.msk $0xffff, v3;
	v3 =	vor.u32 v16, v60  }
0x4f1: {  	v2 =	vadd.f32 v2, v6;
	[tilespmem:v57+s19+$0x0] =	vst.idx.msk $0xffff, v4;
	v4 =	vor.u32 v17, v60  }
0x4f2: {  	[tilespmem:v59+s19+$0x0] =	vst.idx.msk $0xffff, v1;
	v1 =	vor.u32 v18, v60  }
0x4f3: {  	[tilespmem:v55+s19+$0x0] =	vst.idx.msk $0xffff, v2  }
0x4f4: {  	v2 =	vld.idx.msk [tilespmem:v61+s15+$0x0], $0xffff  }
0x4f5: {  	v61 =	vand.u32 $0x78, v58;
	v3 =	vld.idx.msk [tilespmem:v3+s15+$0x0], $0xffff  }
0x4f6: {  	v56 =	vor.u32 v34, v61;
	v4 =	vld.idx.msk [tilespmem:v4+s15+$0x0], $0xffff  }
0x4f7: {  	v57 =	vor.u32 v35, v61;
	v1 =	vld.idx.msk [tilespmem:v1+s15+$0x0], $0xffff  }
0x4f8: {  	v58 =	vor.u32 s25, v15;
	v59 =	vor.u32 v36, v61  }
0x4f9: {  	v55 =	vor.u32 v37, v61;
	v60 =	vshll.u32 v58, $0x6;
	v2 =	vadd.f32 v2, v52  }
0x4fa: {  	v61 =	vor.u32 v0, v60;
	v3 =	vadd.f32 v3, v53  }
0x4fb: {  	v4 =	vadd.f32 v4, v54;
	[tilespmem:v56+s19+$0x0] =	vst.idx.msk $0xffff, v2;
	v2 =	vor.u32 v16, v60  }
0x4fc: {  	v1 =	vadd.f32 v1, v6;
	[tilespmem:v57+s19+$0x0] =	vst.idx.msk $0xffff, v3;
	v3 =	vor.u32 v17, v60  }
0x4fd: {  	[tilespmem:v59+s19+$0x0] =	vst.idx.msk $0xffff, v4;
	v4 =	vor.u32 v18, v60  }
0x4fe: {  	[tilespmem:v55+s19+$0x0] =	vst.idx.msk $0xffff, v1  }
0x4ff: {  	v1 =	vld.idx.msk [tilespmem:v61+s15+$0x0], $0xffff  }
0x500: {  	v60 =	vand.u32 $0x78, v58;
	v2 =	vld.idx.msk [tilespmem:v2+s15+$0x0], $0xffff  }
0x501: {  	v56 =	vor.u32 v38, v60;
	v3 =	vld.idx.msk [tilespmem:v3+s15+$0x0], $0xffff  }
0x502: {  	v57 =	vor.u32 v39, v60;
	v4 =	vld.idx.msk [tilespmem:v4+s15+$0x0], $0xffff  }
0x503: {  	v58 =	vor.u32 s25, v19;
	v59 =	vor.u32 v40, v60  }
0x504: {  	v55 =	vor.u32 v41, v60;
	v60 =	vshll.u32 v58, $0x6;
	v1 =	vadd.f32 v1, v52  }
0x505: {  	v61 =	vor.u32 v0, v60;
	v2 =	vadd.f32 v2, v53  }
0x506: {  	v3 =	vadd.f32 v3, v54;
	[tilespmem:v56+s19+$0x0] =	vst.idx.msk $0xffff, v1;
	v1 =	vor.u32 v16, v60  }
0x507: {  	v4 =	vadd.f32 v4, v6;
	[tilespmem:v57+s19+$0x0] =	vst.idx.msk $0xffff, v2;
	v2 =	vor.u32 v17, v60  }
0x508: {  	[tilespmem:v59+s19+$0x0] =	vst.idx.msk $0xffff, v3;
	v3 =	vor.u32 v18, v60  }
0x509: {  	[tilespmem:v55+s19+$0x0] =	vst.idx.msk $0xffff, v4  }
0x50a: {  	v4 =	vld.idx.msk [tilespmem:v61+s15+$0x0], $0xffff  }
0x50b: {  	v61 =	vand.u32 $0x78, v58;
	v1 =	vld.idx.msk [tilespmem:v1+s15+$0x0], $0xffff  }
0x50c: {  	v56 =	vor.u32 v42, v61;
	v2 =	vld.idx.msk [tilespmem:v2+s15+$0x0], $0xffff  }
0x50d: {  	v57 =	vor.u32 v43, v61;
	v3 =	vld.idx.msk [tilespmem:v3+s15+$0x0], $0xffff  }
0x50e: {  	v58 =	vor.u32 s25, v20;
	v59 =	vor.u32 v44, v61  }
0x50f: {  	v55 =	vor.u32 v45, v61;
	v60 =	vshll.u32 v58, $0x6;
	v4 =	vadd.f32 v4, v52  }
0x510: {  	v61 =	vor.u32 v0, v60;
	v1 =	vadd.f32 v1, v53  }
0x511: {  	v2 =	vadd.f32 v2, v54;
	[tilespmem:v56+s19+$0x0] =	vst.idx.msk $0xffff, v4;
	v4 =	vor.u32 v16, v60  }
0x512: {  	v3 =	vadd.f32 v3, v6;
	[tilespmem:v57+s19+$0x0] =	vst.idx.msk $0xffff, v1;
	v1 =	vor.u32 v17, v60  }
0x513: {  	[tilespmem:v59+s19+$0x0] =	vst.idx.msk $0xffff, v2;
	v2 =	vor.u32 v18, v60  }
0x514: {  	[tilespmem:v55+s19+$0x0] =	vst.idx.msk $0xffff, v3  }
0x515: {  	v3 =	vld.idx.msk [tilespmem:v61+s15+$0x0], $0xffff  }
0x516: {  	v60 =	vand.u32 $0x78, v58;
	v4 =	vld.idx.msk [tilespmem:v4+s15+$0x0], $0xffff  }
0x517: {  	v56 =	vor.u32 v46, v60;
	v1 =	vld.idx.msk [tilespmem:v1+s15+$0x0], $0xffff  }
0x518: {  	v57 =	vor.u32 v47, v60;
	v2 =	vld.idx.msk [tilespmem:v2+s15+$0x0], $0xffff  }
0x519: {  	v58 =	vor.u32 s25, v21;
	v59 =	vor.u32 v48, v60  }
0x51a: {  	v55 =	vor.u32 v49, v60;
	v60 =	vshll.u32 v58, $0x6;
	v3 =	vadd.f32 v3, v52  }
0x51b: {  	v61 =	vor.u32 v0, v60;
	v4 =	vadd.f32 v4, v53  }
0x51c: {  	[tilespmem:v56+s19+$0x0] =	vst.idx.msk $0xffff, v3;
	v1 =	vadd.f32 v1, v54;
	v3 =	vor.u32 v16, v60  }
0x51d: {  	[tilespmem:v57+s19+$0x0] =	vst.idx.msk $0xffff, v4;
	v2 =	vadd.f32 v2, v6;
	v4 =	vor.u32 v17, v60  }
0x51e: {  	[tilespmem:v59+s19+$0x0] =	vst.idx.msk $0xffff, v1;
	v1 =	vor.u32 v18, v60  }
0x51f: {  	[tilespmem:v55+s19+$0x0] =	vst.idx.msk $0xffff, v2  }
0x520: {  	v2 =	vld.idx.msk [tilespmem:v61+s15+$0x0], $0xffff  }
0x521: {  	v3 =	vld.idx.msk [tilespmem:v3+s15+$0x0], $0xffff  }
0x522: {  	v61 =	vand.u32 $0x78, v58;
	v4 =	vld.idx.msk [tilespmem:v4+s15+$0x0], $0xffff  }
0x523: {  	v56 =	vor.u32 v50, v61;
	v1 =	vld.idx.msk [tilespmem:v1+s15+$0x0], $0xffff  }
0x524: {  	v60 =	vor.u32 v5, v61  }
0x525: {  	v58 =	vor.u32 v51, v61  }
0x526: {  	s23 =	sadd.s32 $0x1, s23;
	v61 =	vor.u32 v63, v61;
	v2 =	vadd.f32 v2, v52  }
0x527: {  	p0 =	sne.s32 s23, $0x64;
	v3 =	vadd.f32 v3, v53  }
.Ltmp2:
0x528: {  	s24 =	sshll.u32 s24, $0x12;
	[tilespmem:v56+s19+$0x0] =	vst.idx.msk $0xffff, v2;
	v2 =	vadd.f32 v4, v54;
	v1 =	vadd.f32 v1, v6;
	(pc) =	sbr.rel @p0 .LBB2_2-.Ltmp2, $4  }
0x529: {  	s24 =	sor.u32 s4, s24;
	[tilespmem:v60+s19+$0x0] =	vst.idx.msk $0xffff, v3  }
0x52a: {  	s24 =	sshrl.u32 s24, $0x3;
	[tilespmem:v58+s19+$0x0] =	vst.idx.msk $0xffff, v2  }
0x52b: {  	s24 =	sadd.s32 s1, s24;
	[tilespmem:v61+s19+$0x0] =	vst.idx.msk $0xffff, v1  }
0x52c: {  	[hbm4b:s24+s11] =	stream.strided.scatter [tilespmem:s19], [sflag:$0x4], $0x2000, s12, s11, $0x38;
	v2 =	vmov v63;
	v1 =	vmov v51;
	[tilespmem:$0x11600] =	vst v63  }
0x52d: {  	s22 =	sadd.s32 $0x1, s22  }
0x52e: {  	_ =	swait.ge [sflag:s20], $0x2000;
	p0 =	sne.s32 s22, s8  }
.Ltmp3:
0x52f: {  	[sflag:s20] =	ssyncset.done $0x0;
	(pc) =	sbr.rel @p0 .LBB2_1-.Ltmp3, $4  }
0x530: {  	[sflag:s20] =	ssyncadd.s32 $0xFFFFE000  }
0x531: {  	_ =	swait.ge [sflag:s21], $0x2000  }
0x532: {  	[sflag:s21] =	ssyncset.done $0x0  }
0x533: {  	[sflag:s21] =	ssyncadd.s32 $0xFFFFE000  }
0x534: {  	_ =	sfence.sel $0x180000  }
0x535: {  	[bflag:$0x0] =	sbarrier.arrive $0xFFFF  }
0x536: {  	p0 =	sne.s32 s2, $0x0;
	_ =	strace $0x90000047  }
0x537: {  	s0 =	sadd.s32 @!p0 $0x100000, s0;
	[bflag:$0x2] =	sbarrier.arrive $0xFFFF  }
0x538: {  	[sflag:s0] =	ssyncadd.tile.s32 @!p0 $0x1;
	_ =	shalt  }
.Lfunc_end2:
_tile_overlayer_lowered:
.L_overlay_start_2:
0x539: {  	(tag) =	ssettag $0x2  }
0x53a: {  	s0 =	rddreg [dreg:$0x0];
	s2 =	stileid.u32  }
0x53b: {  	s1 =	rddreg [dreg:$0x1];
	p0 =	sne.s32 s2, $0x0  }
0x53c: {  	s3 =	rddreg [dreg:$0x2];
	[bflag:$0x3] =	sbarrier.arrive $0xFFFF;
	s2 =	simm.s32 @!p0 $0x1C05  }
0x53d: {  	[timem:s3], [sflag:s2] =	dma.local @!p0 [hbm:s0], s1  }
0x53e: {  	s0 =	simm.s32 @!p0 $0x5  }
0x53f: {  	_ =	swait.ge @!p0 [sflag:s0], s1  }
0x540: {  	s1 =	ssub.s32 @!p0 $0x0, s1;
	[sflag:s0] =	ssyncset.done @!p0 $0x0  }
0x541: {  	[sflag:s0] =	ssyncadd.s32 @!p0 s1  }
0x542: {  	[bflag:$0x3] =	sbarrier.arrive $0xFFFF  }
0x543: {  	_ =	shalt  }

</sc_bundles>
